<compile_context>
chip_gen: v7x
topology: tpu7x:2x2x1
jax: 0.10.2.dev20260603
libtpu: 0.0.44.dev20260713+nightly
codegen_flags: <defaults>
</compile_context>

<pallas_src>
import functools

import jax
import jax.numpy as jnp
from jax import lax
from jax.experimental import pallas as pl
from jax.experimental.pallas import tpu as pltpu
from jax.experimental.pallas import tpu_sc as plsc

HIDDEN = 1024
FFN = 512
NUM_EXPERTS = 8
TOP_K = 2
T = 2048
P = T * TOP_K
M = 512
NB = 15
NR = NB * M
CHUNK = 512


def _route_body(x_ref, rw_ref, tw0_ref, tw1_ref, dk0_ref, dk1_ref,
                bexp_ref, nv_ref, oh0_s, oh1_s, r0_s, r1_s):
    x = x_ref[...]
    logits = jnp.dot(x, rw_ref[...], preferred_element_type=jnp.float32)
    lane = jax.lax.broadcasted_iota(jnp.int32, logits.shape, 1)
    m1 = jnp.max(logits, axis=-1, keepdims=True)
    i1 = jnp.min(jnp.where(logits == m1, lane, NUM_EXPERTS), axis=-1,
                 keepdims=True)
    oh0 = lane == i1
    masked = jnp.where(oh0, -jnp.inf, logits)
    m2 = jnp.max(masked, axis=-1, keepdims=True)
    i2 = jnp.min(jnp.where(masked == m2, lane, NUM_EXPERTS), axis=-1,
                 keepdims=True)
    oh1 = lane == i2
    e1 = jnp.exp(m1 - m1)
    e2 = jnp.exp(m2 - m1)
    s = e1 + e2
    ones_lg = jnp.ones((1, 128), jnp.float32)
    tw0_ref[...] = (e1 / s) * ones_lg
    tw1_ref[...] = (e2 / s) * ones_lg
    oh0_s[...] = oh0.astype(jnp.float32)
    oh1_s[...] = oh1.astype(jnp.float32)

    tri = (jax.lax.broadcasted_iota(jnp.int32, (CHUNK, CHUNK), 0)
           > jax.lax.broadcasted_iota(jnp.int32, (CHUNK, CHUNK), 1)
           ).astype(jnp.float32)

    zero8 = jnp.zeros((1, NUM_EXPERTS), jnp.float32)
    cnt0, cnt1 = zero8, zero8
    for c in range(T // CHUNK):
        o0 = oh0_s[pl.ds(c * CHUNK, CHUNK), :]
        o1 = oh1_s[pl.ds(c * CHUNK, CHUNK), :]
        r0_s[pl.ds(c * CHUNK, CHUNK), :] = (
            jnp.dot(tri, o0, preferred_element_type=jnp.float32) + cnt0)
        r1_s[pl.ds(c * CHUNK, CHUNK), :] = (
            jnp.dot(tri, o1, preferred_element_type=jnp.float32) + cnt1)
        cnt0 = cnt0 + jnp.sum(o0, axis=0, keepdims=True)
        cnt1 = cnt1 + jnp.sum(o1, axis=0, keepdims=True)
    cnt = cnt0 + cnt1
    nb = jnp.floor((cnt + (M - 1)) * (1.0 / M))
    pc = nb * M
    e_iota0 = jax.lax.broadcasted_iota(jnp.int32, (NUM_EXPERTS, NUM_EXPERTS), 0)
    e_iota1 = jax.lax.broadcasted_iota(jnp.int32, (NUM_EXPERTS, NUM_EXPERTS), 1)
    excl = (e_iota0 < e_iota1).astype(jnp.float32)
    incl = (e_iota0 <= e_iota1).astype(jnp.float32)
    padoff = jnp.dot(pc, excl, preferred_element_type=jnp.float32)
    cumnb = jnp.dot(nb, incl, preferred_element_type=jnp.float32)

    d0 = jnp.sum((padoff + r0_s[...]) * oh0_s[...], axis=-1, keepdims=True)
    d1 = jnp.sum((padoff + cnt0 + r1_s[...]) * oh1_s[...], axis=-1,
                 keepdims=True)
    dk0_ref[...] = d0.astype(jnp.int32)
    dk1_ref[...] = d1.astype(jnp.int32)

    b_iota = jax.lax.broadcasted_iota(jnp.int32, (1, NB), 1).astype(jnp.float32)
    b_iota = jnp.minimum(b_iota, cumnb[0, NUM_EXPERTS - 1] - 1.0)
    bexp = jnp.zeros((1, NB), jnp.float32)
    for e in range(NUM_EXPERTS):
        bexp = bexp + jnp.where(b_iota >= cumnb[0, e], 1.0, 0.0)
    bexp_ref[...] = jnp.minimum(bexp, NUM_EXPERTS - 1).astype(jnp.int32)
    nv_ref[...] = cumnb[0:1, NUM_EXPERTS - 1:NUM_EXPERTS].astype(jnp.int32)


def _route(x, rw):
    return pl.pallas_call(
        _route_body,
        in_specs=[
            pl.BlockSpec((T, HIDDEN), lambda: (0, 0)),
            pl.BlockSpec((HIDDEN, NUM_EXPERTS), lambda: (0, 0)),
        ],
        out_specs=[
            pl.BlockSpec((T, 128), lambda: (0, 0)),
            pl.BlockSpec((T, 128), lambda: (0, 0)),
            pl.BlockSpec((T, 1), lambda: (0, 0)),
            pl.BlockSpec((T, 1), lambda: (0, 0)),
            pl.BlockSpec((1, NB), lambda: (0, 0)),
            pl.BlockSpec((1, 1), lambda: (0, 0)),
        ],
        out_shape=[
            jax.ShapeDtypeStruct((T, 128), jnp.float32),
            jax.ShapeDtypeStruct((T, 128), jnp.float32),
            jax.ShapeDtypeStruct((T, 1), jnp.int32),
            jax.ShapeDtypeStruct((T, 1), jnp.int32),
            jax.ShapeDtypeStruct((1, NB), jnp.int32),
            jax.ShapeDtypeStruct((1, 1), jnp.int32),
        ],
        scratch_shapes=[pltpu.VMEM((T, NUM_EXPERTS), jnp.float32)] * 4,
    )(x, rw)


def _gmm_body(bexp_ref, nv_ref, xs_ref, ws_ref, g_ref, u_ref, d_ref, ys_ref):
    b = pl.program_id(0)

    @pl.when(b < nv_ref[0])
    def _():
        xb = xs_ref[...].astype(jnp.bfloat16)
        a = jnp.dot(xb, g_ref[0].astype(jnp.bfloat16),
                    preferred_element_type=jnp.float32)
        u = jnp.dot(xb, u_ref[0].astype(jnp.bfloat16),
                    preferred_element_type=jnp.float32)
        w = ws_ref[...][:, 0:1]
        h = (jax.nn.silu(a) * u * w).astype(jnp.bfloat16)
        ys_ref[...] = jnp.dot(h, d_ref[0].astype(jnp.bfloat16),
                              preferred_element_type=jnp.float32)


def _gmm(bexp, nv, xs, ws, gw, uw, dw):
    grid_spec = pltpu.PrefetchScalarGridSpec(
        num_scalar_prefetch=2,
        grid=(NB,),
        in_specs=[
            pl.BlockSpec((M, HIDDEN),
                         lambda b, be, nv: (jnp.where(b < nv[0], b, 0), 0)),
            pl.BlockSpec((M, 128),
                         lambda b, be, nv: (jnp.where(b < nv[0], b, 0), 0)),
            pl.BlockSpec((1, HIDDEN, FFN),
                         lambda b, be, nv: (be[b], 0, 0)),
            pl.BlockSpec((1, HIDDEN, FFN),
                         lambda b, be, nv: (be[b], 0, 0)),
            pl.BlockSpec((1, FFN, HIDDEN),
                         lambda b, be, nv: (be[b], 0, 0)),
        ],
        out_specs=pl.BlockSpec(
            (M, HIDDEN), lambda b, be, nv: (jnp.where(b < nv[0], b, NB), 0)),
    )
    return pl.pallas_call(
        _gmm_body,
        grid_spec=grid_spec,
        out_shape=jax.ShapeDtypeStruct((NR + M, HIDDEN), jnp.float32),
    )(bexp, nv, xs, ws, gw, uw, dw)


NW = 32
TOK_W = T // NW
SCCH = 32
LG = 16


@functools.cache
def _sc_kernels():
    mesh = plsc.VectorSubcoreMesh(core_axis_name="c", subcore_axis_name="s",
                                  num_cores=2, num_subcores=16)

    @functools.partial(
        pl.kernel,
        out_type=[
            jax.ShapeDtypeStruct((NR, HIDDEN), jnp.float32),
            jax.ShapeDtypeStruct((NR, 128), jnp.float32),
        ],
        mesh=mesh,
        scratch_types=[
            pltpu.VMEM((TOK_W, HIDDEN), jnp.float32),
            pltpu.VMEM((TOK_W,), jnp.int32),
            pltpu.VMEM((TOK_W,), jnp.int32),
            pltpu.VMEM((TOK_W, 128), jnp.float32),
            pltpu.VMEM((TOK_W, 128), jnp.float32),
            pltpu.SemaphoreType.DMA,
            pltpu.SemaphoreType.DMA,
            pltpu.SemaphoreType.DMA,
            pltpu.SemaphoreType.DMA,
            pltpu.SemaphoreType.DMA,
        ],
    )
    def _scatter_k(x_hbm, dk0_hbm, dk1_hbm, tw0_hbm, tw1_hbm, xs_hbm, ws_hbm,
                   xv, i0v, i1v, w0v, w1v, s0, s1, s2, s3, s4):
        wid = lax.axis_index("s") * 2 + lax.axis_index("c")
        base = wid * TOK_W
        cps = [
            pltpu.async_copy(x_hbm.at[pl.ds(base, TOK_W)], xv, s0),
            pltpu.async_copy(dk0_hbm.at[pl.ds(base, TOK_W)], i0v, s1),
            pltpu.async_copy(dk1_hbm.at[pl.ds(base, TOK_W)], i1v, s2),
            pltpu.async_copy(tw0_hbm.at[pl.ds(base, TOK_W)], w0v, s3),
            pltpu.async_copy(tw1_hbm.at[pl.ds(base, TOK_W)], w1v, s4),
        ]
        for cp in cps:
            cp.wait()
        cps = [
            pltpu.async_copy(xv, xs_hbm.at[i0v], s0),
            pltpu.async_copy(xv, xs_hbm.at[i1v], s1),
            pltpu.async_copy(w0v, ws_hbm.at[i0v], s2),
            pltpu.async_copy(w1v, ws_hbm.at[i1v], s3),
        ]
        for cp in cps:
            cp.wait()

    CCH = 16
    NCH = TOK_W // CCH

    @functools.partial(
        pl.kernel,
        out_type=jax.ShapeDtypeStruct((T, HIDDEN), jnp.float32),
        mesh=mesh,
        scratch_types=[
            pltpu.VMEM((2, CCH, HIDDEN), jnp.float32),
            pltpu.VMEM((2, CCH, HIDDEN), jnp.float32),
            pltpu.VMEM((TOK_W,), jnp.int32),
            pltpu.VMEM((TOK_W,), jnp.int32),
            pltpu.SemaphoreType.DMA,
            pltpu.SemaphoreType.DMA,
            pltpu.SemaphoreType.DMA,
            pltpu.SemaphoreType.DMA,
            pltpu.SemaphoreType.DMA,
        ],
    )
    def _combine_k(ys_hbm, dk0_hbm, dk1_hbm, out_hbm,
                   ya, yb, i0v, i1v, sa0, sa1, sb0, sb1, sw):
        wid = lax.axis_index("s") * 2 + lax.axis_index("c")
        base = wid * TOK_W
        cp0 = pltpu.async_copy(dk0_hbm.at[pl.ds(base, TOK_W)], i0v, sa0)
        cp1 = pltpu.async_copy(dk1_hbm.at[pl.ds(base, TOK_W)], i1v, sb0)
        cp0.wait()
        cp1.wait()
        sa = [sa0, sa1]
        sb = [sb0, sb1]

        def gather(c):
            buf = c % 2
            ca = pltpu.async_copy(
                ys_hbm.at[i0v.at[pl.ds(c * CCH, CCH)]], ya.at[buf], sa[buf])
            cb = pltpu.async_copy(
                ys_hbm.at[i1v.at[pl.ds(c * CCH, CCH)]], yb.at[buf], sb[buf])
            return ca, cb

        pend = gather(0)
        wr = None
        for c in range(NCH):
            buf = c % 2
            ca, cb = pend
            if wr is not None:
                wr.wait()
            if c + 1 < NCH:
                pend = gather(c + 1)
            ca.wait()
            cb.wait()

            @plsc.parallel_loop(0, CCH * (HIDDEN // LG), 1, unroll=8)
            def _add(g):
                i = g // (HIDDEN // LG)
                j = g % (HIDDEN // LG)
                ya[buf, i, pl.ds(j * LG, LG)] = (
                    ya[buf, i, pl.ds(j * LG, LG)]
                    + yb[buf, i, pl.ds(j * LG, LG)])
            wr = pltpu.async_copy(
                ya.at[buf], out_hbm.at[pl.ds(base + c * CCH, CCH)], sw)
        wr.wait()

    return _scatter_k, _combine_k


def kernel(hidden_states, router_w, gate_w, up_w, down_w):
    B, S, H = hidden_states.shape
    scatter_k, combine_k = _sc_kernels()
    x = hidden_states.reshape(-1, H)
    tw0, tw1, dk0, dk1, bexp, nv = _route(x, router_w)
    dk0 = dk0.reshape(-1)
    dk1 = dk1.reshape(-1)
    xs, ws = scatter_k(x, dk0, dk1, tw0, tw1)
    ys = _gmm(bexp.reshape(-1), nv.reshape(-1), xs, ws,
              gate_w, up_w, down_w)
    out = combine_k(ys, dk0, dk1)
    return out.reshape(B, S, H)

# --- scband reference (transcript-rebuilt; emitter-appended) ---
"""Pipeline reference for scband-cpuqwen3-moe-mo-emlpmodule-40450001994271 (READ-ONLY COPY).

The authoritative reference and input builder live on the scoring server;
editing this copy changes nothing except your own understanding.
"""

import jax, jax.numpy as jnp
import numpy as np

HIDDEN = 1024
FFN = 512
NUM_EXPERTS = 8
TOP_K = 2
BATCH = 1
SEQ = 2048


def setup_inputs(seed: int = 0) -> dict:
    key = jax.random.key(seed)
    ks = jax.random.split(key, 5)
    hidden_states = jax.random.normal(ks[0], (BATCH, SEQ, HIDDEN), dtype=jnp.float32)
    # router gate: nn.Linear(hidden_size, num_experts, bias=False) -> stored as [H, E] for x @ W
    router_w = jax.random.normal(ks[1], (HIDDEN, NUM_EXPERTS), dtype=jnp.float32) * 0.02
    # per-expert Qwen3MoeMLP weights: gate_proj / up_proj [H, F], down_proj [F, H]
    gate_w = jax.random.normal(ks[2], (NUM_EXPERTS, HIDDEN, FFN), dtype=jnp.float32) * 0.02
    up_w = jax.random.normal(ks[3], (NUM_EXPERTS, HIDDEN, FFN), dtype=jnp.float32) * 0.02
    down_w = jax.random.normal(ks[4], (NUM_EXPERTS, FFN, HIDDEN), dtype=jnp.float32) * 0.02
    return {"hidden_states": hidden_states, "router_w": router_w, "gate_w": gate_w, "up_w": up_w, "down_w": down_w}


def reference(hidden_states, router_w, gate_w, up_w, down_w):
    B, S, H = hidden_states.shape
    x = hidden_states.reshape(-1, H)
    T = x.shape[0]
    # router
    router_logits = x @ router_w  # [T, E]
    routing_weights = jax.nn.softmax(router_logits.astype(jnp.float32), axis=-1)
    topw, topi = jax.lax.top_k(routing_weights, TOP_K)  # [T, K]
    # norm_topk_prob = True
    topw = topw / jnp.sum(topw, axis=-1, keepdims=True)
    topw = topw.astype(x.dtype)
    # scatter top-k weights into dense per-expert combine matrix [T, E]
    comb = jnp.zeros((T, NUM_EXPERTS), dtype=x.dtype)
    comb = comb.at[jnp.arange(T)[:, None], topi].add(topw)
    # expert MLPs (SwiGLU with silu act), combined with routing weights.
    # Tokens not routed to expert e have comb[:, e] == 0, so the weighted sum is
    # mathematically identical to the torch masked index_add dispatch.
    out = jnp.zeros((T, H), dtype=x.dtype)
    for e in range(NUM_EXPERTS):
        h = jax.nn.silu(x @ gate_w[e]) * (x @ up_w[e])
        y = h @ down_w[e]
        out = out + comb[:, e:e + 1] * y
    return out.reshape(B, S, H)

if __name__ == "__main__":
    import jax
    _d = setup_inputs()
    print(jax.jit(kernel)(*tuple(_d.values())))

</pallas_src>

<mosaic_0001>
#map = affine_map<(d0, d1) -> (0, 0)>
#map1 = affine_map<(d0, d1) -> (0)>
module attributes {stable_mosaic.version = 14 : i64} {
  func.func @_combine_k(%arg0: i32, %arg1: i32, %arg2: memref<8192x1024xf32, #tpu.memory_space<hbm>>, %arg3: memref<2048xi32, #tpu.memory_space<hbm>>, %arg4: memref<2048xi32, #tpu.memory_space<hbm>>, %arg5: memref<2048x1024xf32, #tpu.memory_space<hbm>>, %arg6: memref<2x16x1024xf32, #tpu.memory_space<vmem>>, %arg7: memref<2x16x1024xf32, #tpu.memory_space<vmem>>, %arg8: memref<64xi32, #tpu.memory_space<vmem>>, %arg9: memref<64xi32, #tpu.memory_space<vmem>>, %arg10: memref<!tpu.dma_semaphore, #tpu.memory_space<semaphore_mem>>, %arg11: memref<!tpu.dma_semaphore, #tpu.memory_space<semaphore_mem>>, %arg12: memref<!tpu.dma_semaphore, #tpu.memory_space<semaphore_mem>>, %arg13: memref<!tpu.dma_semaphore, #tpu.memory_space<semaphore_mem>>, %arg14: memref<!tpu.dma_semaphore, #tpu.memory_space<semaphore_mem>>) attributes {dimension_semantics = [#tpu.dimension_semantics<core_parallel>, #tpu.dimension_semantics<subcore_parallel>], iteration_bounds = array<i64: 2, 16>, scalar_prefetch = 0 : i64, scratch_operands = 9 : i64, tpu.core_type = #tpu.core_type<sc_vector_subcore>, window_params = [{transform_indices = #map}, {transform_indices = #map1}, {transform_indices = #map1}, {transform_indices = #map}]} {
    %mul3A = arith.constant 2 : i32
    %mul3A_0 = arith.muli %arg1, %mul3A : i32
    %add3A = arith.addi %mul3A_0, %arg0 : i32
    %mul3A_1 = arith.constant 64 : i32
    %mul3A_2 = arith.muli %add3A, %mul3A_1 : i32
    %dma_start3A = tpu.memref_slice %arg3[%mul3A_2] : memref<2048xi32, #tpu.memory_space<hbm>> -> memref<64xi32, #tpu.memory_space<hbm>>
    %dma_start3A_3 = tpu.memref_slice %arg3[%mul3A_2] : memref<2048xi32, #tpu.memory_space<hbm>> -> memref<64xi32, #tpu.memory_space<hbm>>
    tpu.enqueue_dma source(%dma_start3A_3 : memref<64xi32, #tpu.memory_space<hbm>>) target(%arg8 : memref<64xi32, #tpu.memory_space<vmem>>) target_semaphore(%arg10 : memref<!tpu.dma_semaphore, #tpu.memory_space<semaphore_mem>>)
    %dma_start3A_4 = tpu.memref_slice %arg4[%mul3A_2] : memref<2048xi32, #tpu.memory_space<hbm>> -> memref<64xi32, #tpu.memory_space<hbm>>
    %dma_start3A_5 = tpu.memref_slice %arg4[%mul3A_2] : memref<2048xi32, #tpu.memory_space<hbm>> -> memref<64xi32, #tpu.memory_space<hbm>>
    tpu.enqueue_dma source(%dma_start3A_5 : memref<64xi32, #tpu.memory_space<hbm>>) target(%arg9 : memref<64xi32, #tpu.memory_space<vmem>>) target_semaphore(%arg12 : memref<!tpu.dma_semaphore, #tpu.memory_space<semaphore_mem>>)
    %dma_wait3A = tpu.memref_slice %arg3[%mul3A_2] : memref<2048xi32, #tpu.memory_space<hbm>> -> memref<64xi32, #tpu.memory_space<hbm>>
    %dma_wait3A_6 = tpu.memref_slice %arg3[%mul3A_2] : memref<2048xi32, #tpu.memory_space<hbm>> -> memref<64xi32, #tpu.memory_space<hbm>>
    tpu.wait_dma2 semaphore(%arg10 : memref<!tpu.dma_semaphore, #tpu.memory_space<semaphore_mem>>) src(%dma_wait3A_6 : memref<64xi32, #tpu.memory_space<hbm>>) dst(%arg8 : memref<64xi32, #tpu.memory_space<vmem>>)
    %dma_wait3A_7 = tpu.memref_slice %arg4[%mul3A_2] : memref<2048xi32, #tpu.memory_space<hbm>> -> memref<64xi32, #tpu.memory_space<hbm>>
    %dma_wait3A_8 = tpu.memref_slice %arg4[%mul3A_2] : memref<2048xi32, #tpu.memory_space<hbm>> -> memref<64xi32, #tpu.memory_space<hbm>>
    tpu.wait_dma2 semaphore(%arg12 : memref<!tpu.dma_semaphore, #tpu.memory_space<semaphore_mem>>) src(%dma_wait3A_8 : memref<64xi32, #tpu.memory_space<hbm>>) dst(%arg9 : memref<64xi32, #tpu.memory_space<vmem>>)
    %dma_start3A_9 = arith.constant 0 : i32
    %dma_start3A_10 = arith.constant 0 : i32
    %dma_start3A_11 = arith.constant 0 : i32
    %dma_start3A_12 = tpu.memref_slice %arg6[%dma_start3A_9, %dma_start3A_10, %dma_start3A_11] : memref<2x16x1024xf32, #tpu.memory_space<vmem>> -> memref<1x16x1024xf32, #tpu.memory_space<vmem>>
    %dma_start3A_13 = tpu.memref_squeeze %dma_start3A_12 : memref<1x16x1024xf32, #tpu.memory_space<vmem>> -> memref<16x1024xf32, #tpu.memory_space<vmem>>
    %dma_start3A_14 = arith.constant 0 : i32
    %dma_start3A_15 = tpu.memref_slice %arg8[%dma_start3A_14] : memref<64xi32, #tpu.memory_space<vmem>> -> memref<16xi32, #tpu.memory_space<vmem>>
    %dma_start3A_16 = arith.constant 0 : i32
    %dma_start3A_17 = arith.constant 0 : i32
    %dma_start3A_18 = tpu.memref_slice %arg2[%dma_start3A_16, %dma_start3A_17] : memref<8192x1024xf32, #tpu.memory_space<hbm>> -> memref<8192x1024xf32, #tpu.memory_space<hbm>>
    tpu.enqueue_indirect_dma source(%dma_start3A_18 : memref<8192x1024xf32, #tpu.memory_space<hbm>>) target(%dma_start3A_13 : memref<16x1024xf32, #tpu.memory_space<vmem>>) offsets(%dma_start3A_15 : memref<16xi32, #tpu.memory_space<vmem>>) semaphore(%arg10 : memref<!tpu.dma_semaphore, #tpu.memory_space<semaphore_mem>>)
    %dma_start3A_19 = arith.constant 0 : i32
    %dma_start3A_20 = arith.constant 0 : i32
    %dma_start3A_21 = arith.constant 0 : i32
    %dma_start3A_22 = tpu.memref_slice %arg7[%dma_start3A_19, %dma_start3A_20, %dma_start3A_21] : memref<2x16x1024xf32, #tpu.memory_space<vmem>> -> memref<1x16x1024xf32, #tpu.memory_space<vmem>>
    %dma_start3A_23 = tpu.memref_squeeze %dma_start3A_22 : memref<1x16x1024xf32, #tpu.memory_space<vmem>> -> memref<16x1024xf32, #tpu.memory_space<vmem>>
    %dma_start3A_24 = arith.constant 0 : i32
    %dma_start3A_25 = tpu.memref_slice %arg9[%dma_start3A_24] : memref<64xi32, #tpu.memory_space<vmem>> -> memref<16xi32, #tpu.memory_space<vmem>>
    %dma_start3A_26 = arith.constant 0 : i32
    %dma_start3A_27 = arith.constant 0 : i32
    %dma_start3A_28 = tpu.memref_slice %arg2[%dma_start3A_26, %dma_start3A_27] : memref<8192x1024xf32, #tpu.memory_space<hbm>> -> memref<8192x1024xf32, #tpu.memory_space<hbm>>
    tpu.enqueue_indirect_dma source(%dma_start3A_28 : memref<8192x1024xf32, #tpu.memory_space<hbm>>) target(%dma_start3A_23 : memref<16x1024xf32, #tpu.memory_space<vmem>>) offsets(%dma_start3A_25 : memref<16xi32, #tpu.memory_space<vmem>>) semaphore(%arg12 : memref<!tpu.dma_semaphore, #tpu.memory_space<semaphore_mem>>)
    %dma_start3A_29 = arith.constant 1 : i32
    %dma_start3A_30 = arith.constant 0 : i32
    %dma_start3A_31 = arith.constant 0 : i32
    %dma_start3A_32 = tpu.memref_slice %arg6[%dma_start3A_29, %dma_start3A_30, %dma_start3A_31] : memref<2x16x1024xf32, #tpu.memory_space<vmem>> -> memref<1x16x1024xf32, #tpu.memory_space<vmem>>
    %dma_start3A_33 = tpu.memref_squeeze %dma_start3A_32 : memref<1x16x1024xf32, #tpu.memory_space<vmem>> -> memref<16x1024xf32, #tpu.memory_space<vmem>>
    %dma_start3A_34 = arith.constant 16 : i32
    %dma_start3A_35 = tpu.memref_slice %arg8[%dma_start3A_34] : memref<64xi32, #tpu.memory_space<vmem>> -> memref<16xi32, #tpu.memory_space<vmem>>
    %dma_start3A_36 = arith.constant 0 : i32
    %dma_start3A_37 = arith.constant 0 : i32
    %dma_start3A_38 = tpu.memref_slice %arg2[%dma_start3A_36, %dma_start3A_37] : memref<8192x1024xf32, #tpu.memory_space<hbm>> -> memref<8192x1024xf32, #tpu.memory_space<hbm>>
    tpu.enqueue_indirect_dma source(%dma_start3A_38 : memref<8192x1024xf32, #tpu.memory_space<hbm>>) target(%dma_start3A_33 : memref<16x1024xf32, #tpu.memory_space<vmem>>) offsets(%dma_start3A_35 : memref<16xi32, #tpu.memory_space<vmem>>) semaphore(%arg11 : memref<!tpu.dma_semaphore, #tpu.memory_space<semaphore_mem>>)
    %dma_start3A_39 = arith.constant 1 : i32
    %dma_start3A_40 = arith.constant 0 : i32
    %dma_start3A_41 = arith.constant 0 : i32
    %dma_start3A_42 = tpu.memref_slice %arg7[%dma_start3A_39, %dma_start3A_40, %dma_start3A_41] : memref<2x16x1024xf32, #tpu.memory_space<vmem>> -> memref<1x16x1024xf32, #tpu.memory_space<vmem>>
    %dma_start3A_43 = tpu.memref_squeeze %dma_start3A_42 : memref<1x16x1024xf32, #tpu.memory_space<vmem>> -> memref<16x1024xf32, #tpu.memory_space<vmem>>
    %dma_start3A_44 = arith.constant 16 : i32
    %dma_start3A_45 = tpu.memref_slice %arg9[%dma_start3A_44] : memref<64xi32, #tpu.memory_space<vmem>> -> memref<16xi32, #tpu.memory_space<vmem>>
    %dma_start3A_46 = arith.constant 0 : i32
    %dma_start3A_47 = arith.constant 0 : i32
    %dma_start3A_48 = tpu.memref_slice %arg2[%dma_start3A_46, %dma_start3A_47] : memref<8192x1024xf32, #tpu.memory_space<hbm>> -> memref<8192x1024xf32, #tpu.memory_space<hbm>>
    tpu.enqueue_indirect_dma source(%dma_start3A_48 : memref<8192x1024xf32, #tpu.memory_space<hbm>>) target(%dma_start3A_43 : memref<16x1024xf32, #tpu.memory_space<vmem>>) offsets(%dma_start3A_45 : memref<16xi32, #tpu.memory_space<vmem>>) semaphore(%arg13 : memref<!tpu.dma_semaphore, #tpu.memory_space<semaphore_mem>>)
    %dma_wait3A_49 = arith.constant 0 : i32
    %dma_wait3A_50 = arith.constant 0 : i32
    %dma_wait3A_51 = arith.constant 0 : i32
    %dma_wait3A_52 = tpu.memref_slice %arg6[%dma_wait3A_49, %dma_wait3A_50, %dma_wait3A_51] : memref<2x16x1024xf32, #tpu.memory_space<vmem>> -> memref<1x16x1024xf32, #tpu.memory_space<vmem>>
    %dma_wait3A_53 = tpu.memref_squeeze %dma_wait3A_52 : memref<1x16x1024xf32, #tpu.memory_space<vmem>> -> memref<16x1024xf32, #tpu.memory_space<vmem>>
    %dma_wait3A_54 = arith.constant 0 : i32
    %dma_wait3A_55 = tpu.memref_slice %arg8[%dma_wait3A_54] : memref<64xi32, #tpu.memory_space<vmem>> -> memref<16xi32, #tpu.memory_space<vmem>>
    %dma_wait3A_56 = arith.constant 0 : i32
    %dma_wait3A_57 = arith.constant 0 : i32
    %dma_wait3A_58 = tpu.memref_slice %arg2[%dma_wait3A_56, %dma_wait3A_57] : memref<8192x1024xf32, #tpu.memory_space<hbm>> -> memref<8192x1024xf32, #tpu.memory_space<hbm>>
    tpu.wait_indirect_dma semaphore(%arg10 : memref<!tpu.dma_semaphore, #tpu.memory_space<semaphore_mem>>) src(%dma_wait3A_58 : memref<8192x1024xf32, #tpu.memory_space<hbm>>) dst(%dma_wait3A_53 : memref<16x1024xf32, #tpu.memory_space<vmem>>)
    %dma_wait3A_59 = arith.constant 0 : i32
    %dma_wait3A_60 = arith.constant 0 : i32
    %dma_wait3A_61 = arith.constant 0 : i32
    %dma_wait3A_62 = tpu.memref_slice %arg7[%dma_wait3A_59, %dma_wait3A_60, %dma_wait3A_61] : memref<2x16x1024xf32, #tpu.memory_space<vmem>> -> memref<1x16x1024xf32, #tpu.memory_space<vmem>>
    %dma_wait3A_63 = tpu.memref_squeeze %dma_wait3A_62 : memref<1x16x1024xf32, #tpu.memory_space<vmem>> -> memref<16x1024xf32, #tpu.memory_space<vmem>>
    %dma_wait3A_64 = arith.constant 0 : i32
    %dma_wait3A_65 = tpu.memref_slice %arg9[%dma_wait3A_64] : memref<64xi32, #tpu.memory_space<vmem>> -> memref<16xi32, #tpu.memory_space<vmem>>
    %dma_wait3A_66 = arith.constant 0 : i32
    %dma_wait3A_67 = arith.constant 0 : i32
    %dma_wait3A_68 = tpu.memref_slice %arg2[%dma_wait3A_66, %dma_wait3A_67] : memref<8192x1024xf32, #tpu.memory_space<hbm>> -> memref<8192x1024xf32, #tpu.memory_space<hbm>>
    tpu.wait_indirect_dma semaphore(%arg12 : memref<!tpu.dma_semaphore, #tpu.memory_space<semaphore_mem>>) src(%dma_wait3A_68 : memref<8192x1024xf32, #tpu.memory_space<hbm>>) dst(%dma_wait3A_63 : memref<16x1024xf32, #tpu.memory_space<vmem>>)
    %parallel_loop3A = arith.constant 0 : i32
    %parallel_loop3A_69 = arith.constant 1024 : i32
    %parallel_loop3A_70 = arith.constant 1 : i32
    scf.for %parallel_loop3A_292 = %parallel_loop3A to %parallel_loop3A_69 step %parallel_loop3A_70  : i32 {
      %parallel_loop3A_293 = arith.constant 64 : i32
      %parallel_loop3A_294 = arith.divsi %parallel_loop3A_292, %parallel_loop3A_293 : i32
      %parallel_loop3A_295 = arith.constant 0 : i32
      %parallel_loop3A_296 = arith.cmpi sgt, %parallel_loop3A_292, %parallel_loop3A_295 : i32
      %parallel_loop3A_297 = arith.extui %parallel_loop3A_296 : i1 to i32
      %parallel_loop3A_298 = arith.constant 0 : i32
      %parallel_loop3A_299 = arith.cmpi slt, %parallel_loop3A_292, %parallel_loop3A_298 : i32
      %parallel_loop3A_300 = arith.extui %parallel_loop3A_299 : i1 to i32
      %parallel_loop3A_301 = arith.subi %parallel_loop3A_297, %parallel_loop3A_300 : i32
      %parallel_loop3A_302 = arith.constant 0 : i32
      %parallel_loop3A_303 = arith.cmpi sgt, %parallel_loop3A_293, %parallel_loop3A_302 : i32
      %parallel_loop3A_304 = arith.extui %parallel_loop3A_303 : i1 to i32
      %parallel_loop3A_305 = arith.constant 0 : i32
      %parallel_loop3A_306 = arith.cmpi slt, %parallel_loop3A_293, %parallel_loop3A_305 : i32
      %parallel_loop3A_307 = arith.extui %parallel_loop3A_306 : i1 to i32
      %parallel_loop3A_308 = arith.subi %parallel_loop3A_304, %parallel_loop3A_307 : i32
      %parallel_loop3A_309 = arith.cmpi ne, %parallel_loop3A_301, %parallel_loop3A_308 : i32
      %parallel_loop3A_310 = arith.remsi %parallel_loop3A_292, %parallel_loop3A_293 : i32
      %parallel_loop3A_311 = arith.constant 0 : i32
      %parallel_loop3A_312 = arith.cmpi ne, %parallel_loop3A_310, %parallel_loop3A_311 : i32
      %parallel_loop3A_313 = arith.andi %parallel_loop3A_309, %parallel_loop3A_312 : i1
      %parallel_loop3A_314 = arith.constant 1 : i32
      %parallel_loop3A_315 = arith.subi %parallel_loop3A_294, %parallel_loop3A_314 : i32
      %parallel_loop3A_316 = arith.select %parallel_loop3A_313, %parallel_loop3A_315, %parallel_loop3A_294 : i32
      %parallel_loop3A_317 = arith.constant 64 : i32
      %parallel_loop3A_318 = arith.constant 0 : i32
      %parallel_loop3A_319 = arith.cmpi eq, %parallel_loop3A_317, %parallel_loop3A_318 : i32
      %parallel_loop3A_320 = arith.constant 1 : i32
      %parallel_loop3A_321 = arith.select %parallel_loop3A_319, %parallel_loop3A_320, %parallel_loop3A_317 : i32
      %parallel_loop3A_322 = arith.remsi %parallel_loop3A_292, %parallel_loop3A_321 : i32
      %parallel_loop3A_323 = arith.constant 0 : i32
      %parallel_loop3A_324 = arith.cmpi ne, %parallel_loop3A_322, %parallel_loop3A_323 : i32
      %parallel_loop3A_325 = arith.constant 0 : i32
      %parallel_loop3A_326 = arith.cmpi slt, %parallel_loop3A_322, %parallel_loop3A_325 : i32
      %parallel_loop3A_327 = arith.constant 0 : i32
      %parallel_loop3A_328 = arith.cmpi slt, %parallel_loop3A_321, %parallel_loop3A_327 : i32
      %parallel_loop3A_329 = arith.xori %parallel_loop3A_326, %parallel_loop3A_328 : i1
      %parallel_loop3A_330 = arith.andi %parallel_loop3A_329, %parallel_loop3A_324 : i1
      %parallel_loop3A_331 = arith.addi %parallel_loop3A_322, %parallel_loop3A_321 : i32
      %parallel_loop3A_332 = arith.select %parallel_loop3A_330, %parallel_loop3A_331, %parallel_loop3A_322 : i32
      %parallel_loop3A_333 = arith.constant 16 : i32
      %parallel_loop3A_334 = arith.muli %parallel_loop3A_332, %parallel_loop3A_333 : i32
      %parallel_loop3A_335 = arith.constant 0 : i32
      %parallel_loop3A_336 = arith.index_cast %parallel_loop3A_335 : i32 to index
      %parallel_loop3A_337 = arith.index_cast %parallel_loop3A_316 : i32 to index
      %parallel_loop3A_338 = arith.index_cast %parallel_loop3A_334 : i32 to index
      %parallel_loop3A_339 = tpu.vector_load %arg6[%parallel_loop3A_336, %parallel_loop3A_337, %parallel_loop3A_338] {strides = array<i32>} : memref<2x16x1024xf32, #tpu.memory_space<vmem>>, vector<1x1x16xf32>,
      %parallel_loop3A_340 = vector.shape_cast %parallel_loop3A_339 : vector<1x1x16xf32> to vector<16xf32>
      %parallel_loop3A_341 = arith.constant 16 : i32
      %parallel_loop3A_342 = arith.muli %parallel_loop3A_332, %parallel_loop3A_341 : i32
      %parallel_loop3A_343 = arith.constant 0 : i32
      %parallel_loop3A_344 = arith.index_cast %parallel_loop3A_343 : i32 to index
      %parallel_loop3A_345 = arith.index_cast %parallel_loop3A_316 : i32 to index
      %parallel_loop3A_346 = arith.index_cast %parallel_loop3A_342 : i32 to index
      %parallel_loop3A_347 = tpu.vector_load %arg7[%parallel_loop3A_344, %parallel_loop3A_345, %parallel_loop3A_346] {strides = array<i32>} : memref<2x16x1024xf32, #tpu.memory_space<vmem>>, vector<1x1x16xf32>,
      %parallel_loop3A_348 = vector.shape_cast %parallel_loop3A_347 : vector<1x1x16xf32> to vector<16xf32>
      %parallel_loop3A_349 = arith.addf %parallel_loop3A_340, %parallel_loop3A_348 : vector<16xf32>
      %parallel_loop3A_350 = arith.constant 16 : i32
      %parallel_loop3A_351 = arith.muli %parallel_loop3A_332, %parallel_loop3A_350 : i32
      %parallel_loop3A_352 = arith.constant 0 : i32
      %parallel_loop3A_353 = arith.index_cast %parallel_loop3A_352 : i32 to index
      %parallel_loop3A_354 = arith.index_cast %parallel_loop3A_316 : i32 to index
      %parallel_loop3A_355 = arith.index_cast %parallel_loop3A_351 : i32 to index
      %parallel_loop3A_356 = tpu.vector_load %arg6[%parallel_loop3A_353, %parallel_loop3A_354, %parallel_loop3A_355] {strides = array<i32>} : memref<2x16x1024xf32, #tpu.memory_space<vmem>>, vector<1x1x16xf32>,
      %parallel_loop3A_357 = vector.shape_cast %parallel_loop3A_356 : vector<1x1x16xf32> to vector<16xf32>
      %parallel_loop3A_358 = vector.shape_cast %parallel_loop3A_349 : vector<16xf32> to vector<1x1x16xf32>
      tpu.vector_store %arg6[%parallel_loop3A_353, %parallel_loop3A_354, %parallel_loop3A_355], %parallel_loop3A_358 {strides = array<i32>} : memref<2x16x1024xf32, #tpu.memory_space<vmem>>, vector<1x1x16xf32>,
    } {sc.loop_unroll_factor = 8 : i64, sc.parallel_access}
    %add3A_71 = arith.constant 0 : i32
    %add3A_72 = arith.addi %mul3A_2, %add3A_71 : i32
    %dma_start3A_73 = arith.constant 0 : i32
    %dma_start3A_74 = arith.constant 0 : i32
    %dma_start3A_75 = arith.constant 0 : i32
    %dma_start3A_76 = tpu.memref_slice %arg6[%dma_start3A_73, %dma_start3A_74, %dma_start3A_75] : memref<2x16x1024xf32, #tpu.memory_space<vmem>> -> memref<1x16x1024xf32, #tpu.memory_space<vmem>>
    %dma_start3A_77 = tpu.memref_squeeze %dma_start3A_76 : memref<1x16x1024xf32, #tpu.memory_space<vmem>> -> memref<16x1024xf32, #tpu.memory_space<vmem>>
    %dma_start3A_78 = arith.constant 0 : i32
    %dma_start3A_79 = tpu.memref_slice %arg5[%add3A_72, %dma_start3A_78] : memref<2048x1024xf32, #tpu.memory_space<hbm>> -> memref<16x1024xf32, #tpu.memory_space<hbm>>
    %dma_start3A_80 = arith.constant 0 : i32
    %dma_start3A_81 = tpu.memref_slice %arg5[%add3A_72, %dma_start3A_80] : memref<2048x1024xf32, #tpu.memory_space<hbm>> -> memref<16x1024xf32, #tpu.memory_space<hbm>>
    %dma_start3A_82 = arith.constant 0 : i32
    %dma_start3A_83 = arith.constant 0 : i32
    %dma_start3A_84 = tpu.memref_slice %arg6[%dma_start3A_73, %dma_start3A_82, %dma_start3A_83] : memref<2x16x1024xf32, #tpu.memory_space<vmem>> -> memref<1x16x1024xf32, #tpu.memory_space<vmem>>
    %dma_start3A_85 = tpu.memref_squeeze %dma_start3A_84 : memref<1x16x1024xf32, #tpu.memory_space<vmem>> -> memref<16x1024xf32, #tpu.memory_space<vmem>>
    tpu.enqueue_dma source(%dma_start3A_85 : memref<16x1024xf32, #tpu.memory_space<vmem>>) target(%dma_start3A_81 : memref<16x1024xf32, #tpu.memory_space<hbm>>) target_semaphore(%arg14 : memref<!tpu.dma_semaphore, #tpu.memory_space<semaphore_mem>>)
    %dma_wait3A_86 = arith.constant 0 : i32
    %dma_wait3A_87 = arith.constant 0 : i32
    %dma_wait3A_88 = arith.constant 0 : i32
    %dma_wait3A_89 = tpu.memref_slice %arg6[%dma_wait3A_86, %dma_wait3A_87, %dma_wait3A_88] : memref<2x16x1024xf32, #tpu.memory_space<vmem>> -> memref<1x16x1024xf32, #tpu.memory_space<vmem>>
    %dma_wait3A_90 = tpu.memref_squeeze %dma_wait3A_89 : memref<1x16x1024xf32, #tpu.memory_space<vmem>> -> memref<16x1024xf32, #tpu.memory_space<vmem>>
    %dma_wait3A_91 = arith.constant 0 : i32
    %dma_wait3A_92 = tpu.memref_slice %arg5[%add3A_72, %dma_wait3A_91] : memref<2048x1024xf32, #tpu.memory_space<hbm>> -> memref<16x1024xf32, #tpu.memory_space<hbm>>
    %dma_wait3A_93 = arith.constant 0 : i32
    %dma_wait3A_94 = tpu.memref_slice %arg5[%add3A_72, %dma_wait3A_93] : memref<2048x1024xf32, #tpu.memory_space<hbm>> -> memref<16x1024xf32, #tpu.memory_space<hbm>>
    %dma_wait3A_95 = arith.constant 0 : i32
    %dma_wait3A_96 = arith.constant 0 : i32
    %dma_wait3A_97 = tpu.memref_slice %arg6[%dma_wait3A_86, %dma_wait3A_95, %dma_wait3A_96] : memref<2x16x1024xf32, #tpu.memory_space<vmem>> -> memref<1x16x1024xf32, #tpu.memory_space<vmem>>
    %dma_wait3A_98 = tpu.memref_squeeze %dma_wait3A_97 : memref<1x16x1024xf32, #tpu.memory_space<vmem>> -> memref<16x1024xf32, #tpu.memory_space<vmem>>
    tpu.wait_dma2 semaphore(%arg14 : memref<!tpu.dma_semaphore, #tpu.memory_space<semaphore_mem>>) src(%dma_wait3A_98 : memref<16x1024xf32, #tpu.memory_space<vmem>>) dst(%dma_wait3A_94 : memref<16x1024xf32, #tpu.memory_space<hbm>>)
    %dma_start3A_99 = arith.constant 0 : i32
    %dma_start3A_100 = arith.constant 0 : i32
    %dma_start3A_101 = arith.constant 0 : i32
    %dma_start3A_102 = tpu.memref_slice %arg6[%dma_start3A_99, %dma_start3A_100, %dma_start3A_101] : memref<2x16x1024xf32, #tpu.memory_space<vmem>> -> memref<1x16x1024xf32, #tpu.memory_space<vmem>>
    %dma_start3A_103 = tpu.memref_squeeze %dma_start3A_102 : memref<1x16x1024xf32, #tpu.memory_space<vmem>> -> memref<16x1024xf32, #tpu.memory_space<vmem>>
    %dma_start3A_104 = arith.constant 32 : i32
    %dma_start3A_105 = tpu.memref_slice %arg8[%dma_start3A_104] : memref<64xi32, #tpu.memory_space<vmem>> -> memref<16xi32, #tpu.memory_space<vmem>>
    %dma_start3A_106 = arith.constant 0 : i32
    %dma_start3A_107 = arith.constant 0 : i32
    %dma_start3A_108 = tpu.memref_slice %arg2[%dma_start3A_106, %dma_start3A_107] : memref<8192x1024xf32, #tpu.memory_space<hbm>> -> memref<8192x1024xf32, #tpu.memory_space<hbm>>
    tpu.enqueue_indirect_dma source(%dma_start3A_108 : memref<8192x1024xf32, #tpu.memory_space<hbm>>) target(%dma_start3A_103 : memref<16x1024xf32, #tpu.memory_space<vmem>>) offsets(%dma_start3A_105 : memref<16xi32, #tpu.memory_space<vmem>>) semaphore(%arg10 : memref<!tpu.dma_semaphore, #tpu.memory_space<semaphore_mem>>)
    %dma_start3A_109 = arith.constant 0 : i32
    %dma_start3A_110 = arith.constant 0 : i32
    %dma_start3A_111 = arith.constant 0 : i32
    %dma_start3A_112 = tpu.memref_slice %arg7[%dma_start3A_109, %dma_start3A_110, %dma_start3A_111] : memref<2x16x1024xf32, #tpu.memory_space<vmem>> -> memref<1x16x1024xf32, #tpu.memory_space<vmem>>
    %dma_start3A_113 = tpu.memref_squeeze %dma_start3A_112 : memref<1x16x1024xf32, #tpu.memory_space<vmem>> -> memref<16x1024xf32, #tpu.memory_space<vmem>>
    %dma_start3A_114 = arith.constant 32 : i32
    %dma_start3A_115 = tpu.memref_slice %arg9[%dma_start3A_114] : memref<64xi32, #tpu.memory_space<vmem>> -> memref<16xi32, #tpu.memory_space<vmem>>
    %dma_start3A_116 = arith.constant 0 : i32
    %dma_start3A_117 = arith.constant 0 : i32
    %dma_start3A_118 = tpu.memref_slice %arg2[%dma_start3A_116, %dma_start3A_117] : memref<8192x1024xf32, #tpu.memory_space<hbm>> -> memref<8192x1024xf32, #tpu.memory_space<hbm>>
    tpu.enqueue_indirect_dma source(%dma_start3A_118 : memref<8192x1024xf32, #tpu.memory_space<hbm>>) target(%dma_start3A_113 : memref<16x1024xf32, #tpu.memory_space<vmem>>) offsets(%dma_start3A_115 : memref<16xi32, #tpu.memory_space<vmem>>) semaphore(%arg12 : memref<!tpu.dma_semaphore, #tpu.memory_space<semaphore_mem>>)
    %dma_wait3A_119 = arith.constant 1 : i32
    %dma_wait3A_120 = arith.constant 0 : i32
    %dma_wait3A_121 = arith.constant 0 : i32
    %dma_wait3A_122 = tpu.memref_slice %arg6[%dma_wait3A_119, %dma_wait3A_120, %dma_wait3A_121] : memref<2x16x1024xf32, #tpu.memory_space<vmem>> -> memref<1x16x1024xf32, #tpu.memory_space<vmem>>
    %dma_wait3A_123 = tpu.memref_squeeze %dma_wait3A_122 : memref<1x16x1024xf32, #tpu.memory_space<vmem>> -> memref<16x1024xf32, #tpu.memory_space<vmem>>
    %dma_wait3A_124 = arith.constant 16 : i32
    %dma_wait3A_125 = tpu.memref_slice %arg8[%dma_wait3A_124] : memref<64xi32, #tpu.memory_space<vmem>> -> memref<16xi32, #tpu.memory_space<vmem>>
    %dma_wait3A_126 = arith.constant 0 : i32
    %dma_wait3A_127 = arith.constant 0 : i32
    %dma_wait3A_128 = tpu.memref_slice %arg2[%dma_wait3A_126, %dma_wait3A_127] : memref<8192x1024xf32, #tpu.memory_space<hbm>> -> memref<8192x1024xf32, #tpu.memory_space<hbm>>
    tpu.wait_indirect_dma semaphore(%arg11 : memref<!tpu.dma_semaphore, #tpu.memory_space<semaphore_mem>>) src(%dma_wait3A_128 : memref<8192x1024xf32, #tpu.memory_space<hbm>>) dst(%dma_wait3A_123 : memref<16x1024xf32, #tpu.memory_space<vmem>>)
    %dma_wait3A_129 = arith.constant 1 : i32
    %dma_wait3A_130 = arith.constant 0 : i32
    %dma_wait3A_131 = arith.constant 0 : i32
    %dma_wait3A_132 = tpu.memref_slice %arg7[%dma_wait3A_129, %dma_wait3A_130, %dma_wait3A_131] : memref<2x16x1024xf32, #tpu.memory_space<vmem>> -> memref<1x16x1024xf32, #tpu.memory_space<vmem>>
    %dma_wait3A_133 = tpu.memref_squeeze %dma_wait3A_132 : memref<1x16x1024xf32, #tpu.memory_space<vmem>> -> memref<16x1024xf32, #tpu.memory_space<vmem>>
    %dma_wait3A_134 = arith.constant 16 : i32
    %dma_wait3A_135 = tpu.memref_slice %arg9[%dma_wait3A_134] : memref<64xi32, #tpu.memory_space<vmem>> -> memref<16xi32, #tpu.memory_space<vmem>>
    %dma_wait3A_136 = arith.constant 0 : i32
    %dma_wait3A_137 = arith.constant 0 : i32
    %dma_wait3A_138 = tpu.memref_slice %arg2[%dma_wait3A_136, %dma_wait3A_137] : memref<8192x1024xf32, #tpu.memory_space<hbm>> -> memref<8192x1024xf32, #tpu.memory_space<hbm>>
    tpu.wait_indirect_dma semaphore(%arg13 : memref<!tpu.dma_semaphore, #tpu.memory_space<semaphore_mem>>) src(%dma_wait3A_138 : memref<8192x1024xf32, #tpu.memory_space<hbm>>) dst(%dma_wait3A_133 : memref<16x1024xf32, #tpu.memory_space<vmem>>)
    %parallel_loop3A_139 = arith.constant 0 : i32
    %parallel_loop3A_140 = arith.constant 1024 : i32
    %parallel_loop3A_141 = arith.constant 1 : i32
    scf.for %parallel_loop3A_292 = %parallel_loop3A_139 to %parallel_loop3A_140 step %parallel_loop3A_141  : i32 {
      %parallel_loop3A_293 = arith.constant 64 : i32
      %parallel_loop3A_294 = arith.divsi %parallel_loop3A_292, %parallel_loop3A_293 : i32
      %parallel_loop3A_295 = arith.constant 0 : i32
      %parallel_loop3A_296 = arith.cmpi sgt, %parallel_loop3A_292, %parallel_loop3A_295 : i32
      %parallel_loop3A_297 = arith.extui %parallel_loop3A_296 : i1 to i32
      %parallel_loop3A_298 = arith.constant 0 : i32
      %parallel_loop3A_299 = arith.cmpi slt, %parallel_loop3A_292, %parallel_loop3A_298 : i32
      %parallel_loop3A_300 = arith.extui %parallel_loop3A_299 : i1 to i32
      %parallel_loop3A_301 = arith.subi %parallel_loop3A_297, %parallel_loop3A_300 : i32
      %parallel_loop3A_302 = arith.constant 0 : i32
      %parallel_loop3A_303 = arith.cmpi sgt, %parallel_loop3A_293, %parallel_loop3A_302 : i32
      %parallel_loop3A_304 = arith.extui %parallel_loop3A_303 : i1 to i32
      %parallel_loop3A_305 = arith.constant 0 : i32
      %parallel_loop3A_306 = arith.cmpi slt, %parallel_loop3A_293, %parallel_loop3A_305 : i32
      %parallel_loop3A_307 = arith.extui %parallel_loop3A_306 : i1 to i32
      %parallel_loop3A_308 = arith.subi %parallel_loop3A_304, %parallel_loop3A_307 : i32
      %parallel_loop3A_309 = arith.cmpi ne, %parallel_loop3A_301, %parallel_loop3A_308 : i32
      %parallel_loop3A_310 = arith.remsi %parallel_loop3A_292, %parallel_loop3A_293 : i32
      %parallel_loop3A_311 = arith.constant 0 : i32
      %parallel_loop3A_312 = arith.cmpi ne, %parallel_loop3A_310, %parallel_loop3A_311 : i32
      %parallel_loop3A_313 = arith.andi %parallel_loop3A_309, %parallel_loop3A_312 : i1
      %parallel_loop3A_314 = arith.constant 1 : i32
      %parallel_loop3A_315 = arith.subi %parallel_loop3A_294, %parallel_loop3A_314 : i32
      %parallel_loop3A_316 = arith.select %parallel_loop3A_313, %parallel_loop3A_315, %parallel_loop3A_294 : i32
      %parallel_loop3A_317 = arith.constant 64 : i32
      %parallel_loop3A_318 = arith.constant 0 : i32
      %parallel_loop3A_319 = arith.cmpi eq, %parallel_loop3A_317, %parallel_loop3A_318 : i32
      %parallel_loop3A_320 = arith.constant 1 : i32
      %parallel_loop3A_321 = arith.select %parallel_loop3A_319, %parallel_loop3A_320, %parallel_loop3A_317 : i32
      %parallel_loop3A_322 = arith.remsi %parallel_loop3A_292, %parallel_loop3A_321 : i32
      %parallel_loop3A_323 = arith.constant 0 : i32
      %parallel_loop3A_324 = arith.cmpi ne, %parallel_loop3A_322, %parallel_loop3A_323 : i32
      %parallel_loop3A_325 = arith.constant 0 : i32
      %parallel_loop3A_326 = arith.cmpi slt, %parallel_loop3A_322, %parallel_loop3A_325 : i32
      %parallel_loop3A_327 = arith.constant 0 : i32
      %parallel_loop3A_328 = arith.cmpi slt, %parallel_loop3A_321, %parallel_loop3A_327 : i32
      %parallel_loop3A_329 = arith.xori %parallel_loop3A_326, %parallel_loop3A_328 : i1
      %parallel_loop3A_330 = arith.andi %parallel_loop3A_329, %parallel_loop3A_324 : i1
      %parallel_loop3A_331 = arith.addi %parallel_loop3A_322, %parallel_loop3A_321 : i32
      %parallel_loop3A_332 = arith.select %parallel_loop3A_330, %parallel_loop3A_331, %parallel_loop3A_322 : i32
      %parallel_loop3A_333 = arith.constant 16 : i32
      %parallel_loop3A_334 = arith.muli %parallel_loop3A_332, %parallel_loop3A_333 : i32
      %parallel_loop3A_335 = arith.constant 1 : i32
      %parallel_loop3A_336 = arith.index_cast %parallel_loop3A_335 : i32 to index
      %parallel_loop3A_337 = arith.index_cast %parallel_loop3A_316 : i32 to index
      %parallel_loop3A_338 = arith.index_cast %parallel_loop3A_334 : i32 to index
      %parallel_loop3A_339 = tpu.vector_load %arg6[%parallel_loop3A_336, %parallel_loop3A_337, %parallel_loop3A_338] {strides = array<i32>} : memref<2x16x1024xf32, #tpu.memory_space<vmem>>, vector<1x1x16xf32>,
      %parallel_loop3A_340 = vector.shape_cast %parallel_loop3A_339 : vector<1x1x16xf32> to vector<16xf32>
      %parallel_loop3A_341 = arith.constant 16 : i32
      %parallel_loop3A_342 = arith.muli %parallel_loop3A_332, %parallel_loop3A_341 : i32
      %parallel_loop3A_343 = arith.constant 1 : i32
      %parallel_loop3A_344 = arith.index_cast %parallel_loop3A_343 : i32 to index
      %parallel_loop3A_345 = arith.index_cast %parallel_loop3A_316 : i32 to index
      %parallel_loop3A_346 = arith.index_cast %parallel_loop3A_342 : i32 to index
      %parallel_loop3A_347 = tpu.vector_load %arg7[%parallel_loop3A_344, %parallel_loop3A_345, %parallel_loop3A_346] {strides = array<i32>} : memref<2x16x1024xf32, #tpu.memory_space<vmem>>, vector<1x1x16xf32>,
      %parallel_loop3A_348 = vector.shape_cast %parallel_loop3A_347 : vector<1x1x16xf32> to vector<16xf32>
      %parallel_loop3A_349 = arith.addf %parallel_loop3A_340, %parallel_loop3A_348 : vector<16xf32>
      %parallel_loop3A_350 = arith.constant 16 : i32
      %parallel_loop3A_351 = arith.muli %parallel_loop3A_332, %parallel_loop3A_350 : i32
      %parallel_loop3A_352 = arith.constant 1 : i32
      %parallel_loop3A_353 = arith.index_cast %parallel_loop3A_352 : i32 to index
      %parallel_loop3A_354 = arith.index_cast %parallel_loop3A_316 : i32 to index
      %parallel_loop3A_355 = arith.index_cast %parallel_loop3A_351 : i32 to index
      %parallel_loop3A_356 = tpu.vector_load %arg6[%parallel_loop3A_353, %parallel_loop3A_354, %parallel_loop3A_355] {strides = array<i32>} : memref<2x16x1024xf32, #tpu.memory_space<vmem>>, vector<1x1x16xf32>,
      %parallel_loop3A_357 = vector.shape_cast %parallel_loop3A_356 : vector<1x1x16xf32> to vector<16xf32>
      %parallel_loop3A_358 = vector.shape_cast %parallel_loop3A_349 : vector<16xf32> to vector<1x1x16xf32>
      tpu.vector_store %arg6[%parallel_loop3A_353, %parallel_loop3A_354, %parallel_loop3A_355], %parallel_loop3A_358 {strides = array<i32>} : memref<2x16x1024xf32, #tpu.memory_space<vmem>>, vector<1x1x16xf32>,
    } {sc.loop_unroll_factor = 8 : i64, sc.parallel_access}
    %add3A_142 = arith.constant 16 : i32
    %add3A_143 = arith.addi %mul3A_2, %add3A_142 : i32
    %dma_start3A_144 = arith.constant 1 : i32
    %dma_start3A_145 = arith.constant 0 : i32
    %dma_start3A_146 = arith.constant 0 : i32
    %dma_start3A_147 = tpu.memref_slice %arg6[%dma_start3A_144, %dma_start3A_145, %dma_start3A_146] : memref<2x16x1024xf32, #tpu.memory_space<vmem>> -> memref<1x16x1024xf32, #tpu.memory_space<vmem>>
    %dma_start3A_148 = tpu.memref_squeeze %dma_start3A_147 : memref<1x16x1024xf32, #tpu.memory_space<vmem>> -> memref<16x1024xf32, #tpu.memory_space<vmem>>
    %dma_start3A_149 = arith.constant 0 : i32
    %dma_start3A_150 = tpu.memref_slice %arg5[%add3A_143, %dma_start3A_149] : memref<2048x1024xf32, #tpu.memory_space<hbm>> -> memref<16x1024xf32, #tpu.memory_space<hbm>>
    %dma_start3A_151 = arith.constant 0 : i32
    %dma_start3A_152 = tpu.memref_slice %arg5[%add3A_143, %dma_start3A_151] : memref<2048x1024xf32, #tpu.memory_space<hbm>> -> memref<16x1024xf32, #tpu.memory_space<hbm>>
    %dma_start3A_153 = arith.constant 0 : i32
    %dma_start3A_154 = arith.constant 0 : i32
    %dma_start3A_155 = tpu.memref_slice %arg6[%dma_start3A_144, %dma_start3A_153, %dma_start3A_154] : memref<2x16x1024xf32, #tpu.memory_space<vmem>> -> memref<1x16x1024xf32, #tpu.memory_space<vmem>>
    %dma_start3A_156 = tpu.memref_squeeze %dma_start3A_155 : memref<1x16x1024xf32, #tpu.memory_space<vmem>> -> memref<16x1024xf32, #tpu.memory_space<vmem>>
    tpu.enqueue_dma source(%dma_start3A_156 : memref<16x1024xf32, #tpu.memory_space<vmem>>) target(%dma_start3A_152 : memref<16x1024xf32, #tpu.memory_space<hbm>>) target_semaphore(%arg14 : memref<!tpu.dma_semaphore, #tpu.memory_space<semaphore_mem>>)
    %dma_wait3A_157 = arith.constant 1 : i32
    %dma_wait3A_158 = arith.constant 0 : i32
    %dma_wait3A_159 = arith.constant 0 : i32
    %dma_wait3A_160 = tpu.memref_slice %arg6[%dma_wait3A_157, %dma_wait3A_158, %dma_wait3A_159] : memref<2x16x1024xf32, #tpu.memory_space<vmem>> -> memref<1x16x1024xf32, #tpu.memory_space<vmem>>
    %dma_wait3A_161 = tpu.memref_squeeze %dma_wait3A_160 : memref<1x16x1024xf32, #tpu.memory_space<vmem>> -> memref<16x1024xf32, #tpu.memory_space<vmem>>
    %dma_wait3A_162 = arith.constant 0 : i32
    %dma_wait3A_163 = tpu.memref_slice %arg5[%add3A_143, %dma_wait3A_162] : memref<2048x1024xf32, #tpu.memory_space<hbm>> -> memref<16x1024xf32, #tpu.memory_space<hbm>>
    %dma_wait3A_164 = arith.constant 0 : i32
    %dma_wait3A_165 = tpu.memref_slice %arg5[%add3A_143, %dma_wait3A_164] : memref<2048x1024xf32, #tpu.memory_space<hbm>> -> memref<16x1024xf32, #tpu.memory_space<hbm>>
    %dma_wait3A_166 = arith.constant 0 : i32
    %dma_wait3A_167 = arith.constant 0 : i32
    %dma_wait3A_168 = tpu.memref_slice %arg6[%dma_wait3A_157, %dma_wait3A_166, %dma_wait3A_167] : memref<2x16x1024xf32, #tpu.memory_space<vmem>> -> memref<1x16x1024xf32, #tpu.memory_space<vmem>>
    %dma_wait3A_169 = tpu.memref_squeeze %dma_wait3A_168 : memref<1x16x1024xf32, #tpu.memory_space<vmem>> -> memref<16x1024xf32, #tpu.memory_space<vmem>>
    tpu.wait_dma2 semaphore(%arg14 : memref<!tpu.dma_semaphore, #tpu.memory_space<semaphore_mem>>) src(%dma_wait3A_169 : memref<16x1024xf32, #tpu.memory_space<vmem>>) dst(%dma_wait3A_165 : memref<16x1024xf32, #tpu.memory_space<hbm>>)
    %dma_start3A_170 = arith.constant 1 : i32
    %dma_start3A_171 = arith.constant 0 : i32
    %dma_start3A_172 = arith.constant 0 : i32
    %dma_start3A_173 = tpu.memref_slice %arg6[%dma_start3A_170, %dma_start3A_171, %dma_start3A_172] : memref<2x16x1024xf32, #tpu.memory_space<vmem>> -> memref<1x16x1024xf32, #tpu.memory_space<vmem>>
    %dma_start3A_174 = tpu.memref_squeeze %dma_start3A_173 : memref<1x16x1024xf32, #tpu.memory_space<vmem>> -> memref<16x1024xf32, #tpu.memory_space<vmem>>
    %dma_start3A_175 = arith.constant 48 : i32
    %dma_start3A_176 = tpu.memref_slice %arg8[%dma_start3A_175] : memref<64xi32, #tpu.memory_space<vmem>> -> memref<16xi32, #tpu.memory_space<vmem>>
    %dma_start3A_177 = arith.constant 0 : i32
    %dma_start3A_178 = arith.constant 0 : i32
    %dma_start3A_179 = tpu.memref_slice %arg2[%dma_start3A_177, %dma_start3A_178] : memref<8192x1024xf32, #tpu.memory_space<hbm>> -> memref<8192x1024xf32, #tpu.memory_space<hbm>>
    tpu.enqueue_indirect_dma source(%dma_start3A_179 : memref<8192x1024xf32, #tpu.memory_space<hbm>>) target(%dma_start3A_174 : memref<16x1024xf32, #tpu.memory_space<vmem>>) offsets(%dma_start3A_176 : memref<16xi32, #tpu.memory_space<vmem>>) semaphore(%arg11 : memref<!tpu.dma_semaphore, #tpu.memory_space<semaphore_mem>>)
    %dma_start3A_180 = arith.constant 1 : i32
    %dma_start3A_181 = arith.constant 0 : i32
    %dma_start3A_182 = arith.constant 0 : i32
    %dma_start3A_183 = tpu.memref_slice %arg7[%dma_start3A_180, %dma_start3A_181, %dma_start3A_182] : memref<2x16x1024xf32, #tpu.memory_space<vmem>> -> memref<1x16x1024xf32, #tpu.memory_space<vmem>>
    %dma_start3A_184 = tpu.memref_squeeze %dma_start3A_183 : memref<1x16x1024xf32, #tpu.memory_space<vmem>> -> memref<16x1024xf32, #tpu.memory_space<vmem>>
    %dma_start3A_185 = arith.constant 48 : i32
    %dma_start3A_186 = tpu.memref_slice %arg9[%dma_start3A_185] : memref<64xi32, #tpu.memory_space<vmem>> -> memref<16xi32, #tpu.memory_space<vmem>>
    %dma_start3A_187 = arith.constant 0 : i32
    %dma_start3A_188 = arith.constant 0 : i32
    %dma_start3A_189 = tpu.memref_slice %arg2[%dma_start3A_187, %dma_start3A_188] : memref<8192x1024xf32, #tpu.memory_space<hbm>> -> memref<8192x1024xf32, #tpu.memory_space<hbm>>
    tpu.enqueue_indirect_dma source(%dma_start3A_189 : memref<8192x1024xf32, #tpu.memory_space<hbm>>) target(%dma_start3A_184 : memref<16x1024xf32, #tpu.memory_space<vmem>>) offsets(%dma_start3A_186 : memref<16xi32, #tpu.memory_space<vmem>>) semaphore(%arg13 : memref<!tpu.dma_semaphore, #tpu.memory_space<semaphore_mem>>)
    %dma_wait3A_190 = arith.constant 0 : i32
    %dma_wait3A_191 = arith.constant 0 : i32
    %dma_wait3A_192 = arith.constant 0 : i32
    %dma_wait3A_193 = tpu.memref_slice %arg6[%dma_wait3A_190, %dma_wait3A_191, %dma_wait3A_192] : memref<2x16x1024xf32, #tpu.memory_space<vmem>> -> memref<1x16x1024xf32, #tpu.memory_space<vmem>>
    %dma_wait3A_194 = tpu.memref_squeeze %dma_wait3A_193 : memref<1x16x1024xf32, #tpu.memory_space<vmem>> -> memref<16x1024xf32, #tpu.memory_space<vmem>>
    %dma_wait3A_195 = arith.constant 32 : i32
    %dma_wait3A_196 = tpu.memref_slice %arg8[%dma_wait3A_195] : memref<64xi32, #tpu.memory_space<vmem>> -> memref<16xi32, #tpu.memory_space<vmem>>
    %dma_wait3A_197 = arith.constant 0 : i32
    %dma_wait3A_198 = arith.constant 0 : i32
    %dma_wait3A_199 = tpu.memref_slice %arg2[%dma_wait3A_197, %dma_wait3A_198] : memref<8192x1024xf32, #tpu.memory_space<hbm>> -> memref<8192x1024xf32, #tpu.memory_space<hbm>>
    tpu.wait_indirect_dma semaphore(%arg10 : memref<!tpu.dma_semaphore, #tpu.memory_space<semaphore_mem>>) src(%dma_wait3A_199 : memref<8192x1024xf32, #tpu.memory_space<hbm>>) dst(%dma_wait3A_194 : memref<16x1024xf32, #tpu.memory_space<vmem>>)
    %dma_wait3A_200 = arith.constant 0 : i32
    %dma_wait3A_201 = arith.constant 0 : i32
    %dma_wait3A_202 = arith.constant 0 : i32
    %dma_wait3A_203 = tpu.memref_slice %arg7[%dma_wait3A_200, %dma_wait3A_201, %dma_wait3A_202] : memref<2x16x1024xf32, #tpu.memory_space<vmem>> -> memref<1x16x1024xf32, #tpu.memory_space<vmem>>
    %dma_wait3A_204 = tpu.memref_squeeze %dma_wait3A_203 : memref<1x16x1024xf32, #tpu.memory_space<vmem>> -> memref<16x1024xf32, #tpu.memory_space<vmem>>
    %dma_wait3A_205 = arith.constant 32 : i32
    %dma_wait3A_206 = tpu.memref_slice %arg9[%dma_wait3A_205] : memref<64xi32, #tpu.memory_space<vmem>> -> memref<16xi32, #tpu.memory_space<vmem>>
    %dma_wait3A_207 = arith.constant 0 : i32
    %dma_wait3A_208 = arith.constant 0 : i32
    %dma_wait3A_209 = tpu.memref_slice %arg2[%dma_wait3A_207, %dma_wait3A_208] : memref<8192x1024xf32, #tpu.memory_space<hbm>> -> memref<8192x1024xf32, #tpu.memory_space<hbm>>
    tpu.wait_indirect_dma semaphore(%arg12 : memref<!tpu.dma_semaphore, #tpu.memory_space<semaphore_mem>>) src(%dma_wait3A_209 : memref<8192x1024xf32, #tpu.memory_space<hbm>>) dst(%dma_wait3A_204 : memref<16x1024xf32, #tpu.memory_space<vmem>>)
    %parallel_loop3A_210 = arith.constant 0 : i32
    %parallel_loop3A_211 = arith.constant 1024 : i32
    %parallel_loop3A_212 = arith.constant 1 : i32
    scf.for %parallel_loop3A_292 = %parallel_loop3A_210 to %parallel_loop3A_211 step %parallel_loop3A_212  : i32 {
      %parallel_loop3A_293 = arith.constant 64 : i32
      %parallel_loop3A_294 = arith.divsi %parallel_loop3A_292, %parallel_loop3A_293 : i32
      %parallel_loop3A_295 = arith.constant 0 : i32
      %parallel_loop3A_296 = arith.cmpi sgt, %parallel_loop3A_292, %parallel_loop3A_295 : i32
      %parallel_loop3A_297 = arith.extui %parallel_loop3A_296 : i1 to i32
      %parallel_loop3A_298 = arith.constant 0 : i32
      %parallel_loop3A_299 = arith.cmpi slt, %parallel_loop3A_292, %parallel_loop3A_298 : i32
      %parallel_loop3A_300 = arith.extui %parallel_loop3A_299 : i1 to i32
      %parallel_loop3A_301 = arith.subi %parallel_loop3A_297, %parallel_loop3A_300 : i32
      %parallel_loop3A_302 = arith.constant 0 : i32
      %parallel_loop3A_303 = arith.cmpi sgt, %parallel_loop3A_293, %parallel_loop3A_302 : i32
      %parallel_loop3A_304 = arith.extui %parallel_loop3A_303 : i1 to i32
      %parallel_loop3A_305 = arith.constant 0 : i32
      %parallel_loop3A_306 = arith.cmpi slt, %parallel_loop3A_293, %parallel_loop3A_305 : i32
      %parallel_loop3A_307 = arith.extui %parallel_loop3A_306 : i1 to i32
      %parallel_loop3A_308 = arith.subi %parallel_loop3A_304, %parallel_loop3A_307 : i32
      %parallel_loop3A_309 = arith.cmpi ne, %parallel_loop3A_301, %parallel_loop3A_308 : i32
      %parallel_loop3A_310 = arith.remsi %parallel_loop3A_292, %parallel_loop3A_293 : i32
      %parallel_loop3A_311 = arith.constant 0 : i32
      %parallel_loop3A_312 = arith.cmpi ne, %parallel_loop3A_310, %parallel_loop3A_311 : i32
      %parallel_loop3A_313 = arith.andi %parallel_loop3A_309, %parallel_loop3A_312 : i1
      %parallel_loop3A_314 = arith.constant 1 : i32
      %parallel_loop3A_315 = arith.subi %parallel_loop3A_294, %parallel_loop3A_314 : i32
      %parallel_loop3A_316 = arith.select %parallel_loop3A_313, %parallel_loop3A_315, %parallel_loop3A_294 : i32
      %parallel_loop3A_317 = arith.constant 64 : i32
      %parallel_loop3A_318 = arith.constant 0 : i32
      %parallel_loop3A_319 = arith.cmpi eq, %parallel_loop3A_317, %parallel_loop3A_318 : i32
      %parallel_loop3A_320 = arith.constant 1 : i32
      %parallel_loop3A_321 = arith.select %parallel_loop3A_319, %parallel_loop3A_320, %parallel_loop3A_317 : i32
      %parallel_loop3A_322 = arith.remsi %parallel_loop3A_292, %parallel_loop3A_321 : i32
      %parallel_loop3A_323 = arith.constant 0 : i32
      %parallel_loop3A_324 = arith.cmpi ne, %parallel_loop3A_322, %parallel_loop3A_323 : i32
      %parallel_loop3A_325 = arith.constant 0 : i32
      %parallel_loop3A_326 = arith.cmpi slt, %parallel_loop3A_322, %parallel_loop3A_325 : i32
      %parallel_loop3A_327 = arith.constant 0 : i32
      %parallel_loop3A_328 = arith.cmpi slt, %parallel_loop3A_321, %parallel_loop3A_327 : i32
      %parallel_loop3A_329 = arith.xori %parallel_loop3A_326, %parallel_loop3A_328 : i1
      %parallel_loop3A_330 = arith.andi %parallel_loop3A_329, %parallel_loop3A_324 : i1
      %parallel_loop3A_331 = arith.addi %parallel_loop3A_322, %parallel_loop3A_321 : i32
      %parallel_loop3A_332 = arith.select %parallel_loop3A_330, %parallel_loop3A_331, %parallel_loop3A_322 : i32
      %parallel_loop3A_333 = arith.constant 16 : i32
      %parallel_loop3A_334 = arith.muli %parallel_loop3A_332, %parallel_loop3A_333 : i32
      %parallel_loop3A_335 = arith.constant 0 : i32
      %parallel_loop3A_336 = arith.index_cast %parallel_loop3A_335 : i32 to index
      %parallel_loop3A_337 = arith.index_cast %parallel_loop3A_316 : i32 to index
      %parallel_loop3A_338 = arith.index_cast %parallel_loop3A_334 : i32 to index
      %parallel_loop3A_339 = tpu.vector_load %arg6[%parallel_loop3A_336, %parallel_loop3A_337, %parallel_loop3A_338] {strides = array<i32>} : memref<2x16x1024xf32, #tpu.memory_space<vmem>>, vector<1x1x16xf32>,
      %parallel_loop3A_340 = vector.shape_cast %parallel_loop3A_339 : vector<1x1x16xf32> to vector<16xf32>
      %parallel_loop3A_341 = arith.constant 16 : i32
      %parallel_loop3A_342 = arith.muli %parallel_loop3A_332, %parallel_loop3A_341 : i32
      %parallel_loop3A_343 = arith.constant 0 : i32
      %parallel_loop3A_344 = arith.index_cast %parallel_loop3A_343 : i32 to index
      %parallel_loop3A_345 = arith.index_cast %parallel_loop3A_316 : i32 to index
      %parallel_loop3A_346 = arith.index_cast %parallel_loop3A_342 : i32 to index
      %parallel_loop3A_347 = tpu.vector_load %arg7[%parallel_loop3A_344, %parallel_loop3A_345, %parallel_loop3A_346] {strides = array<i32>} : memref<2x16x1024xf32, #tpu.memory_space<vmem>>, vector<1x1x16xf32>,
      %parallel_loop3A_348 = vector.shape_cast %parallel_loop3A_347 : vector<1x1x16xf32> to vector<16xf32>
      %parallel_loop3A_349 = arith.addf %parallel_loop3A_340, %parallel_loop3A_348 : vector<16xf32>
      %parallel_loop3A_350 = arith.constant 16 : i32
      %parallel_loop3A_351 = arith.muli %parallel_loop3A_332, %parallel_loop3A_350 : i32
      %parallel_loop3A_352 = arith.constant 0 : i32
      %parallel_loop3A_353 = arith.index_cast %parallel_loop3A_352 : i32 to index
      %parallel_loop3A_354 = arith.index_cast %parallel_loop3A_316 : i32 to index
      %parallel_loop3A_355 = arith.index_cast %parallel_loop3A_351 : i32 to index
      %parallel_loop3A_356 = tpu.vector_load %arg6[%parallel_loop3A_353, %parallel_loop3A_354, %parallel_loop3A_355] {strides = array<i32>} : memref<2x16x1024xf32, #tpu.memory_space<vmem>>, vector<1x1x16xf32>,
      %parallel_loop3A_357 = vector.shape_cast %parallel_loop3A_356 : vector<1x1x16xf32> to vector<16xf32>
      %parallel_loop3A_358 = vector.shape_cast %parallel_loop3A_349 : vector<16xf32> to vector<1x1x16xf32>
      tpu.vector_store %arg6[%parallel_loop3A_353, %parallel_loop3A_354, %parallel_loop3A_355], %parallel_loop3A_358 {strides = array<i32>} : memref<2x16x1024xf32, #tpu.memory_space<vmem>>, vector<1x1x16xf32>,
    } {sc.loop_unroll_factor = 8 : i64, sc.parallel_access}
    %add3A_213 = arith.constant 32 : i32
    %add3A_214 = arith.addi %mul3A_2, %add3A_213 : i32
    %dma_start3A_215 = arith.constant 0 : i32
    %dma_start3A_216 = arith.constant 0 : i32
    %dma_start3A_217 = arith.constant 0 : i32
    %dma_start3A_218 = tpu.memref_slice %arg6[%dma_start3A_215, %dma_start3A_216, %dma_start3A_217] : memref<2x16x1024xf32, #tpu.memory_space<vmem>> -> memref<1x16x1024xf32, #tpu.memory_space<vmem>>
    %dma_start3A_219 = tpu.memref_squeeze %dma_start3A_218 : memref<1x16x1024xf32, #tpu.memory_space<vmem>> -> memref<16x1024xf32, #tpu.memory_space<vmem>>
    %dma_start3A_220 = arith.constant 0 : i32
    %dma_start3A_221 = tpu.memref_slice %arg5[%add3A_214, %dma_start3A_220] : memref<2048x1024xf32, #tpu.memory_space<hbm>> -> memref<16x1024xf32, #tpu.memory_space<hbm>>
    %dma_start3A_222 = arith.constant 0 : i32
    %dma_start3A_223 = tpu.memref_slice %arg5[%add3A_214, %dma_start3A_222] : memref<2048x1024xf32, #tpu.memory_space<hbm>> -> memref<16x1024xf32, #tpu.memory_space<hbm>>
    %dma_start3A_224 = arith.constant 0 : i32
    %dma_start3A_225 = arith.constant 0 : i32
    %dma_start3A_226 = tpu.memref_slice %arg6[%dma_start3A_215, %dma_start3A_224, %dma_start3A_225] : memref<2x16x1024xf32, #tpu.memory_space<vmem>> -> memref<1x16x1024xf32, #tpu.memory_space<vmem>>
    %dma_start3A_227 = tpu.memref_squeeze %dma_start3A_226 : memref<1x16x1024xf32, #tpu.memory_space<vmem>> -> memref<16x1024xf32, #tpu.memory_space<vmem>>
    tpu.enqueue_dma source(%dma_start3A_227 : memref<16x1024xf32, #tpu.memory_space<vmem>>) target(%dma_start3A_223 : memref<16x1024xf32, #tpu.memory_space<hbm>>) target_semaphore(%arg14 : memref<!tpu.dma_semaphore, #tpu.memory_space<semaphore_mem>>)
    %dma_wait3A_228 = arith.constant 0 : i32
    %dma_wait3A_229 = arith.constant 0 : i32
    %dma_wait3A_230 = arith.constant 0 : i32
    %dma_wait3A_231 = tpu.memref_slice %arg6[%dma_wait3A_228, %dma_wait3A_229, %dma_wait3A_230] : memref<2x16x1024xf32, #tpu.memory_space<vmem>> -> memref<1x16x1024xf32, #tpu.memory_space<vmem>>
    %dma_wait3A_232 = tpu.memref_squeeze %dma_wait3A_231 : memref<1x16x1024xf32, #tpu.memory_space<vmem>> -> memref<16x1024xf32, #tpu.memory_space<vmem>>
    %dma_wait3A_233 = arith.constant 0 : i32
    %dma_wait3A_234 = tpu.memref_slice %arg5[%add3A_214, %dma_wait3A_233] : memref<2048x1024xf32, #tpu.memory_space<hbm>> -> memref<16x1024xf32, #tpu.memory_space<hbm>>
    %dma_wait3A_235 = arith.constant 0 : i32
    %dma_wait3A_236 = tpu.memref_slice %arg5[%add3A_214, %dma_wait3A_235] : memref<2048x1024xf32, #tpu.memory_space<hbm>> -> memref<16x1024xf32, #tpu.memory_space<hbm>>
    %dma_wait3A_237 = arith.constant 0 : i32
    %dma_wait3A_238 = arith.constant 0 : i32
    %dma_wait3A_239 = tpu.memref_slice %arg6[%dma_wait3A_228, %dma_wait3A_237, %dma_wait3A_238] : memref<2x16x1024xf32, #tpu.memory_space<vmem>> -> memref<1x16x1024xf32, #tpu.memory_space<vmem>>
    %dma_wait3A_240 = tpu.memref_squeeze %dma_wait3A_239 : memref<1x16x1024xf32, #tpu.memory_space<vmem>> -> memref<16x1024xf32, #tpu.memory_space<vmem>>
    tpu.wait_dma2 semaphore(%arg14 : memref<!tpu.dma_semaphore, #tpu.memory_space<semaphore_mem>>) src(%dma_wait3A_240 : memref<16x1024xf32, #tpu.memory_space<vmem>>) dst(%dma_wait3A_236 : memref<16x1024xf32, #tpu.memory_space<hbm>>)
    %dma_wait3A_241 = arith.constant 1 : i32
    %dma_wait3A_242 = arith.constant 0 : i32
    %dma_wait3A_243 = arith.constant 0 : i32
    %dma_wait3A_244 = tpu.memref_slice %arg6[%dma_wait3A_241, %dma_wait3A_242, %dma_wait3A_243] : memref<2x16x1024xf32, #tpu.memory_space<vmem>> -> memref<1x16x1024xf32, #tpu.memory_space<vmem>>
    %dma_wait3A_245 = tpu.memref_squeeze %dma_wait3A_244 : memref<1x16x1024xf32, #tpu.memory_space<vmem>> -> memref<16x1024xf32, #tpu.memory_space<vmem>>
    %dma_wait3A_246 = arith.constant 48 : i32
    %dma_wait3A_247 = tpu.memref_slice %arg8[%dma_wait3A_246] : memref<64xi32, #tpu.memory_space<vmem>> -> memref<16xi32, #tpu.memory_space<vmem>>
    %dma_wait3A_248 = arith.constant 0 : i32
    %dma_wait3A_249 = arith.constant 0 : i32
    %dma_wait3A_250 = tpu.memref_slice %arg2[%dma_wait3A_248, %dma_wait3A_249] : memref<8192x1024xf32, #tpu.memory_space<hbm>> -> memref<8192x1024xf32, #tpu.memory_space<hbm>>
    tpu.wait_indirect_dma semaphore(%arg11 : memref<!tpu.dma_semaphore, #tpu.memory_space<semaphore_mem>>) src(%dma_wait3A_250 : memref<8192x1024xf32, #tpu.memory_space<hbm>>) dst(%dma_wait3A_245 : memref<16x1024xf32, #tpu.memory_space<vmem>>)
    %dma_wait3A_251 = arith.constant 1 : i32
    %dma_wait3A_252 = arith.constant 0 : i32
    %dma_wait3A_253 = arith.constant 0 : i32
    %dma_wait3A_254 = tpu.memref_slice %arg7[%dma_wait3A_251, %dma_wait3A_252, %dma_wait3A_253] : memref<2x16x1024xf32, #tpu.memory_space<vmem>> -> memref<1x16x1024xf32, #tpu.memory_space<vmem>>
    %dma_wait3A_255 = tpu.memref_squeeze %dma_wait3A_254 : memref<1x16x1024xf32, #tpu.memory_space<vmem>> -> memref<16x1024xf32, #tpu.memory_space<vmem>>
    %dma_wait3A_256 = arith.constant 48 : i32
    %dma_wait3A_257 = tpu.memref_slice %arg9[%dma_wait3A_256] : memref<64xi32, #tpu.memory_space<vmem>> -> memref<16xi32, #tpu.memory_space<vmem>>
    %dma_wait3A_258 = arith.constant 0 : i32
    %dma_wait3A_259 = arith.constant 0 : i32
    %dma_wait3A_260 = tpu.memref_slice %arg2[%dma_wait3A_258, %dma_wait3A_259] : memref<8192x1024xf32, #tpu.memory_space<hbm>> -> memref<8192x1024xf32, #tpu.memory_space<hbm>>
    tpu.wait_indirect_dma semaphore(%arg13 : memref<!tpu.dma_semaphore, #tpu.memory_space<semaphore_mem>>) src(%dma_wait3A_260 : memref<8192x1024xf32, #tpu.memory_space<hbm>>) dst(%dma_wait3A_255 : memref<16x1024xf32, #tpu.memory_space<vmem>>)
    %parallel_loop3A_261 = arith.constant 0 : i32
    %parallel_loop3A_262 = arith.constant 1024 : i32
    %parallel_loop3A_263 = arith.constant 1 : i32
    scf.for %parallel_loop3A_292 = %parallel_loop3A_261 to %parallel_loop3A_262 step %parallel_loop3A_263  : i32 {
      %parallel_loop3A_293 = arith.constant 64 : i32
      %parallel_loop3A_294 = arith.divsi %parallel_loop3A_292, %parallel_loop3A_293 : i32
      %parallel_loop3A_295 = arith.constant 0 : i32
      %parallel_loop3A_296 = arith.cmpi sgt, %parallel_loop3A_292, %parallel_loop3A_295 : i32
      %parallel_loop3A_297 = arith.extui %parallel_loop3A_296 : i1 to i32
      %parallel_loop3A_298 = arith.constant 0 : i32
      %parallel_loop3A_299 = arith.cmpi slt, %parallel_loop3A_292, %parallel_loop3A_298 : i32
      %parallel_loop3A_300 = arith.extui %parallel_loop3A_299 : i1 to i32
      %parallel_loop3A_301 = arith.subi %parallel_loop3A_297, %parallel_loop3A_300 : i32
      %parallel_loop3A_302 = arith.constant 0 : i32
      %parallel_loop3A_303 = arith.cmpi sgt, %parallel_loop3A_293, %parallel_loop3A_302 : i32
      %parallel_loop3A_304 = arith.extui %parallel_loop3A_303 : i1 to i32
      %parallel_loop3A_305 = arith.constant 0 : i32
      %parallel_loop3A_306 = arith.cmpi slt, %parallel_loop3A_293, %parallel_loop3A_305 : i32
      %parallel_loop3A_307 = arith.extui %parallel_loop3A_306 : i1 to i32
      %parallel_loop3A_308 = arith.subi %parallel_loop3A_304, %parallel_loop3A_307 : i32
      %parallel_loop3A_309 = arith.cmpi ne, %parallel_loop3A_301, %parallel_loop3A_308 : i32
      %parallel_loop3A_310 = arith.remsi %parallel_loop3A_292, %parallel_loop3A_293 : i32
      %parallel_loop3A_311 = arith.constant 0 : i32
      %parallel_loop3A_312 = arith.cmpi ne, %parallel_loop3A_310, %parallel_loop3A_311 : i32
      %parallel_loop3A_313 = arith.andi %parallel_loop3A_309, %parallel_loop3A_312 : i1
      %parallel_loop3A_314 = arith.constant 1 : i32
      %parallel_loop3A_315 = arith.subi %parallel_loop3A_294, %parallel_loop3A_314 : i32
      %parallel_loop3A_316 = arith.select %parallel_loop3A_313, %parallel_loop3A_315, %parallel_loop3A_294 : i32
      %parallel_loop3A_317 = arith.constant 64 : i32
      %parallel_loop3A_318 = arith.constant 0 : i32
      %parallel_loop3A_319 = arith.cmpi eq, %parallel_loop3A_317, %parallel_loop3A_318 : i32
      %parallel_loop3A_320 = arith.constant 1 : i32
      %parallel_loop3A_321 = arith.select %parallel_loop3A_319, %parallel_loop3A_320, %parallel_loop3A_317 : i32
      %parallel_loop3A_322 = arith.remsi %parallel_loop3A_292, %parallel_loop3A_321 : i32
      %parallel_loop3A_323 = arith.constant 0 : i32
      %parallel_loop3A_324 = arith.cmpi ne, %parallel_loop3A_322, %parallel_loop3A_323 : i32
      %parallel_loop3A_325 = arith.constant 0 : i32
      %parallel_loop3A_326 = arith.cmpi slt, %parallel_loop3A_322, %parallel_loop3A_325 : i32
      %parallel_loop3A_327 = arith.constant 0 : i32
      %parallel_loop3A_328 = arith.cmpi slt, %parallel_loop3A_321, %parallel_loop3A_327 : i32
      %parallel_loop3A_329 = arith.xori %parallel_loop3A_326, %parallel_loop3A_328 : i1
      %parallel_loop3A_330 = arith.andi %parallel_loop3A_329, %parallel_loop3A_324 : i1
      %parallel_loop3A_331 = arith.addi %parallel_loop3A_322, %parallel_loop3A_321 : i32
      %parallel_loop3A_332 = arith.select %parallel_loop3A_330, %parallel_loop3A_331, %parallel_loop3A_322 : i32
      %parallel_loop3A_333 = arith.constant 16 : i32
      %parallel_loop3A_334 = arith.muli %parallel_loop3A_332, %parallel_loop3A_333 : i32
      %parallel_loop3A_335 = arith.constant 1 : i32
      %parallel_loop3A_336 = arith.index_cast %parallel_loop3A_335 : i32 to index
      %parallel_loop3A_337 = arith.index_cast %parallel_loop3A_316 : i32 to index
      %parallel_loop3A_338 = arith.index_cast %parallel_loop3A_334 : i32 to index
      %parallel_loop3A_339 = tpu.vector_load %arg6[%parallel_loop3A_336, %parallel_loop3A_337, %parallel_loop3A_338] {strides = array<i32>} : memref<2x16x1024xf32, #tpu.memory_space<vmem>>, vector<1x1x16xf32>,
      %parallel_loop3A_340 = vector.shape_cast %parallel_loop3A_339 : vector<1x1x16xf32> to vector<16xf32>
      %parallel_loop3A_341 = arith.constant 16 : i32
      %parallel_loop3A_342 = arith.muli %parallel_loop3A_332, %parallel_loop3A_341 : i32
      %parallel_loop3A_343 = arith.constant 1 : i32
      %parallel_loop3A_344 = arith.index_cast %parallel_loop3A_343 : i32 to index
      %parallel_loop3A_345 = arith.index_cast %parallel_loop3A_316 : i32 to index
      %parallel_loop3A_346 = arith.index_cast %parallel_loop3A_342 : i32 to index
      %parallel_loop3A_347 = tpu.vector_load %arg7[%parallel_loop3A_344, %parallel_loop3A_345, %parallel_loop3A_346] {strides = array<i32>} : memref<2x16x1024xf32, #tpu.memory_space<vmem>>, vector<1x1x16xf32>,
      %parallel_loop3A_348 = vector.shape_cast %parallel_loop3A_347 : vector<1x1x16xf32> to vector<16xf32>
      %parallel_loop3A_349 = arith.addf %parallel_loop3A_340, %parallel_loop3A_348 : vector<16xf32>
      %parallel_loop3A_350 = arith.constant 16 : i32
      %parallel_loop3A_351 = arith.muli %parallel_loop3A_332, %parallel_loop3A_350 : i32
      %parallel_loop3A_352 = arith.constant 1 : i32
      %parallel_loop3A_353 = arith.index_cast %parallel_loop3A_352 : i32 to index
      %parallel_loop3A_354 = arith.index_cast %parallel_loop3A_316 : i32 to index
      %parallel_loop3A_355 = arith.index_cast %parallel_loop3A_351 : i32 to index
      %parallel_loop3A_356 = tpu.vector_load %arg6[%parallel_loop3A_353, %parallel_loop3A_354, %parallel_loop3A_355] {strides = array<i32>} : memref<2x16x1024xf32, #tpu.memory_space<vmem>>, vector<1x1x16xf32>,
      %parallel_loop3A_357 = vector.shape_cast %parallel_loop3A_356 : vector<1x1x16xf32> to vector<16xf32>
      %parallel_loop3A_358 = vector.shape_cast %parallel_loop3A_349 : vector<16xf32> to vector<1x1x16xf32>
      tpu.vector_store %arg6[%parallel_loop3A_353, %parallel_loop3A_354, %parallel_loop3A_355], %parallel_loop3A_358 {strides = array<i32>} : memref<2x16x1024xf32, #tpu.memory_space<vmem>>, vector<1x1x16xf32>,
    } {sc.loop_unroll_factor = 8 : i64, sc.parallel_access}
    %add3A_264 = arith.constant 48 : i32
    %add3A_265 = arith.addi %mul3A_2, %add3A_264 : i32
    %dma_start3A_266 = arith.constant 1 : i32
    %dma_start3A_267 = arith.constant 0 : i32
    %dma_start3A_268 = arith.constant 0 : i32
    %dma_start3A_269 = tpu.memref_slice %arg6[%dma_start3A_266, %dma_start3A_267, %dma_start3A_268] : memref<2x16x1024xf32, #tpu.memory_space<vmem>> -> memref<1x16x1024xf32, #tpu.memory_space<vmem>>
    %dma_start3A_270 = tpu.memref_squeeze %dma_start3A_269 : memref<1x16x1024xf32, #tpu.memory_space<vmem>> -> memref<16x1024xf32, #tpu.memory_space<vmem>>
    %dma_start3A_271 = arith.constant 0 : i32
    %dma_start3A_272 = tpu.memref_slice %arg5[%add3A_265, %dma_start3A_271] : memref<2048x1024xf32, #tpu.memory_space<hbm>> -> memref<16x1024xf32, #tpu.memory_space<hbm>>
    %dma_start3A_273 = arith.constant 0 : i32
    %dma_start3A_274 = tpu.memref_slice %arg5[%add3A_265, %dma_start3A_273] : memref<2048x1024xf32, #tpu.memory_space<hbm>> -> memref<16x1024xf32, #tpu.memory_space<hbm>>
    %dma_start3A_275 = arith.constant 0 : i32
    %dma_start3A_276 = arith.constant 0 : i32
    %dma_start3A_277 = tpu.memref_slice %arg6[%dma_start3A_266, %dma_start3A_275, %dma_start3A_276] : memref<2x16x1024xf32, #tpu.memory_space<vmem>> -> memref<1x16x1024xf32, #tpu.memory_space<vmem>>
    %dma_start3A_278 = tpu.memref_squeeze %dma_start3A_277 : memref<1x16x1024xf32, #tpu.memory_space<vmem>> -> memref<16x1024xf32, #tpu.memory_space<vmem>>
    tpu.enqueue_dma source(%dma_start3A_278 : memref<16x1024xf32, #tpu.memory_space<vmem>>) target(%dma_start3A_274 : memref<16x1024xf32, #tpu.memory_space<hbm>>) target_semaphore(%arg14 : memref<!tpu.dma_semaphore, #tpu.memory_space<semaphore_mem>>)
    %dma_wait3A_279 = arith.constant 1 : i32
    %dma_wait3A_280 = arith.constant 0 : i32
    %dma_wait3A_281 = arith.constant 0 : i32
    %dma_wait3A_282 = tpu.memref_slice %arg6[%dma_wait3A_279, %dma_wait3A_280, %dma_wait3A_281] : memref<2x16x1024xf32, #tpu.memory_space<vmem>> -> memref<1x16x1024xf32, #tpu.memory_space<vmem>>
    %dma_wait3A_283 = tpu.memref_squeeze %dma_wait3A_282 : memref<1x16x1024xf32, #tpu.memory_space<vmem>> -> memref<16x1024xf32, #tpu.memory_space<vmem>>
    %dma_wait3A_284 = arith.constant 0 : i32
    %dma_wait3A_285 = tpu.memref_slice %arg5[%add3A_265, %dma_wait3A_284] : memref<2048x1024xf32, #tpu.memory_space<hbm>> -> memref<16x1024xf32, #tpu.memory_space<hbm>>
    %dma_wait3A_286 = arith.constant 0 : i32
    %dma_wait3A_287 = tpu.memref_slice %arg5[%add3A_265, %dma_wait3A_286] : memref<2048x1024xf32, #tpu.memory_space<hbm>> -> memref<16x1024xf32, #tpu.memory_space<hbm>>
    %dma_wait3A_288 = arith.constant 0 : i32
    %dma_wait3A_289 = arith.constant 0 : i32
    %dma_wait3A_290 = tpu.memref_slice %arg6[%dma_wait3A_279, %dma_wait3A_288, %dma_wait3A_289] : memref<2x16x1024xf32, #tpu.memory_space<vmem>> -> memref<1x16x1024xf32, #tpu.memory_space<vmem>>
    %dma_wait3A_291 = tpu.memref_squeeze %dma_wait3A_290 : memref<1x16x1024xf32, #tpu.memory_space<vmem>> -> memref<16x1024xf32, #tpu.memory_space<vmem>>
    tpu.wait_dma2 semaphore(%arg14 : memref<!tpu.dma_semaphore, #tpu.memory_space<semaphore_mem>>) src(%dma_wait3A_291 : memref<16x1024xf32, #tpu.memory_space<vmem>>) dst(%dma_wait3A_287 : memref<16x1024xf32, #tpu.memory_space<hbm>>)
    return
  }
}

#map = affine_map<(d0, d1) -> (0, 0)>
#map1 = affine_map<(d0, d1) -> (0)>
module attributes {stable_mosaic.version = 14 : i64} {
  func.func @_scatter_k(%arg0: i32, %arg1: i32, %arg2: memref<2048x1024xf32, #tpu.memory_space<hbm>>, %arg3: memref<2048xi32, #tpu.memory_space<hbm>>, %arg4: memref<2048xi32, #tpu.memory_space<hbm>>, %arg5: memref<2048x128xf32, #tpu.memory_space<hbm>>, %arg6: memref<2048x128xf32, #tpu.memory_space<hbm>>, %arg7: memref<7680x1024xf32, #tpu.memory_space<hbm>>, %arg8: memref<7680x128xf32, #tpu.memory_space<hbm>>, %arg9: memref<64x1024xf32, #tpu.memory_space<vmem>>, %arg10: memref<64xi32, #tpu.memory_space<vmem>>, %arg11: memref<64xi32, #tpu.memory_space<vmem>>, %arg12: memref<64x128xf32, #tpu.memory_space<vmem>>, %arg13: memref<64x128xf32, #tpu.memory_space<vmem>>, %arg14: memref<!tpu.dma_semaphore, #tpu.memory_space<semaphore_mem>>, %arg15: memref<!tpu.dma_semaphore, #tpu.memory_space<semaphore_mem>>, %arg16: memref<!tpu.dma_semaphore, #tpu.memory_space<semaphore_mem>>, %arg17: memref<!tpu.dma_semaphore, #tpu.memory_space<semaphore_mem>>, %arg18: memref<!tpu.dma_semaphore, #tpu.memory_space<semaphore_mem>>) attributes {dimension_semantics = [#tpu.dimension_semantics<core_parallel>, #tpu.dimension_semantics<subcore_parallel>], iteration_bounds = array<i64: 2, 16>, scalar_prefetch = 0 : i64, scratch_operands = 10 : i64, tpu.core_type = #tpu.core_type<sc_vector_subcore>, window_params = [{transform_indices = #map}, {transform_indices = #map1}, {transform_indices = #map1}, {transform_indices = #map}, {transform_indices = #map}, {transform_indices = #map}, {transform_indices = #map}]} {
    %mul3A = arith.constant 2 : i32
    %mul3A_0 = arith.muli %arg1, %mul3A : i32
    %add3A = arith.addi %mul3A_0, %arg0 : i32
    %mul3A_1 = arith.constant 64 : i32
    %mul3A_2 = arith.muli %add3A, %mul3A_1 : i32
    %dma_start3A = arith.constant 0 : i32
    %dma_start3A_3 = tpu.memref_slice %arg2[%mul3A_2, %dma_start3A] : memref<2048x1024xf32, #tpu.memory_space<hbm>> -> memref<64x1024xf32, #tpu.memory_space<hbm>>
    %dma_start3A_4 = arith.constant 0 : i32
    %dma_start3A_5 = tpu.memref_slice %arg2[%mul3A_2, %dma_start3A_4] : memref<2048x1024xf32, #tpu.memory_space<hbm>> -> memref<64x1024xf32, #tpu.memory_space<hbm>>
    tpu.enqueue_dma source(%dma_start3A_5 : memref<64x1024xf32, #tpu.memory_space<hbm>>) target(%arg9 : memref<64x1024xf32, #tpu.memory_space<vmem>>) target_semaphore(%arg14 : memref<!tpu.dma_semaphore, #tpu.memory_space<semaphore_mem>>)
    %dma_start3A_6 = tpu.memref_slice %arg3[%mul3A_2] : memref<2048xi32, #tpu.memory_space<hbm>> -> memref<64xi32, #tpu.memory_space<hbm>>
    %dma_start3A_7 = tpu.memref_slice %arg3[%mul3A_2] : memref<2048xi32, #tpu.memory_space<hbm>> -> memref<64xi32, #tpu.memory_space<hbm>>
    tpu.enqueue_dma source(%dma_start3A_7 : memref<64xi32, #tpu.memory_space<hbm>>) target(%arg10 : memref<64xi32, #tpu.memory_space<vmem>>) target_semaphore(%arg15 : memref<!tpu.dma_semaphore, #tpu.memory_space<semaphore_mem>>)
    %dma_start3A_8 = tpu.memref_slice %arg4[%mul3A_2] : memref<2048xi32, #tpu.memory_space<hbm>> -> memref<64xi32, #tpu.memory_space<hbm>>
    %dma_start3A_9 = tpu.memref_slice %arg4[%mul3A_2] : memref<2048xi32, #tpu.memory_space<hbm>> -> memref<64xi32, #tpu.memory_space<hbm>>
    tpu.enqueue_dma source(%dma_start3A_9 : memref<64xi32, #tpu.memory_space<hbm>>) target(%arg11 : memref<64xi32, #tpu.memory_space<vmem>>) target_semaphore(%arg16 : memref<!tpu.dma_semaphore, #tpu.memory_space<semaphore_mem>>)
    %dma_start3A_10 = arith.constant 0 : i32
    %dma_start3A_11 = tpu.memref_slice %arg5[%mul3A_2, %dma_start3A_10] : memref<2048x128xf32, #tpu.memory_space<hbm>> -> memref<64x128xf32, #tpu.memory_space<hbm>>
    %dma_start3A_12 = arith.constant 0 : i32
    %dma_start3A_13 = tpu.memref_slice %arg5[%mul3A_2, %dma_start3A_12] : memref<2048x128xf32, #tpu.memory_space<hbm>> -> memref<64x128xf32, #tpu.memory_space<hbm>>
    tpu.enqueue_dma source(%dma_start3A_13 : memref<64x128xf32, #tpu.memory_space<hbm>>) target(%arg12 : memref<64x128xf32, #tpu.memory_space<vmem>>) target_semaphore(%arg17 : memref<!tpu.dma_semaphore, #tpu.memory_space<semaphore_mem>>)
    %dma_start3A_14 = arith.constant 0 : i32
    %dma_start3A_15 = tpu.memref_slice %arg6[%mul3A_2, %dma_start3A_14] : memref<2048x128xf32, #tpu.memory_space<hbm>> -> memref<64x128xf32, #tpu.memory_space<hbm>>
    %dma_start3A_16 = arith.constant 0 : i32
    %dma_start3A_17 = tpu.memref_slice %arg6[%mul3A_2, %dma_start3A_16] : memref<2048x128xf32, #tpu.memory_space<hbm>> -> memref<64x128xf32, #tpu.memory_space<hbm>>
    tpu.enqueue_dma source(%dma_start3A_17 : memref<64x128xf32, #tpu.memory_space<hbm>>) target(%arg13 : memref<64x128xf32, #tpu.memory_space<vmem>>) target_semaphore(%arg18 : memref<!tpu.dma_semaphore, #tpu.memory_space<semaphore_mem>>)
    %dma_wait3A = arith.constant 0 : i32
    %dma_wait3A_18 = tpu.memref_slice %arg2[%mul3A_2, %dma_wait3A] : memref<2048x1024xf32, #tpu.memory_space<hbm>> -> memref<64x1024xf32, #tpu.memory_space<hbm>>
    %dma_wait3A_19 = arith.constant 0 : i32
    %dma_wait3A_20 = tpu.memref_slice %arg2[%mul3A_2, %dma_wait3A_19] : memref<2048x1024xf32, #tpu.memory_space<hbm>> -> memref<64x1024xf32, #tpu.memory_space<hbm>>
    tpu.wait_dma2 semaphore(%arg14 : memref<!tpu.dma_semaphore, #tpu.memory_space<semaphore_mem>>) src(%dma_wait3A_20 : memref<64x1024xf32, #tpu.memory_space<hbm>>) dst(%arg9 : memref<64x1024xf32, #tpu.memory_space<vmem>>)
    %dma_wait3A_21 = tpu.memref_slice %arg3[%mul3A_2] : memref<2048xi32, #tpu.memory_space<hbm>> -> memref<64xi32, #tpu.memory_space<hbm>>
    %dma_wait3A_22 = tpu.memref_slice %arg3[%mul3A_2] : memref<2048xi32, #tpu.memory_space<hbm>> -> memref<64xi32, #tpu.memory_space<hbm>>
    tpu.wait_dma2 semaphore(%arg15 : memref<!tpu.dma_semaphore, #tpu.memory_space<semaphore_mem>>) src(%dma_wait3A_22 : memref<64xi32, #tpu.memory_space<hbm>>) dst(%arg10 : memref<64xi32, #tpu.memory_space<vmem>>)
    %dma_wait3A_23 = tpu.memref_slice %arg4[%mul3A_2] : memref<2048xi32, #tpu.memory_space<hbm>> -> memref<64xi32, #tpu.memory_space<hbm>>
    %dma_wait3A_24 = tpu.memref_slice %arg4[%mul3A_2] : memref<2048xi32, #tpu.memory_space<hbm>> -> memref<64xi32, #tpu.memory_space<hbm>>
    tpu.wait_dma2 semaphore(%arg16 : memref<!tpu.dma_semaphore, #tpu.memory_space<semaphore_mem>>) src(%dma_wait3A_24 : memref<64xi32, #tpu.memory_space<hbm>>) dst(%arg11 : memref<64xi32, #tpu.memory_space<vmem>>)
    %dma_wait3A_25 = arith.constant 0 : i32
    %dma_wait3A_26 = tpu.memref_slice %arg5[%mul3A_2, %dma_wait3A_25] : memref<2048x128xf32, #tpu.memory_space<hbm>> -> memref<64x128xf32, #tpu.memory_space<hbm>>
    %dma_wait3A_27 = arith.constant 0 : i32
    %dma_wait3A_28 = tpu.memref_slice %arg5[%mul3A_2, %dma_wait3A_27] : memref<2048x128xf32, #tpu.memory_space<hbm>> -> memref<64x128xf32, #tpu.memory_space<hbm>>
    tpu.wait_dma2 semaphore(%arg17 : memref<!tpu.dma_semaphore, #tpu.memory_space<semaphore_mem>>) src(%dma_wait3A_28 : memref<64x128xf32, #tpu.memory_space<hbm>>) dst(%arg12 : memref<64x128xf32, #tpu.memory_space<vmem>>)
    %dma_wait3A_29 = arith.constant 0 : i32
    %dma_wait3A_30 = tpu.memref_slice %arg6[%mul3A_2, %dma_wait3A_29] : memref<2048x128xf32, #tpu.memory_space<hbm>> -> memref<64x128xf32, #tpu.memory_space<hbm>>
    %dma_wait3A_31 = arith.constant 0 : i32
    %dma_wait3A_32 = tpu.memref_slice %arg6[%mul3A_2, %dma_wait3A_31] : memref<2048x128xf32, #tpu.memory_space<hbm>> -> memref<64x128xf32, #tpu.memory_space<hbm>>
    tpu.wait_dma2 semaphore(%arg18 : memref<!tpu.dma_semaphore, #tpu.memory_space<semaphore_mem>>) src(%dma_wait3A_32 : memref<64x128xf32, #tpu.memory_space<hbm>>) dst(%arg13 : memref<64x128xf32, #tpu.memory_space<vmem>>)
    %dma_start3A_33 = arith.constant 0 : i32
    %dma_start3A_34 = arith.constant 0 : i32
    %dma_start3A_35 = tpu.memref_slice %arg7[%dma_start3A_33, %dma_start3A_34] : memref<7680x1024xf32, #tpu.memory_space<hbm>> -> memref<7680x1024xf32, #tpu.memory_space<hbm>>
    tpu.enqueue_indirect_dma source(%arg9 : memref<64x1024xf32, #tpu.memory_space<vmem>>) target(%dma_start3A_35 : memref<7680x1024xf32, #tpu.memory_space<hbm>>) offsets(%arg10 : memref<64xi32, #tpu.memory_space<vmem>>) semaphore(%arg14 : memref<!tpu.dma_semaphore, #tpu.memory_space<semaphore_mem>>)
    %dma_start3A_36 = arith.constant 0 : i32
    %dma_start3A_37 = arith.constant 0 : i32
    %dma_start3A_38 = tpu.memref_slice %arg7[%dma_start3A_36, %dma_start3A_37] : memref<7680x1024xf32, #tpu.memory_space<hbm>> -> memref<7680x1024xf32, #tpu.memory_space<hbm>>
    tpu.enqueue_indirect_dma source(%arg9 : memref<64x1024xf32, #tpu.memory_space<vmem>>) target(%dma_start3A_38 : memref<7680x1024xf32, #tpu.memory_space<hbm>>) offsets(%arg11 : memref<64xi32, #tpu.memory_space<vmem>>) semaphore(%arg15 : memref<!tpu.dma_semaphore, #tpu.memory_space<semaphore_mem>>)
    %dma_start3A_39 = arith.constant 0 : i32
    %dma_start3A_40 = arith.constant 0 : i32
    %dma_start3A_41 = tpu.memref_slice %arg8[%dma_start3A_39, %dma_start3A_40] : memref<7680x128xf32, #tpu.memory_space<hbm>> -> memref<7680x128xf32, #tpu.memory_space<hbm>>
    tpu.enqueue_indirect_dma source(%arg12 : memref<64x128xf32, #tpu.memory_space<vmem>>) target(%dma_start3A_41 : memref<7680x128xf32, #tpu.memory_space<hbm>>) offsets(%arg10 : memref<64xi32, #tpu.memory_space<vmem>>) semaphore(%arg16 : memref<!tpu.dma_semaphore, #tpu.memory_space<semaphore_mem>>)
    %dma_start3A_42 = arith.constant 0 : i32
    %dma_start3A_43 = arith.constant 0 : i32
    %dma_start3A_44 = tpu.memref_slice %arg8[%dma_start3A_42, %dma_start3A_43] : memref<7680x128xf32, #tpu.memory_space<hbm>> -> memref<7680x128xf32, #tpu.memory_space<hbm>>
    tpu.enqueue_indirect_dma source(%arg13 : memref<64x128xf32, #tpu.memory_space<vmem>>) target(%dma_start3A_44 : memref<7680x128xf32, #tpu.memory_space<hbm>>) offsets(%arg11 : memref<64xi32, #tpu.memory_space<vmem>>) semaphore(%arg17 : memref<!tpu.dma_semaphore, #tpu.memory_space<semaphore_mem>>)
    %dma_wait3A_45 = arith.constant 0 : i32
    %dma_wait3A_46 = arith.constant 0 : i32
    %dma_wait3A_47 = tpu.memref_slice %arg7[%dma_wait3A_45, %dma_wait3A_46] : memref<7680x1024xf32, #tpu.memory_space<hbm>> -> memref<7680x1024xf32, #tpu.memory_space<hbm>>
    tpu.wait_indirect_dma semaphore(%arg14 : memref<!tpu.dma_semaphore, #tpu.memory_space<semaphore_mem>>) src(%arg9 : memref<64x1024xf32, #tpu.memory_space<vmem>>) dst(%dma_wait3A_47 : memref<7680x1024xf32, #tpu.memory_space<hbm>>)
    %dma_wait3A_48 = arith.constant 0 : i32
    %dma_wait3A_49 = arith.constant 0 : i32
    %dma_wait3A_50 = tpu.memref_slice %arg7[%dma_wait3A_48, %dma_wait3A_49] : memref<7680x1024xf32, #tpu.memory_space<hbm>> -> memref<7680x1024xf32, #tpu.memory_space<hbm>>
    tpu.wait_indirect_dma semaphore(%arg15 : memref<!tpu.dma_semaphore, #tpu.memory_space<semaphore_mem>>) src(%arg9 : memref<64x1024xf32, #tpu.memory_space<vmem>>) dst(%dma_wait3A_50 : memref<7680x1024xf32, #tpu.memory_space<hbm>>)
    %dma_wait3A_51 = arith.constant 0 : i32
    %dma_wait3A_52 = arith.constant 0 : i32
    %dma_wait3A_53 = tpu.memref_slice %arg8[%dma_wait3A_51, %dma_wait3A_52] : memref<7680x128xf32, #tpu.memory_space<hbm>> -> memref<7680x128xf32, #tpu.memory_space<hbm>>
    tpu.wait_indirect_dma semaphore(%arg16 : memref<!tpu.dma_semaphore, #tpu.memory_space<semaphore_mem>>) src(%arg12 : memref<64x128xf32, #tpu.memory_space<vmem>>) dst(%dma_wait3A_53 : memref<7680x128xf32, #tpu.memory_space<hbm>>)
    %dma_wait3A_54 = arith.constant 0 : i32
    %dma_wait3A_55 = arith.constant 0 : i32
    %dma_wait3A_56 = tpu.memref_slice %arg8[%dma_wait3A_54, %dma_wait3A_55] : memref<7680x128xf32, #tpu.memory_space<hbm>> -> memref<7680x128xf32, #tpu.memory_space<hbm>>
    tpu.wait_indirect_dma semaphore(%arg17 : memref<!tpu.dma_semaphore, #tpu.memory_space<semaphore_mem>>) src(%arg13 : memref<64x128xf32, #tpu.memory_space<vmem>>) dst(%dma_wait3A_56 : memref<7680x128xf32, #tpu.memory_space<hbm>>)
    return
  }
}

module attributes {stable_mosaic.version = 14 : i64} {
  func.func @_gmm_body(%arg0: i32, %arg1: memref<15xi32, #tpu.memory_space<smem>>, %arg2: memref<1xi32, #tpu.memory_space<smem>>, %arg3: memref<512x1024xf32, #tpu.memory_space<vmem>>, %arg4: memref<512x128xf32, #tpu.memory_space<vmem>>, %arg5: memref<1x1024x512xf32, #tpu.memory_space<vmem>>, %arg6: memref<1x1024x512xf32, #tpu.memory_space<vmem>>, %arg7: memref<1x512x1024xf32, #tpu.memory_space<vmem>>, %arg8: memref<512x1024xf32, #tpu.memory_space<vmem>>) attributes {dimension_semantics = [#tpu.dimension_semantics<arbitrary>], iteration_bounds = array<i64: 15>, scalar_prefetch = 2 : i64, scratch_operands = 0 : i64, tpu.core_type = #tpu.core_type<tc>, window_params = [{transform_indices = @transform_0, window_bounds = array<i64: 512, 1024>}, {transform_indices = @transform_1, window_bounds = array<i64: 512, 128>}, {transform_indices = @transform_2, window_bounds = array<i64: 1, 1024, 512>}, {transform_indices = @transform_3, window_bounds = array<i64: 1, 1024, 512>}, {transform_indices = @transform_4, window_bounds = array<i64: 1, 512, 1024>}, {transform_indices = @transform_5, window_bounds = array<i64: 512, 1024>}]} {
    %get3A = arith.constant 0 : index
    %get3A_0 = memref.load %arg2[%get3A] : memref<1xi32, #tpu.memory_space<smem>>
    %lt3A = arith.cmpi slt, %arg0, %get3A_0 : i32
    %convert_element_type3A = arith.extui %lt3A : i1 to i32
    %cond3A = arith.constant 0 : i32
    %cond3A_1 = arith.cmpi ne, %convert_element_type3A, %cond3A : i32
    scf.if %cond3A_1 {
      %get3A_2 = arith.constant 0 : index
      %get3A_3 = arith.constant 0 : index
      %get3A_4 = vector.load %arg3[%get3A_2, %get3A_3] : memref<512x1024xf32, #tpu.memory_space<vmem>>, vector<512x1024xf32>
      %convert_element_type3A_5 = arith.truncf %get3A_4 : vector<512x1024xf32> to vector<512x1024xbf16>
      %get3A_6 = arith.constant 0 : index
      %get3A_7 = arith.constant 0 : index
      %get3A_8 = arith.constant 0 : index
      %get3A_9 = vector.load %arg5[%get3A_6, %get3A_7, %get3A_8] : memref<1x1024x512xf32, #tpu.memory_space<vmem>>, vector<1x1024x512xf32>
      %get3A_10 = vector.shape_cast %get3A_9 : vector<1x1024x512xf32> to vector<1024x512xf32>
      %convert_element_type3A_11 = arith.truncf %get3A_10 : vector<1024x512xf32> to vector<1024x512xbf16>
      %dot_general3A = arith.constant dense<0.000000e+00> : vector<512x512xf32>
      %dot_general3A_12 = tpu.matmul %convert_element_type3A_5, %convert_element_type3A_11, %dot_general3A {dimension_numbers = #tpu.dot_dimension_numbers<[1], [0], [0], [1], [0, 0, 1, 1], [], []>, transpose_lhs_hint = false} : vector<512x1024xbf16>, vector<1024x512xbf16>, vector<512x512xf32> -> vector<512x512xf32>
      %get3A_13 = arith.constant 0 : index
      %get3A_14 = arith.constant 0 : index
      %get3A_15 = arith.constant 0 : index
      %get3A_16 = vector.load %arg6[%get3A_13, %get3A_14, %get3A_15] : memref<1x1024x512xf32, #tpu.memory_space<vmem>>, vector<1x1024x512xf32>
      %get3A_17 = vector.shape_cast %get3A_16 : vector<1x1024x512xf32> to vector<1024x512xf32>
      %convert_element_type3A_18 = arith.truncf %get3A_17 : vector<1024x512xf32> to vector<1024x512xbf16>
      %dot_general3A_19 = arith.constant dense<0.000000e+00> : vector<512x512xf32>
      %dot_general3A_20 = tpu.matmul %convert_element_type3A_5, %convert_element_type3A_18, %dot_general3A_19 {dimension_numbers = #tpu.dot_dimension_numbers<[1], [0], [0], [1], [0, 0, 1, 1], [], []>, transpose_lhs_hint = false} : vector<512x1024xbf16>, vector<1024x512xbf16>, vector<512x512xf32> -> vector<512x512xf32>
      %get3A_21 = arith.constant 0 : index
      %get3A_22 = arith.constant 0 : index
      %get3A_23 = vector.load %arg4[%get3A_21, %get3A_22] : memref<512x128xf32, #tpu.memory_space<vmem>>, vector<512x128xf32>
      %slice3A = vector.extract_strided_slice %get3A_23 {offsets = [0, 0], sizes = [512, 1], strides = [1, 1]} : vector<512x128xf32> to vector<512x1xf32>
      %logistic3A = arith.negf %dot_general3A_12 : vector<512x512xf32>
      %logistic3A_24 = math.exp %logistic3A : vector<512x512xf32>
      %logistic3A_25 = arith.constant 1.000000e+00 : f32
      %logistic3A_26 = vector.broadcast %logistic3A_25 : f32 to vector<512x512xf32>
      %logistic3A_27 = arith.addf %logistic3A_26, %logistic3A_24 : vector<512x512xf32>
      %logistic3A_28 = arith.divf %logistic3A_26, %logistic3A_27 : vector<512x512xf32>
      %mul3A = arith.mulf %dot_general3A_12, %logistic3A_28 : vector<512x512xf32>
      %mul3A_29 = arith.mulf %mul3A, %dot_general3A_20 : vector<512x512xf32>
      %mul3A_30 = vector.broadcast %slice3A : vector<512x1xf32> to vector<512x512xf32>
      %mul3A_31 = arith.mulf %mul3A_29, %mul3A_30 : vector<512x512xf32>
      %convert_element_type3A_32 = arith.truncf %mul3A_31 : vector<512x512xf32> to vector<512x512xbf16>
      %get3A_33 = arith.constant 0 : index
      %get3A_34 = arith.constant 0 : index
      %get3A_35 = arith.constant 0 : index
      %get3A_36 = vector.load %arg7[%get3A_33, %get3A_34, %get3A_35] : memref<1x512x1024xf32, #tpu.memory_space<vmem>>, vector<1x512x1024xf32>
      %get3A_37 = vector.shape_cast %get3A_36 : vector<1x512x1024xf32> to vector<512x1024xf32>
      %convert_element_type3A_38 = arith.truncf %get3A_37 : vector<512x1024xf32> to vector<512x1024xbf16>
      %dot_general3A_39 = arith.constant dense<0.000000e+00> : vector<512x1024xf32>
      %dot_general3A_40 = tpu.matmul %convert_element_type3A_32, %convert_element_type3A_38, %dot_general3A_39 {dimension_numbers = #tpu.dot_dimension_numbers<[1], [0], [0], [1], [0, 0, 1, 1], [], []>, transpose_lhs_hint = false} : vector<512x512xbf16>, vector<512x1024xbf16>, vector<512x1024xf32> -> vector<512x1024xf32>
      %swap3A = arith.constant 0 : index
      %swap3A_41 = arith.constant 0 : index
      %swap3A_42 = vector.load %arg8[%swap3A, %swap3A_41] : memref<512x1024xf32, #tpu.memory_space<vmem>>, vector<512x1024xf32>
      tpu.vector_store %arg8[%swap3A, %swap3A_41], %dot_general3A_40 {strides = array<i32>} : memref<512x1024xf32, #tpu.memory_space<vmem>>, vector<512x1024xf32>,
    } else {
    }
    return
  }
  func.func @transform_0(%arg0: i32, %arg1: memref<15xi32, #tpu.memory_space<smem>>, %arg2: memref<1xi32, #tpu.memory_space<smem>>) -> (i32, i32) {
    %get3A = arith.constant 0 : index
    %get3A_0 = memref.load %arg2[%get3A] : memref<1xi32, #tpu.memory_space<smem>>
    %lt3A = arith.cmpi slt, %arg0, %get3A_0 : i32
    %jit3A = arith.constant 0 : i32
    %select_n3A = arith.select %lt3A, %arg0, %jit3A : i32
    %c0_i32 = arith.constant 0 : i32
    %c0_i32_1 = arith.constant 0 : i32
    return %select_n3A, %c0_i32 : i32, i32
  }
  func.func @transform_1(%arg0: i32, %arg1: memref<15xi32, #tpu.memory_space<smem>>, %arg2: memref<1xi32, #tpu.memory_space<smem>>) -> (i32, i32) {
    %get3A = arith.constant 0 : index
    %get3A_0 = memref.load %arg2[%get3A] : memref<1xi32, #tpu.memory_space<smem>>
    %lt3A = arith.cmpi slt, %arg0, %get3A_0 : i32
    %jit3A = arith.constant 0 : i32
    %select_n3A = arith.select %lt3A, %arg0, %jit3A : i32
    %c0_i32 = arith.constant 0 : i32
    %c0_i32_1 = arith.constant 0 : i32
    return %select_n3A, %c0_i32 : i32, i32
  }
  func.func @transform_2(%arg0: i32, %arg1: memref<15xi32, #tpu.memory_space<smem>>, %arg2: memref<1xi32, #tpu.memory_space<smem>>) -> (i32, i32, i32) {
    %get3A = arith.index_cast %arg0 : i32 to index
    %get3A_0 = memref.load %arg1[%get3A] : memref<15xi32, #tpu.memory_space<smem>>
    %c0_i32 = arith.constant 0 : i32
    %c0_i32_1 = arith.constant 0 : i32
    %c0_i32_2 = arith.constant 0 : i32
    return %get3A_0, %c0_i32, %c0_i32_1 : i32, i32, i32
  }
  func.func @transform_3(%arg0: i32, %arg1: memref<15xi32, #tpu.memory_space<smem>>, %arg2: memref<1xi32, #tpu.memory_space<smem>>) -> (i32, i32, i32) {
    %get3A = arith.index_cast %arg0 : i32 to index
    %get3A_0 = memref.load %arg1[%get3A] : memref<15xi32, #tpu.memory_space<smem>>
    %c0_i32 = arith.constant 0 : i32
    %c0_i32_1 = arith.constant 0 : i32
    %c0_i32_2 = arith.constant 0 : i32
    return %get3A_0, %c0_i32, %c0_i32_1 : i32, i32, i32
  }
  func.func @transform_4(%arg0: i32, %arg1: memref<15xi32, #tpu.memory_space<smem>>, %arg2: memref<1xi32, #tpu.memory_space<smem>>) -> (i32, i32, i32) {
    %get3A = arith.index_cast %arg0 : i32 to index
    %get3A_0 = memref.load %arg1[%get3A] : memref<15xi32, #tpu.memory_space<smem>>
    %c0_i32 = arith.constant 0 : i32
    %c0_i32_1 = arith.constant 0 : i32
    %c0_i32_2 = arith.constant 0 : i32
    return %get3A_0, %c0_i32, %c0_i32_1 : i32, i32, i32
  }
  func.func @transform_5(%arg0: i32, %arg1: memref<15xi32, #tpu.memory_space<smem>>, %arg2: memref<1xi32, #tpu.memory_space<smem>>) -> (i32, i32) {
    %get3A = arith.constant 0 : index
    %get3A_0 = memref.load %arg2[%get3A] : memref<1xi32, #tpu.memory_space<smem>>
    %lt3A = arith.cmpi slt, %arg0, %get3A_0 : i32
    %jit3A = arith.constant 15 : i32
    %select_n3A = arith.select %lt3A, %arg0, %jit3A : i32
    %c0_i32 = arith.constant 0 : i32
    %c0_i32_1 = arith.constant 0 : i32
    return %select_n3A, %c0_i32 : i32, i32
  }
}

module attributes {stable_mosaic.version = 14 : i64} {
  func.func @_route_body(%arg0: memref<2048x1024xf32, #tpu.memory_space<vmem>>, %arg1: memref<1024x8xf32, #tpu.memory_space<vmem>>, %arg2: memref<2048x128xf32, #tpu.memory_space<vmem>>, %arg3: memref<2048x128xf32, #tpu.memory_space<vmem>>, %arg4: memref<2048x1xi32, #tpu.memory_space<vmem>>, %arg5: memref<2048x1xi32, #tpu.memory_space<vmem>>, %arg6: memref<1x15xi32, #tpu.memory_space<vmem>>, %arg7: memref<1x1xi32, #tpu.memory_space<vmem>>, %arg8: memref<2048x8xf32, #tpu.memory_space<vmem>>, %arg9: memref<2048x8xf32, #tpu.memory_space<vmem>>, %arg10: memref<2048x8xf32, #tpu.memory_space<vmem>>, %arg11: memref<2048x8xf32, #tpu.memory_space<vmem>>) attributes {dimension_semantics = [], scalar_prefetch = 0 : i64, scratch_operands = 4 : i64, tpu.core_type = #tpu.core_type<tc>} {
    %get3A = arith.constant 0 : index
    %get3A_0 = arith.constant 0 : index
    %get3A_1 = vector.load %arg0[%get3A, %get3A_0] : memref<2048x1024xf32, #tpu.memory_space<vmem>>, vector<2048x1024xf32>
    %get3A_2 = arith.constant 0 : index
    %get3A_3 = arith.constant 0 : index
    %get3A_4 = vector.load %arg1[%get3A_2, %get3A_3] : memref<1024x8xf32, #tpu.memory_space<vmem>>, vector<1024x8xf32>
    %dot_general3A = arith.constant dense<0.000000e+00> : vector<2048x8xf32>
    %dot_general3A_5 = tpu.matmul %get3A_1, %get3A_4, %dot_general3A {dimension_numbers = #tpu.dot_dimension_numbers<[1], [0], [0], [1], [0, 0, 1, 1], [], []>, transpose_lhs_hint = false} : vector<2048x1024xf32>, vector<1024x8xf32>, vector<2048x8xf32> -> vector<2048x8xf32>
    %iota3A = tpu.iota {dimensions = array<i32: 1>} : vector<2048x8xi32>
    %reduce_max3A = arith.constant dense<0xFF800000> : vector<2048xf32>
    %reduce_max3A_6 = vector.multi_reduction <maximumf>, %dot_general3A_5, %reduce_max3A [1] : vector<2048x8xf32> to vector<2048xf32>
    %broadcast_in_dim3A = vector.shape_cast %reduce_max3A_6 : vector<2048xf32> to vector<2048x1xf32>
    %eq3A = vector.broadcast %broadcast_in_dim3A : vector<2048x1xf32> to vector<2048x8xf32>
    %eq3A_7 = arith.cmpf oeq, %dot_general3A_5, %eq3A : vector<2048x8xf32>
    %jit3A = arith.constant 8 : i32
    %broadcast_in_dim3A_8 = vector.broadcast %jit3A : i32 to vector<2048x8xi32>
    %select_n3A = arith.select %eq3A_7, %iota3A, %broadcast_in_dim3A_8 : vector<2048x8xi1>, vector<2048x8xi32>
    %reduce_min3A = arith.constant dense<2147483647> : vector<2048xi32>
    %reduce_min3A_9 = vector.multi_reduction <minsi>, %select_n3A, %reduce_min3A [1] : vector<2048x8xi32> to vector<2048xi32>
    %broadcast_in_dim3A_10 = vector.shape_cast %reduce_min3A_9 : vector<2048xi32> to vector<2048x1xi32>
    %eq3A_11 = vector.broadcast %broadcast_in_dim3A_10 : vector<2048x1xi32> to vector<2048x8xi32>
    %eq3A_12 = arith.cmpi eq, %iota3A, %eq3A_11 : vector<2048x8xi32>
    %jit3A_13 = arith.constant 0xFF800000 : f32
    %broadcast_in_dim3A_14 = vector.broadcast %jit3A_13 : f32 to vector<2048x8xf32>
    %select_n3A_15 = arith.select %eq3A_12, %broadcast_in_dim3A_14, %dot_general3A_5 : vector<2048x8xi1>, vector<2048x8xf32>
    %reduce_max3A_16 = arith.constant dense<0xFF800000> : vector<2048xf32>
    %reduce_max3A_17 = vector.multi_reduction <maximumf>, %select_n3A_15, %reduce_max3A_16 [1] : vector<2048x8xf32> to vector<2048xf32>
    %broadcast_in_dim3A_18 = vector.shape_cast %reduce_max3A_17 : vector<2048xf32> to vector<2048x1xf32>
    %eq3A_19 = vector.broadcast %broadcast_in_dim3A_18 : vector<2048x1xf32> to vector<2048x8xf32>
    %eq3A_20 = arith.cmpf oeq, %select_n3A_15, %eq3A_19 : vector<2048x8xf32>
    %jit3A_21 = arith.constant 8 : i32
    %broadcast_in_dim3A_22 = vector.broadcast %jit3A_21 : i32 to vector<2048x8xi32>
    %select_n3A_23 = arith.select %eq3A_20, %iota3A, %broadcast_in_dim3A_22 : vector<2048x8xi1>, vector<2048x8xi32>
    %reduce_min3A_24 = arith.constant dense<2147483647> : vector<2048xi32>
    %reduce_min3A_25 = vector.multi_reduction <minsi>, %select_n3A_23, %reduce_min3A_24 [1] : vector<2048x8xi32> to vector<2048xi32>
    %broadcast_in_dim3A_26 = vector.shape_cast %reduce_min3A_25 : vector<2048xi32> to vector<2048x1xi32>
    %eq3A_27 = vector.broadcast %broadcast_in_dim3A_26 : vector<2048x1xi32> to vector<2048x8xi32>
    %eq3A_28 = arith.cmpi eq, %iota3A, %eq3A_27 : vector<2048x8xi32>
    %sub3A = arith.subf %broadcast_in_dim3A, %broadcast_in_dim3A : vector<2048x1xf32>
    %exp3A = math.exp %sub3A : vector<2048x1xf32>
    %sub3A_29 = arith.subf %broadcast_in_dim3A_18, %broadcast_in_dim3A : vector<2048x1xf32>
    %exp3A_30 = math.exp %sub3A_29 : vector<2048x1xf32>
    %add3A = arith.addf %exp3A, %exp3A_30 : vector<2048x1xf32>
    %broadcast_in_dim3A_31 = arith.constant 1.000000e+00 : f32
    %broadcast_in_dim3A_32 = vector.broadcast %broadcast_in_dim3A_31 : f32 to vector<1x128xf32>
    %div3A = arith.divf %exp3A, %add3A : vector<2048x1xf32>
    %mul3A = vector.broadcast %div3A : vector<2048x1xf32> to vector<2048x128xf32>
    %mul3A_33 = vector.broadcast %broadcast_in_dim3A_32 : vector<1x128xf32> to vector<2048x128xf32>
    %mul3A_34 = arith.mulf %mul3A, %mul3A_33 : vector<2048x128xf32>
    %swap3A = arith.constant 0 : index
    %swap3A_35 = arith.constant 0 : index
    %swap3A_36 = vector.load %arg2[%swap3A, %swap3A_35] : memref<2048x128xf32, #tpu.memory_space<vmem>>, vector<2048x128xf32>
    tpu.vector_store %arg2[%swap3A, %swap3A_35], %mul3A_34 {strides = array<i32>} : memref<2048x128xf32, #tpu.memory_space<vmem>>, vector<2048x128xf32>,
    %div3A_37 = arith.divf %exp3A_30, %add3A : vector<2048x1xf32>
    %mul3A_38 = vector.broadcast %div3A_37 : vector<2048x1xf32> to vector<2048x128xf32>
    %mul3A_39 = vector.broadcast %broadcast_in_dim3A_32 : vector<1x128xf32> to vector<2048x128xf32>
    %mul3A_40 = arith.mulf %mul3A_38, %mul3A_39 : vector<2048x128xf32>
    %swap3A_41 = arith.constant 0 : index
    %swap3A_42 = arith.constant 0 : index
    %swap3A_43 = vector.load %arg3[%swap3A_41, %swap3A_42] : memref<2048x128xf32, #tpu.memory_space<vmem>>, vector<2048x128xf32>
    tpu.vector_store %arg3[%swap3A_41, %swap3A_42], %mul3A_40 {strides = array<i32>} : memref<2048x128xf32, #tpu.memory_space<vmem>>, vector<2048x128xf32>,
    %convert_element_type3A = arith.extui %eq3A_12 : vector<2048x8xi1> to vector<2048x8xi32>
    %convert_element_type3A_44 = arith.sitofp %convert_element_type3A : vector<2048x8xi32> to vector<2048x8xf32>
    %swap3A_45 = arith.constant 0 : index
    %swap3A_46 = arith.constant 0 : index
    %swap3A_47 = vector.load %arg8[%swap3A_45, %swap3A_46] : memref<2048x8xf32, #tpu.memory_space<vmem>>, vector<2048x8xf32>
    tpu.vector_store %arg8[%swap3A_45, %swap3A_46], %convert_element_type3A_44 {strides = array<i32>} : memref<2048x8xf32, #tpu.memory_space<vmem>>, vector<2048x8xf32>,
    %convert_element_type3A_48 = arith.extui %eq3A_28 : vector<2048x8xi1> to vector<2048x8xi32>
    %convert_element_type3A_49 = arith.sitofp %convert_element_type3A_48 : vector<2048x8xi32> to vector<2048x8xf32>
    %swap3A_50 = arith.constant 0 : index
    %swap3A_51 = arith.constant 0 : index
    %swap3A_52 = vector.load %arg9[%swap3A_50, %swap3A_51] : memref<2048x8xf32, #tpu.memory_space<vmem>>, vector<2048x8xf32>
    tpu.vector_store %arg9[%swap3A_50, %swap3A_51], %convert_element_type3A_49 {strides = array<i32>} : memref<2048x8xf32, #tpu.memory_space<vmem>>, vector<2048x8xf32>,
    %iota3A_53 = tpu.iota {dimensions = array<i32: 0>} : vector<512x512xi32>
    %iota3A_54 = tpu.iota {dimensions = array<i32: 1>} : vector<512x512xi32>
    %gt3A = arith.cmpi sgt, %iota3A_53, %iota3A_54 : vector<512x512xi32>
    %convert_element_type3A_55 = arith.extui %gt3A : vector<512x512xi1> to vector<512x512xi32>
    %convert_element_type3A_56 = arith.sitofp %convert_element_type3A_55 : vector<512x512xi32> to vector<512x512xf32>
    %broadcast_in_dim3A_57 = arith.constant 0.000000e+00 : f32
    %broadcast_in_dim3A_58 = vector.broadcast %broadcast_in_dim3A_57 : f32 to vector<1x8xf32>
    %get3A_59 = arith.constant 0 : index
    %get3A_60 = arith.constant 0 : index
    %get3A_61 = vector.load %arg8[%get3A_59, %get3A_60] : memref<2048x8xf32, #tpu.memory_space<vmem>>, vector<512x8xf32>
    %get3A_62 = arith.constant 0 : index
    %get3A_63 = arith.constant 0 : index
    %get3A_64 = vector.load %arg9[%get3A_62, %get3A_63] : memref<2048x8xf32, #tpu.memory_space<vmem>>, vector<512x8xf32>
    %dot_general3A_65 = arith.constant dense<0.000000e+00> : vector<512x8xf32>
    %dot_general3A_66 = tpu.matmul %convert_element_type3A_56, %get3A_61, %dot_general3A_65 {dimension_numbers = #tpu.dot_dimension_numbers<[1], [0], [0], [1], [0, 0, 1, 1], [], []>, transpose_lhs_hint = false} : vector<512x512xf32>, vector<512x8xf32>, vector<512x8xf32> -> vector<512x8xf32>
    %add3A_67 = vector.broadcast %broadcast_in_dim3A_58 : vector<1x8xf32> to vector<512x8xf32>
    %add3A_68 = arith.addf %dot_general3A_66, %add3A_67 : vector<512x8xf32>
    %swap3A_69 = arith.constant 0 : index
    %swap3A_70 = arith.constant 0 : index
    %swap3A_71 = vector.load %arg10[%swap3A_69, %swap3A_70] : memref<2048x8xf32, #tpu.memory_space<vmem>>, vector<512x8xf32>
    tpu.vector_store %arg10[%swap3A_69, %swap3A_70], %add3A_68 {strides = array<i32>} : memref<2048x8xf32, #tpu.memory_space<vmem>>, vector<512x8xf32>,
    %dot_general3A_72 = arith.constant dense<0.000000e+00> : vector<512x8xf32>
    %dot_general3A_73 = tpu.matmul %convert_element_type3A_56, %get3A_64, %dot_general3A_72 {dimension_numbers = #tpu.dot_dimension_numbers<[1], [0], [0], [1], [0, 0, 1, 1], [], []>, transpose_lhs_hint = false} : vector<512x512xf32>, vector<512x8xf32>, vector<512x8xf32> -> vector<512x8xf32>
    %add3A_74 = vector.broadcast %broadcast_in_dim3A_58 : vector<1x8xf32> to vector<512x8xf32>
    %add3A_75 = arith.addf %dot_general3A_73, %add3A_74 : vector<512x8xf32>
    %swap3A_76 = arith.constant 0 : index
    %swap3A_77 = arith.constant 0 : index
    %swap3A_78 = vector.load %arg11[%swap3A_76, %swap3A_77] : memref<2048x8xf32, #tpu.memory_space<vmem>>, vector<512x8xf32>
    tpu.vector_store %arg11[%swap3A_76, %swap3A_77], %add3A_75 {strides = array<i32>} : memref<2048x8xf32, #tpu.memory_space<vmem>>, vector<512x8xf32>,
    %reduce_sum3A = arith.constant dense<0.000000e+00> : vector<8xf32>
    %reduce_sum3A_79 = vector.multi_reduction <add>, %get3A_61, %reduce_sum3A [0] : vector<512x8xf32> to vector<8xf32>
    %broadcast_in_dim3A_80 = vector.shape_cast %reduce_sum3A_79 : vector<8xf32> to vector<1x8xf32>
    %add3A_81 = arith.addf %broadcast_in_dim3A_58, %broadcast_in_dim3A_80 : vector<1x8xf32>
    %reduce_sum3A_82 = arith.constant dense<0.000000e+00> : vector<8xf32>
    %reduce_sum3A_83 = vector.multi_reduction <add>, %get3A_64, %reduce_sum3A_82 [0] : vector<512x8xf32> to vector<8xf32>
    %broadcast_in_dim3A_84 = vector.shape_cast %reduce_sum3A_83 : vector<8xf32> to vector<1x8xf32>
    %add3A_85 = arith.addf %broadcast_in_dim3A_58, %broadcast_in_dim3A_84 : vector<1x8xf32>
    %get3A_86 = arith.constant 512 : index
    %get3A_87 = arith.constant 0 : index
    %get3A_88 = vector.load %arg8[%get3A_86, %get3A_87] : memref<2048x8xf32, #tpu.memory_space<vmem>>, vector<512x8xf32>
    %get3A_89 = arith.constant 512 : index
    %get3A_90 = arith.constant 0 : index
    %get3A_91 = vector.load %arg9[%get3A_89, %get3A_90] : memref<2048x8xf32, #tpu.memory_space<vmem>>, vector<512x8xf32>
    %dot_general3A_92 = arith.constant dense<0.000000e+00> : vector<512x8xf32>
    %dot_general3A_93 = tpu.matmul %convert_element_type3A_56, %get3A_88, %dot_general3A_92 {dimension_numbers = #tpu.dot_dimension_numbers<[1], [0], [0], [1], [0, 0, 1, 1], [], []>, transpose_lhs_hint = false} : vector<512x512xf32>, vector<512x8xf32>, vector<512x8xf32> -> vector<512x8xf32>
    %add3A_94 = vector.broadcast %add3A_81 : vector<1x8xf32> to vector<512x8xf32>
    %add3A_95 = arith.addf %dot_general3A_93, %add3A_94 : vector<512x8xf32>
    %swap3A_96 = arith.constant 512 : index
    %swap3A_97 = arith.constant 0 : index
    %swap3A_98 = vector.load %arg10[%swap3A_96, %swap3A_97] : memref<2048x8xf32, #tpu.memory_space<vmem>>, vector<512x8xf32>
    tpu.vector_store %arg10[%swap3A_96, %swap3A_97], %add3A_95 {strides = array<i32>} : memref<2048x8xf32, #tpu.memory_space<vmem>>, vector<512x8xf32>,
    %dot_general3A_99 = arith.constant dense<0.000000e+00> : vector<512x8xf32>
    %dot_general3A_100 = tpu.matmul %convert_element_type3A_56, %get3A_91, %dot_general3A_99 {dimension_numbers = #tpu.dot_dimension_numbers<[1], [0], [0], [1], [0, 0, 1, 1], [], []>, transpose_lhs_hint = false} : vector<512x512xf32>, vector<512x8xf32>, vector<512x8xf32> -> vector<512x8xf32>
    %add3A_101 = vector.broadcast %add3A_85 : vector<1x8xf32> to vector<512x8xf32>
    %add3A_102 = arith.addf %dot_general3A_100, %add3A_101 : vector<512x8xf32>
    %swap3A_103 = arith.constant 512 : index
    %swap3A_104 = arith.constant 0 : index
    %swap3A_105 = vector.load %arg11[%swap3A_103, %swap3A_104] : memref<2048x8xf32, #tpu.memory_space<vmem>>, vector<512x8xf32>
    tpu.vector_store %arg11[%swap3A_103, %swap3A_104], %add3A_102 {strides = array<i32>} : memref<2048x8xf32, #tpu.memory_space<vmem>>, vector<512x8xf32>,
    %reduce_sum3A_106 = arith.constant dense<0.000000e+00> : vector<8xf32>
    %reduce_sum3A_107 = vector.multi_reduction <add>, %get3A_88, %reduce_sum3A_106 [0] : vector<512x8xf32> to vector<8xf32>
    %broadcast_in_dim3A_108 = vector.shape_cast %reduce_sum3A_107 : vector<8xf32> to vector<1x8xf32>
    %add3A_109 = arith.addf %add3A_81, %broadcast_in_dim3A_108 : vector<1x8xf32>
    %reduce_sum3A_110 = arith.constant dense<0.000000e+00> : vector<8xf32>
    %reduce_sum3A_111 = vector.multi_reduction <add>, %get3A_91, %reduce_sum3A_110 [0] : vector<512x8xf32> to vector<8xf32>
    %broadcast_in_dim3A_112 = vector.shape_cast %reduce_sum3A_111 : vector<8xf32> to vector<1x8xf32>
    %add3A_113 = arith.addf %add3A_85, %broadcast_in_dim3A_112 : vector<1x8xf32>
    %get3A_114 = arith.constant 1024 : index
    %get3A_115 = arith.constant 0 : index
    %get3A_116 = vector.load %arg8[%get3A_114, %get3A_115] : memref<2048x8xf32, #tpu.memory_space<vmem>>, vector<512x8xf32>
    %get3A_117 = arith.constant 1024 : index
    %get3A_118 = arith.constant 0 : index
    %get3A_119 = vector.load %arg9[%get3A_117, %get3A_118] : memref<2048x8xf32, #tpu.memory_space<vmem>>, vector<512x8xf32>
    %dot_general3A_120 = arith.constant dense<0.000000e+00> : vector<512x8xf32>
    %dot_general3A_121 = tpu.matmul %convert_element_type3A_56, %get3A_116, %dot_general3A_120 {dimension_numbers = #tpu.dot_dimension_numbers<[1], [0], [0], [1], [0, 0, 1, 1], [], []>, transpose_lhs_hint = false} : vector<512x512xf32>, vector<512x8xf32>, vector<512x8xf32> -> vector<512x8xf32>
    %add3A_122 = vector.broadcast %add3A_109 : vector<1x8xf32> to vector<512x8xf32>
    %add3A_123 = arith.addf %dot_general3A_121, %add3A_122 : vector<512x8xf32>
    %swap3A_124 = arith.constant 1024 : index
    %swap3A_125 = arith.constant 0 : index
    %swap3A_126 = vector.load %arg10[%swap3A_124, %swap3A_125] : memref<2048x8xf32, #tpu.memory_space<vmem>>, vector<512x8xf32>
    tpu.vector_store %arg10[%swap3A_124, %swap3A_125], %add3A_123 {strides = array<i32>} : memref<2048x8xf32, #tpu.memory_space<vmem>>, vector<512x8xf32>,
    %dot_general3A_127 = arith.constant dense<0.000000e+00> : vector<512x8xf32>
    %dot_general3A_128 = tpu.matmul %convert_element_type3A_56, %get3A_119, %dot_general3A_127 {dimension_numbers = #tpu.dot_dimension_numbers<[1], [0], [0], [1], [0, 0, 1, 1], [], []>, transpose_lhs_hint = false} : vector<512x512xf32>, vector<512x8xf32>, vector<512x8xf32> -> vector<512x8xf32>
    %add3A_129 = vector.broadcast %add3A_113 : vector<1x8xf32> to vector<512x8xf32>
    %add3A_130 = arith.addf %dot_general3A_128, %add3A_129 : vector<512x8xf32>
    %swap3A_131 = arith.constant 1024 : index
    %swap3A_132 = arith.constant 0 : index
    %swap3A_133 = vector.load %arg11[%swap3A_131, %swap3A_132] : memref<2048x8xf32, #tpu.memory_space<vmem>>, vector<512x8xf32>
    tpu.vector_store %arg11[%swap3A_131, %swap3A_132], %add3A_130 {strides = array<i32>} : memref<2048x8xf32, #tpu.memory_space<vmem>>, vector<512x8xf32>,
    %reduce_sum3A_134 = arith.constant dense<0.000000e+00> : vector<8xf32>
    %reduce_sum3A_135 = vector.multi_reduction <add>, %get3A_116, %reduce_sum3A_134 [0] : vector<512x8xf32> to vector<8xf32>
    %broadcast_in_dim3A_136 = vector.shape_cast %reduce_sum3A_135 : vector<8xf32> to vector<1x8xf32>
    %add3A_137 = arith.addf %add3A_109, %broadcast_in_dim3A_136 : vector<1x8xf32>
    %reduce_sum3A_138 = arith.constant dense<0.000000e+00> : vector<8xf32>
    %reduce_sum3A_139 = vector.multi_reduction <add>, %get3A_119, %reduce_sum3A_138 [0] : vector<512x8xf32> to vector<8xf32>
    %broadcast_in_dim3A_140 = vector.shape_cast %reduce_sum3A_139 : vector<8xf32> to vector<1x8xf32>
    %add3A_141 = arith.addf %add3A_113, %broadcast_in_dim3A_140 : vector<1x8xf32>
    %get3A_142 = arith.constant 1536 : index
    %get3A_143 = arith.constant 0 : index
    %get3A_144 = vector.load %arg8[%get3A_142, %get3A_143] : memref<2048x8xf32, #tpu.memory_space<vmem>>, vector<512x8xf32>
    %get3A_145 = arith.constant 1536 : index
    %get3A_146 = arith.constant 0 : index
    %get3A_147 = vector.load %arg9[%get3A_145, %get3A_146] : memref<2048x8xf32, #tpu.memory_space<vmem>>, vector<512x8xf32>
    %dot_general3A_148 = arith.constant dense<0.000000e+00> : vector<512x8xf32>
    %dot_general3A_149 = tpu.matmul %convert_element_type3A_56, %get3A_144, %dot_general3A_148 {dimension_numbers = #tpu.dot_dimension_numbers<[1], [0], [0], [1], [0, 0, 1, 1], [], []>, transpose_lhs_hint = false} : vector<512x512xf32>, vector<512x8xf32>, vector<512x8xf32> -> vector<512x8xf32>
    %add3A_150 = vector.broadcast %add3A_137 : vector<1x8xf32> to vector<512x8xf32>
    %add3A_151 = arith.addf %dot_general3A_149, %add3A_150 : vector<512x8xf32>
    %swap3A_152 = arith.constant 1536 : index
    %swap3A_153 = arith.constant 0 : index
    %swap3A_154 = vector.load %arg10[%swap3A_152, %swap3A_153] : memref<2048x8xf32, #tpu.memory_space<vmem>>, vector<512x8xf32>
    tpu.vector_store %arg10[%swap3A_152, %swap3A_153], %add3A_151 {strides = array<i32>} : memref<2048x8xf32, #tpu.memory_space<vmem>>, vector<512x8xf32>,
    %dot_general3A_155 = arith.constant dense<0.000000e+00> : vector<512x8xf32>
    %dot_general3A_156 = tpu.matmul %convert_element_type3A_56, %get3A_147, %dot_general3A_155 {dimension_numbers = #tpu.dot_dimension_numbers<[1], [0], [0], [1], [0, 0, 1, 1], [], []>, transpose_lhs_hint = false} : vector<512x512xf32>, vector<512x8xf32>, vector<512x8xf32> -> vector<512x8xf32>
    %add3A_157 = vector.broadcast %add3A_141 : vector<1x8xf32> to vector<512x8xf32>
    %add3A_158 = arith.addf %dot_general3A_156, %add3A_157 : vector<512x8xf32>
    %swap3A_159 = arith.constant 1536 : index
    %swap3A_160 = arith.constant 0 : index
    %swap3A_161 = vector.load %arg11[%swap3A_159, %swap3A_160] : memref<2048x8xf32, #tpu.memory_space<vmem>>, vector<512x8xf32>
    tpu.vector_store %arg11[%swap3A_159, %swap3A_160], %add3A_158 {strides = array<i32>} : memref<2048x8xf32, #tpu.memory_space<vmem>>, vector<512x8xf32>,
    %reduce_sum3A_162 = arith.constant dense<0.000000e+00> : vector<8xf32>
    %reduce_sum3A_163 = vector.multi_reduction <add>, %get3A_144, %reduce_sum3A_162 [0] : vector<512x8xf32> to vector<8xf32>
    %broadcast_in_dim3A_164 = vector.shape_cast %reduce_sum3A_163 : vector<8xf32> to vector<1x8xf32>
    %add3A_165 = arith.addf %add3A_137, %broadcast_in_dim3A_164 : vector<1x8xf32>
    %reduce_sum3A_166 = arith.constant dense<0.000000e+00> : vector<8xf32>
    %reduce_sum3A_167 = vector.multi_reduction <add>, %get3A_147, %reduce_sum3A_166 [0] : vector<512x8xf32> to vector<8xf32>
    %broadcast_in_dim3A_168 = vector.shape_cast %reduce_sum3A_167 : vector<8xf32> to vector<1x8xf32>
    %add3A_169 = arith.addf %add3A_141, %broadcast_in_dim3A_168 : vector<1x8xf32>
    %add3A_170 = arith.addf %add3A_165, %add3A_169 : vector<1x8xf32>
    %add3A_171 = arith.constant 5.110000e+02 : f32
    %add3A_172 = vector.broadcast %add3A_171 : f32 to vector<1x8xf32>
    %add3A_173 = arith.addf %add3A_170, %add3A_172 : vector<1x8xf32>
    %mul3A_174 = arith.constant 0.001953125 : f32
    %mul3A_175 = vector.broadcast %mul3A_174 : f32 to vector<1x8xf32>
    %mul3A_176 = arith.mulf %add3A_173, %mul3A_175 : vector<1x8xf32>
    %floor3A = math.floor %mul3A_176 : vector<1x8xf32>
    %mul3A_177 = arith.constant 5.120000e+02 : f32
    %mul3A_178 = vector.broadcast %mul3A_177 : f32 to vector<1x8xf32>
    %mul3A_179 = arith.mulf %floor3A, %mul3A_178 : vector<1x8xf32>
    %iota3A_180 = tpu.iota {dimensions = array<i32: 0>} : vector<8x8xi32>
    %iota3A_181 = tpu.iota {dimensions = array<i32: 1>} : vector<8x8xi32>
    %lt3A = arith.cmpi slt, %iota3A_180, %iota3A_181 : vector<8x8xi32>
    %convert_element_type3A_182 = arith.extui %lt3A : vector<8x8xi1> to vector<8x8xi32>
    %convert_element_type3A_183 = arith.sitofp %convert_element_type3A_182 : vector<8x8xi32> to vector<8x8xf32>
    %le3A = arith.cmpi sle, %iota3A_180, %iota3A_181 : vector<8x8xi32>
    %convert_element_type3A_184 = arith.extui %le3A : vector<8x8xi1> to vector<8x8xi32>
    %convert_element_type3A_185 = arith.sitofp %convert_element_type3A_184 : vector<8x8xi32> to vector<8x8xf32>
    %dot_general3A_186 = arith.constant dense<0.000000e+00> : vector<1x8xf32>
    %dot_general3A_187 = tpu.matmul %mul3A_179, %convert_element_type3A_183, %dot_general3A_186 {dimension_numbers = #tpu.dot_dimension_numbers<[1], [0], [0], [1], [0, 0, 1, 1], [], []>, transpose_lhs_hint = false} : vector<1x8xf32>, vector<8x8xf32>, vector<1x8xf32> -> vector<1x8xf32>
    %dot_general3A_188 = arith.constant dense<0.000000e+00> : vector<1x8xf32>
    %dot_general3A_189 = tpu.matmul %floor3A, %convert_element_type3A_185, %dot_general3A_188 {dimension_numbers = #tpu.dot_dimension_numbers<[1], [0], [0], [1], [0, 0, 1, 1], [], []>, transpose_lhs_hint = false} : vector<1x8xf32>, vector<8x8xf32>, vector<1x8xf32> -> vector<1x8xf32>
    %get3A_190 = arith.constant 0 : index
    %get3A_191 = arith.constant 0 : index
    %get3A_192 = vector.load %arg10[%get3A_190, %get3A_191] : memref<2048x8xf32, #tpu.memory_space<vmem>>, vector<2048x8xf32>
    %add3A_193 = vector.broadcast %dot_general3A_187 : vector<1x8xf32> to vector<2048x8xf32>
    %add3A_194 = arith.addf %add3A_193, %get3A_192 : vector<2048x8xf32>
    %get3A_195 = arith.constant 0 : index
    %get3A_196 = arith.constant 0 : index
    %get3A_197 = vector.load %arg8[%get3A_195, %get3A_196] : memref<2048x8xf32, #tpu.memory_space<vmem>>, vector<2048x8xf32>
    %mul3A_198 = arith.mulf %add3A_194, %get3A_197 : vector<2048x8xf32>
    %reduce_sum3A_199 = arith.constant dense<0.000000e+00> : vector<2048xf32>
    %reduce_sum3A_200 = vector.multi_reduction <add>, %mul3A_198, %reduce_sum3A_199 [1] : vector<2048x8xf32> to vector<2048xf32>
    %broadcast_in_dim3A_201 = vector.shape_cast %reduce_sum3A_200 : vector<2048xf32> to vector<2048x1xf32>
    %add3A_202 = arith.addf %dot_general3A_187, %add3A_165 : vector<1x8xf32>
    %get3A_203 = arith.constant 0 : index
    %get3A_204 = arith.constant 0 : index
    %get3A_205 = vector.load %arg11[%get3A_203, %get3A_204] : memref<2048x8xf32, #tpu.memory_space<vmem>>, vector<2048x8xf32>
    %add3A_206 = vector.broadcast %add3A_202 : vector<1x8xf32> to vector<2048x8xf32>
    %add3A_207 = arith.addf %add3A_206, %get3A_205 : vector<2048x8xf32>
    %get3A_208 = arith.constant 0 : index
    %get3A_209 = arith.constant 0 : index
    %get3A_210 = vector.load %arg9[%get3A_208, %get3A_209] : memref<2048x8xf32, #tpu.memory_space<vmem>>, vector<2048x8xf32>
    %mul3A_211 = arith.mulf %add3A_207, %get3A_210 : vector<2048x8xf32>
    %reduce_sum3A_212 = arith.constant dense<0.000000e+00> : vector<2048xf32>
    %reduce_sum3A_213 = vector.multi_reduction <add>, %mul3A_211, %reduce_sum3A_212 [1] : vector<2048x8xf32> to vector<2048xf32>
    %broadcast_in_dim3A_214 = vector.shape_cast %reduce_sum3A_213 : vector<2048xf32> to vector<2048x1xf32>
    %convert_element_type3A_215 = arith.fptosi %broadcast_in_dim3A_201 : vector<2048x1xf32> to vector<2048x1xi32>
    %swap3A_216 = arith.constant 0 : index
    %swap3A_217 = arith.constant 0 : index
    %swap3A_218 = vector.load %arg4[%swap3A_216, %swap3A_217] : memref<2048x1xi32, #tpu.memory_space<vmem>>, vector<2048x1xi32>
    tpu.vector_store %arg4[%swap3A_216, %swap3A_217], %convert_element_type3A_215 {strides = array<i32>} : memref<2048x1xi32, #tpu.memory_space<vmem>>, vector<2048x1xi32>,
    %convert_element_type3A_219 = arith.fptosi %broadcast_in_dim3A_214 : vector<2048x1xf32> to vector<2048x1xi32>
    %swap3A_220 = arith.constant 0 : index
    %swap3A_221 = arith.constant 0 : index
    %swap3A_222 = vector.load %arg5[%swap3A_220, %swap3A_221] : memref<2048x1xi32, #tpu.memory_space<vmem>>, vector<2048x1xi32>
    tpu.vector_store %arg5[%swap3A_220, %swap3A_221], %convert_element_type3A_219 {strides = array<i32>} : memref<2048x1xi32, #tpu.memory_space<vmem>>, vector<2048x1xi32>,
    %iota3A_223 = tpu.iota {dimensions = array<i32: 1>} : vector<1x15xi32>
    %convert_element_type3A_224 = arith.sitofp %iota3A_223 : vector<1x15xi32> to vector<1x15xf32>
    %slice3A = vector.extract_strided_slice %dot_general3A_189 {offsets = [0, 7], sizes = [1, 1], strides = [1, 1]} : vector<1x8xf32> to vector<1x1xf32>
    %squeeze3A = vector.extract %slice3A[0, 0] : f32 from vector<1x1xf32>
    %sub3A_225 = arith.constant 1.000000e+00 : f32
    %sub3A_226 = arith.subf %squeeze3A, %sub3A_225 : f32
    %min3A = vector.broadcast %sub3A_226 : f32 to vector<1x15xf32>
    %min3A_227 = arith.minimumf %convert_element_type3A_224, %min3A : vector<1x15xf32>
    %broadcast_in_dim3A_228 = arith.constant 0.000000e+00 : f32
    %broadcast_in_dim3A_229 = vector.broadcast %broadcast_in_dim3A_228 : f32 to vector<1x15xf32>
    %slice3A_230 = vector.extract_strided_slice %dot_general3A_189 {offsets = [0, 0], sizes = [1, 1], strides = [1, 1]} : vector<1x8xf32> to vector<1x1xf32>
    %squeeze3A_231 = vector.extract %slice3A_230[0, 0] : f32 from vector<1x1xf32>
    %ge3A = vector.broadcast %squeeze3A_231 : f32 to vector<1x15xf32>
    %ge3A_232 = arith.cmpf oge, %min3A_227, %ge3A : vector<1x15xf32>
    %jit3A_233 = arith.constant 1.000000e+00 : f32
    %jit3A_234 = arith.constant 0.000000e+00 : f32
    %broadcast_in_dim3A_235 = vector.broadcast %jit3A_233 : f32 to vector<1x15xf32>
    %broadcast_in_dim3A_236 = vector.broadcast %jit3A_234 : f32 to vector<1x15xf32>
    %select_n3A_237 = arith.select %ge3A_232, %broadcast_in_dim3A_235, %broadcast_in_dim3A_236 : vector<1x15xi1>, vector<1x15xf32>
    %add3A_238 = arith.addf %broadcast_in_dim3A_229, %select_n3A_237 : vector<1x15xf32>
    %slice3A_239 = vector.extract_strided_slice %dot_general3A_189 {offsets = [0, 1], sizes = [1, 1], strides = [1, 1]} : vector<1x8xf32> to vector<1x1xf32>
    %squeeze3A_240 = vector.extract %slice3A_239[0, 0] : f32 from vector<1x1xf32>
    %ge3A_241 = vector.broadcast %squeeze3A_240 : f32 to vector<1x15xf32>
    %ge3A_242 = arith.cmpf oge, %min3A_227, %ge3A_241 : vector<1x15xf32>
    %jit3A_243 = arith.constant 1.000000e+00 : f32
    %jit3A_244 = arith.constant 0.000000e+00 : f32
    %broadcast_in_dim3A_245 = vector.broadcast %jit3A_243 : f32 to vector<1x15xf32>
    %broadcast_in_dim3A_246 = vector.broadcast %jit3A_244 : f32 to vector<1x15xf32>
    %select_n3A_247 = arith.select %ge3A_242, %broadcast_in_dim3A_245, %broadcast_in_dim3A_246 : vector<1x15xi1>, vector<1x15xf32>
    %add3A_248 = arith.addf %add3A_238, %select_n3A_247 : vector<1x15xf32>
    %slice3A_249 = vector.extract_strided_slice %dot_general3A_189 {offsets = [0, 2], sizes = [1, 1], strides = [1, 1]} : vector<1x8xf32> to vector<1x1xf32>
    %squeeze3A_250 = vector.extract %slice3A_249[0, 0] : f32 from vector<1x1xf32>
    %ge3A_251 = vector.broadcast %squeeze3A_250 : f32 to vector<1x15xf32>
    %ge3A_252 = arith.cmpf oge, %min3A_227, %ge3A_251 : vector<1x15xf32>
    %jit3A_253 = arith.constant 1.000000e+00 : f32
    %jit3A_254 = arith.constant 0.000000e+00 : f32
    %broadcast_in_dim3A_255 = vector.broadcast %jit3A_253 : f32 to vector<1x15xf32>
    %broadcast_in_dim3A_256 = vector.broadcast %jit3A_254 : f32 to vector<1x15xf32>
    %select_n3A_257 = arith.select %ge3A_252, %broadcast_in_dim3A_255, %broadcast_in_dim3A_256 : vector<1x15xi1>, vector<1x15xf32>
    %add3A_258 = arith.addf %add3A_248, %select_n3A_257 : vector<1x15xf32>
    %slice3A_259 = vector.extract_strided_slice %dot_general3A_189 {offsets = [0, 3], sizes = [1, 1], strides = [1, 1]} : vector<1x8xf32> to vector<1x1xf32>
    %squeeze3A_260 = vector.extract %slice3A_259[0, 0] : f32 from vector<1x1xf32>
    %ge3A_261 = vector.broadcast %squeeze3A_260 : f32 to vector<1x15xf32>
    %ge3A_262 = arith.cmpf oge, %min3A_227, %ge3A_261 : vector<1x15xf32>
    %jit3A_263 = arith.constant 1.000000e+00 : f32
    %jit3A_264 = arith.constant 0.000000e+00 : f32
    %broadcast_in_dim3A_265 = vector.broadcast %jit3A_263 : f32 to vector<1x15xf32>
    %broadcast_in_dim3A_266 = vector.broadcast %jit3A_264 : f32 to vector<1x15xf32>
    %select_n3A_267 = arith.select %ge3A_262, %broadcast_in_dim3A_265, %broadcast_in_dim3A_266 : vector<1x15xi1>, vector<1x15xf32>
    %add3A_268 = arith.addf %add3A_258, %select_n3A_267 : vector<1x15xf32>
    %slice3A_269 = vector.extract_strided_slice %dot_general3A_189 {offsets = [0, 4], sizes = [1, 1], strides = [1, 1]} : vector<1x8xf32> to vector<1x1xf32>
    %squeeze3A_270 = vector.extract %slice3A_269[0, 0] : f32 from vector<1x1xf32>
    %ge3A_271 = vector.broadcast %squeeze3A_270 : f32 to vector<1x15xf32>
    %ge3A_272 = arith.cmpf oge, %min3A_227, %ge3A_271 : vector<1x15xf32>
    %jit3A_273 = arith.constant 1.000000e+00 : f32
    %jit3A_274 = arith.constant 0.000000e+00 : f32
    %broadcast_in_dim3A_275 = vector.broadcast %jit3A_273 : f32 to vector<1x15xf32>
    %broadcast_in_dim3A_276 = vector.broadcast %jit3A_274 : f32 to vector<1x15xf32>
    %select_n3A_277 = arith.select %ge3A_272, %broadcast_in_dim3A_275, %broadcast_in_dim3A_276 : vector<1x15xi1>, vector<1x15xf32>
    %add3A_278 = arith.addf %add3A_268, %select_n3A_277 : vector<1x15xf32>
    %slice3A_279 = vector.extract_strided_slice %dot_general3A_189 {offsets = [0, 5], sizes = [1, 1], strides = [1, 1]} : vector<1x8xf32> to vector<1x1xf32>
    %squeeze3A_280 = vector.extract %slice3A_279[0, 0] : f32 from vector<1x1xf32>
    %ge3A_281 = vector.broadcast %squeeze3A_280 : f32 to vector<1x15xf32>
    %ge3A_282 = arith.cmpf oge, %min3A_227, %ge3A_281 : vector<1x15xf32>
    %jit3A_283 = arith.constant 1.000000e+00 : f32
    %jit3A_284 = arith.constant 0.000000e+00 : f32
    %broadcast_in_dim3A_285 = vector.broadcast %jit3A_283 : f32 to vector<1x15xf32>
    %broadcast_in_dim3A_286 = vector.broadcast %jit3A_284 : f32 to vector<1x15xf32>
    %select_n3A_287 = arith.select %ge3A_282, %broadcast_in_dim3A_285, %broadcast_in_dim3A_286 : vector<1x15xi1>, vector<1x15xf32>
    %add3A_288 = arith.addf %add3A_278, %select_n3A_287 : vector<1x15xf32>
    %slice3A_289 = vector.extract_strided_slice %dot_general3A_189 {offsets = [0, 6], sizes = [1, 1], strides = [1, 1]} : vector<1x8xf32> to vector<1x1xf32>
    %squeeze3A_290 = vector.extract %slice3A_289[0, 0] : f32 from vector<1x1xf32>
    %ge3A_291 = vector.broadcast %squeeze3A_290 : f32 to vector<1x15xf32>
    %ge3A_292 = arith.cmpf oge, %min3A_227, %ge3A_291 : vector<1x15xf32>
    %jit3A_293 = arith.constant 1.000000e+00 : f32
    %jit3A_294 = arith.constant 0.000000e+00 : f32
    %broadcast_in_dim3A_295 = vector.broadcast %jit3A_293 : f32 to vector<1x15xf32>
    %broadcast_in_dim3A_296 = vector.broadcast %jit3A_294 : f32 to vector<1x15xf32>
    %select_n3A_297 = arith.select %ge3A_292, %broadcast_in_dim3A_295, %broadcast_in_dim3A_296 : vector<1x15xi1>, vector<1x15xf32>
    %add3A_298 = arith.addf %add3A_288, %select_n3A_297 : vector<1x15xf32>
    %slice3A_299 = vector.extract_strided_slice %dot_general3A_189 {offsets = [0, 7], sizes = [1, 1], strides = [1, 1]} : vector<1x8xf32> to vector<1x1xf32>
    %squeeze3A_300 = vector.extract %slice3A_299[0, 0] : f32 from vector<1x1xf32>
    %ge3A_301 = vector.broadcast %squeeze3A_300 : f32 to vector<1x15xf32>
    %ge3A_302 = arith.cmpf oge, %min3A_227, %ge3A_301 : vector<1x15xf32>
    %jit3A_303 = arith.constant 1.000000e+00 : f32
    %jit3A_304 = arith.constant 0.000000e+00 : f32
    %broadcast_in_dim3A_305 = vector.broadcast %jit3A_303 : f32 to vector<1x15xf32>
    %broadcast_in_dim3A_306 = vector.broadcast %jit3A_304 : f32 to vector<1x15xf32>
    %select_n3A_307 = arith.select %ge3A_302, %broadcast_in_dim3A_305, %broadcast_in_dim3A_306 : vector<1x15xi1>, vector<1x15xf32>
    %add3A_308 = arith.addf %add3A_298, %select_n3A_307 : vector<1x15xf32>
    %min3A_309 = arith.constant 7.000000e+00 : f32
    %min3A_310 = vector.broadcast %min3A_309 : f32 to vector<1x15xf32>
    %min3A_311 = arith.minimumf %add3A_308, %min3A_310 : vector<1x15xf32>
    %convert_element_type3A_312 = arith.fptosi %min3A_311 : vector<1x15xf32> to vector<1x15xi32>
    %swap3A_313 = arith.constant 0 : index
    %swap3A_314 = arith.constant 0 : index
    %swap3A_315 = vector.load %arg6[%swap3A_313, %swap3A_314] : memref<1x15xi32, #tpu.memory_space<vmem>>, vector<1x15xi32>
    tpu.vector_store %arg6[%swap3A_313, %swap3A_314], %convert_element_type3A_312 {strides = array<i32>} : memref<1x15xi32, #tpu.memory_space<vmem>>, vector<1x15xi32>,
    %slice3A_316 = vector.extract_strided_slice %dot_general3A_189 {offsets = [0, 7], sizes = [1, 1], strides = [1, 1]} : vector<1x8xf32> to vector<1x1xf32>
    %convert_element_type3A_317 = arith.fptosi %slice3A_316 : vector<1x1xf32> to vector<1x1xi32>
    %swap3A_318 = arith.constant 0 : index
    %swap3A_319 = arith.constant 0 : index
    %swap3A_320 = vector.load %arg7[%swap3A_318, %swap3A_319] : memref<1x1xi32, #tpu.memory_space<vmem>>, vector<1x1xi32>
    tpu.vector_store %arg7[%swap3A_318, %swap3A_319], %convert_element_type3A_317 {strides = array<i32>} : memref<1x1xi32, #tpu.memory_space<vmem>>, vector<1x1xi32>,
    return
  }
}

</mosaic_0001>

<sc_bundles>
// kernel: kernel.6.cloned.1.call-start
scs
__scs_entry_jumppad:
0x0: {  	(pc) =	sbr.rel $0x88, $3  }
0x1: {  	(tag) =	ssettag $0x0;
	lr =	simm.s32 $0x1  }
0x2: {  	[smem:$0x3F9C] =	sst lr;
	_ =	strace $0xD0000000  }
0x3: {  	_ = 	snop  }
0x4: {  	_ = 	snop  }
0x5: {  	_ = 	snop  }
0x6: {  	_ = 	snop  }
0x7: {  	_ = 	snop  }
__scs_overlays_trampoline_lowered:
0x8: {  	[smem:$0x3FAB] =	sst s0  }
0x9: {  	[smem:$0x3FAC] =	sst s1  }
0xa: {  	[smem:$0x3FAD] =	sst s2  }
0xb: {  	[smem:$0x3FAE] =	sst s3  }
0xc: {  	[smem:$0x3FAF] =	sst s4  }
0xd: {  	[smem:$0x3FB0] =	sst s5  }
0xe: {  	[smem:$0x3FB1] =	sst s6  }
0xf: {  	[smem:$0x3FB2] =	sst s7  }
0x10: {  	[smem:$0x3FB3] =	sst s8  }
0x11: {  	[smem:$0x3FB4] =	sst s9;
	s0 =	simm.s32 @!p0 $0x0  }
0x12: {  	s1 =	sld [smem:$0x3F9A];
	s0 =	simm.s32 @p0 $0x1  }
0x13: {  	[smem:$0x3FB5] =	sst s0;
	s0 =	simm.s32 @!p1 $0x0  }
0x14: {  	s2 =	sld [smem:$0x3F99];
	s0 =	simm.s32 @p1 $0x1  }
0x15: {  	[smem:$0x3FB6] =	sst s0;
	s0 =	simm.s32 @!p2 $0x0  }
0x16: {  	s3 =	sld [smem:$0x3FDB];
	s0 =	simm.s32 @p2 $0x1  }
0x17: {  	s4 =	simm.s32 $0x1BF5;
	[smem:$0x3FB8] =	sst s0  }
0x18: {  	s0 =	sld [smem:$0x3F9B];
	_ =	swait.ge [sflag:s4], $0x0  }
0x19: {  	s7 =	sld [smem:$0x3F9C]  }
0x1a: {  	s8 =	sadd.s32 $0xFFFFE003, lr  }
0x1b: {  	s9 =	sadd.s32 $0xFFFFFEF7, lr;
	s5 =	simm.s32 $0xFFFFFFFF;
	p2 =	slt.u32 s8, $0xFFFFF086  }
0x1c: {  	p1 =	slt.u32 s9, $0xF7A;
	s5 =	simm.s32 @!p2 $0x0  }
0x1d: {  	s5 =	simm.s32 @p1 $0x1;
	p0 =	seq.s32 s7, s2  }
0x1e: {  	s7 =	smul.u32 @!p0 $0xF7A, s2;
	p2 =	seq.s32 @!p0 s5, $0x0  }
0x1f: {  	s9 =	smul.u32 $0xF7A, s1;
	s8 =	simm.s32 @!p0 $0x1BF5;
	p2 =	por !p2, p0  }
0x20: {  	[sflag:s8] =	ssyncset.s32 @!p0 $0xFFFFF086;
	s6 =	sadd.s32 @!p0 s3, s7;
	s7 =	simm.s32 @!p0 $0x108  }
0x21: {  	s3 =	sadd.s32 s3, s9;
	s6 =	sadd.s32 @!p0 $0x88, s6;
	s7 =	simm.s32 @p2 $0x1082  }
0x22: {  	[simem:s7], [sflag:s8] =	dma.local @!p0 [hbm:s6], $0xF7A  }
0x23: {  	s9 =	sor.u32 $0xD0000000, s2;
	s6 =	simm.s32 $0x108;
	_ =	swait.ge @!p0 [sflag:s8], $0x0  }
0x24: {  	s3 =	sadd.s32 $0x88, s3;
	s6 =	simm.s32 @!p1 $0x1082;
	[sflag:s4] =	ssyncset.s32 $0xFFFFF086  }
0x25: {  	[simem:s6], [sflag:s4] =	dma.local [hbm:s3], $0xF7A  }
0x26: {  	[smem:$0x3F9C] =	sst s1;
	(tag) =	ssettag s2;
	_ =	strace s9  }
0x27: {  	s1 =	sld [smem:$0x3FAC]  }
0x28: {  	s2 =	sld [smem:$0x3FAD]  }
0x29: {  	s4 =	sld [smem:$0x3FAF]  }
0x2a: {  	p0 =	seq.s32 s5, $0x0;
	s5 =	sld [smem:$0x3FB0]  }
0x2b: {  	s6 =	sld [smem:$0x3FB1]  }
0x2c: {  	s7 =	sld [smem:$0x3FB2]  }
0x2d: {  	s3 =	simm.s32 $0x108;
	s8 =	sld [smem:$0x3FB3]  }
0x2e: {  	s3 =	simm.s32 @!p0 $0x1082;
	s9 =	sld [smem:$0x3FB4]  }
0x2f: {  	lr =	sadd.s32 s0, s3;
	s0 =	sld [smem:$0x3FAB]  }
0x30: {  	s3 =	sld [smem:$0x3FAE]  }
0x31: {  	[smem:$0x3FB7] =	sst s10  }
0x32: {  	s10 =	sld [smem:$0x3FB5];
	_ =	sdelay $0x3  }
0x33: {  	p0 =	seq.s32 s10, $0x1;
	s10 =	sld [smem:$0x3FB7];
	_ =	sdelay $0x3  }
0x34: {  	[smem:$0x3FB7] =	sst s10  }
0x35: {  	s10 =	sld [smem:$0x3FB6];
	_ =	sdelay $0x3  }
0x36: {  	p1 =	seq.s32 s10, $0x1;
	s10 =	sld [smem:$0x3FB7];
	_ =	sdelay $0x3  }
0x37: {  	[smem:$0x3FB7] =	sst s10  }
0x38: {  	s10 =	sld [smem:$0x3FB8]  }
0x39: {  	_ = 	snop;
	(pc) =	sbr.ind lr, $3  }
0x3a: {  	_ = 	snop  }
0x3b: {  	_ = 	snop  }
0x3c: {  	p2 =	seq.s32 s10, $0x1;
	s10 =	sld [smem:$0x3FB7]  }
0x3d: {  	_ =	shalt  }
0x3e: {  	_ =	shalt  }
0x3f: {  	_ =	shalt  }
0x40: {  	_ =	shalt  }
0x41: {  	_ =	shalt  }
0x42: {  	_ =	shalt  }
0x43: {  	_ =	shalt  }
0x44: {  	_ =	shalt  }
0x45: {  	_ =	shalt  }
0x46: {  	_ =	shalt  }
0x47: {  	_ =	shalt  }
0x48: {  	_ =	shalt  }
0x49: {  	_ =	shalt  }
0x4a: {  	_ =	shalt  }
0x4b: {  	_ =	shalt  }
0x4c: {  	_ =	shalt  }
0x4d: {  	_ =	shalt  }
0x4e: {  	_ =	shalt  }
0x4f: {  	_ =	shalt  }
0x50: {  	_ =	shalt  }
0x51: {  	_ =	shalt  }
0x52: {  	_ =	shalt  }
0x53: {  	_ =	shalt  }
0x54: {  	_ =	shalt  }
0x55: {  	_ =	shalt  }
0x56: {  	_ =	shalt  }
0x57: {  	_ =	shalt  }
0x58: {  	_ =	shalt  }
0x59: {  	_ =	shalt  }
0x5a: {  	_ =	shalt  }
0x5b: {  	_ =	shalt  }
0x5c: {  	_ =	shalt  }
0x5d: {  	_ =	shalt  }
0x5e: {  	_ =	shalt  }
0x5f: {  	_ =	shalt  }
0x60: {  	_ =	shalt  }
0x61: {  	_ =	shalt  }
0x62: {  	_ =	shalt  }
0x63: {  	_ =	shalt  }
0x64: {  	_ =	shalt  }
0x65: {  	_ =	shalt  }
0x66: {  	_ =	shalt  }
0x67: {  	_ =	shalt  }
0x68: {  	_ =	shalt  }
0x69: {  	_ =	shalt  }
0x6a: {  	_ =	shalt  }
0x6b: {  	_ =	shalt  }
0x6c: {  	_ =	shalt  }
0x6d: {  	_ =	shalt  }
0x6e: {  	_ =	shalt  }
0x6f: {  	_ =	shalt  }
0x70: {  	_ =	shalt  }
0x71: {  	_ =	shalt  }
0x72: {  	_ =	shalt  }
0x73: {  	_ =	shalt  }
0x74: {  	_ =	shalt  }
0x75: {  	_ =	shalt  }
0x76: {  	_ =	shalt  }
0x77: {  	_ =	shalt  }
0x78: {  	_ =	shalt  }
0x79: {  	_ =	shalt  }
0x7a: {  	_ =	shalt  }
0x7b: {  	_ =	shalt  }
0x7c: {  	_ =	shalt  }
0x7d: {  	_ =	shalt  }
0x7e: {  	_ =	shalt  }
0x7f: {  	_ =	shalt  }
0x80: {  	_ =	shalt  }
0x81: {  	_ =	shalt  }
0x82: {  	_ =	shalt  }
0x83: {  	_ =	shalt  }
0x84: {  	_ =	shalt  }
0x85: {  	_ =	shalt  }
0x86: {  	_ =	shalt  }
0x87: {  	_ =	shalt  }
.Lfunc_end0:
.L_simem_size_0:
called_computation_lowered:
.L_overlay_start_0:
0x88: {  	s2 =	sld [smem:$0x3FD9]  }
0x89: {  	s3 =	sld [smem:$0x3FFE];
	_ =	sdelay $0x1  }
0x8a: {  	s1 =	srdreg.scid  }
0x8b: {  	s0 =	sand.u32 $0x1, s1  }
0x8c: {  	s17 =	sshll.u32 s0, $0xA;
	s2 =	sadd.s32 s3, s2  }
0x8d: {  	s2 =	sadd.s32 s2, s17  }
0x8e: {  	[smem:$0x3FC3] =	sst s2  }
0x8f: {  	_ = 	snop  }
0x90: {  	s2 =	sld [smem:$0x3FC9]  }
0x91: {  	s18 =	sld [smem:$0x3FD0];
	(tm) =	ssettm $0x1  }
0x92: {  	s4 =	sld [smem:$0x3FFB];
	_ =	sdelay $0x3  }
0x93: {  	_ =	strace s4  }
0x94: {  	s4 =	sld [smem:$0x3FFC];
	_ =	sdelay $0x3  }
0x95: {  	_ =	strace s4  }
0x96: {  	s4 =	sld [smem:$0x3FFD];
	_ =	sdelay $0x3  }
0x97: {  	_ =	strace s4  }
0x98: {  	_ =	strace $0x8FFFFFFF  }
0x99: {  	s19 =	sld [smem:$0x3FDB];
	_ =	sdelay $0x1  }
0x9a: {  	s5 =	simm.s32 $_scs_section_size  }
0x9b: {  	s6 =	simm.s32 $_size__tile_overlayer_lowered;
	s7 =	simm.s32 $_tile_overlayer_lowered  }
0x9c: {  	s22 =	simm.s32 $0x1BFF;
	s21 =	sshll.u32 s7, $0x1;
	s4 =	sadd.s32 s5, s19  }
0x9d: {  	s8 =	simm.s32 $0x0;
	s20 =	sshll.u32 s6, $0x1;
	s6 =	sadd.s32 s21, s4  }
0x9e: {  	[timem:s8], [sflag:s22] =	dma.local [hbm:s6], s20  }
0x9f: {  	_ =	swait.ge [sflag:s22], s20  }
0xa0: {  	s5 =	ssub.s32 $0x0, s20;
	[sflag:s22] =	ssyncset.done $0x0  }
0xa1: {  	[sflag:s22] =	ssyncadd.s32 s5;
	_ =	sdelay $0x1  }
0xa2: {  	s23 =	simm.s32 $0x1B8B  }
0xa3: {  	_ =	swait.ge [sflag:s23], $0x1  }
0xa4: {  	[sflag:s23] =	ssyncset.done $0x0  }
0xa5: {  	s25 =	simm.s32 $0x1B8E;
	s24 =	sld [smem:$0x3FFE];
	[sflag:s23] =	ssyncadd.s32 $0xFFFFFFFF  }
0xa6: {  	s26 =	simm.s32 $execute0_lowered;
	[smem:$0x3FD2] =	sst s25  }
0xa7: {  	s6 =	sshll.u32 s26, $0x1;
	_ =	strace $0x80000046;
	[dreg:$0x1] =	wrdreg $0xFFFFFFFF  }
0xa8: {  	s28 =	simm.s32 $_size_execute0_lowered;
	s4 =	sadd.s32 s4, s6;
	[dreg:$0x0] =	wrdreg $0x0  }
0xa9: {  	s6 =	sshll.u32 s28, $0x1;
	[dreg:$0x2] =	wrdreg s4  }
0xaa: {  	[dreg:$0x3] =	wrdreg s6  }
0xab: {  	[dreg:$0x4] =	wrdreg $0xC0  }
0xac: {  	_ =	task [dreg:s8], $0x5FFFF  }
0xad: {  	[dreg:$0x1] =	wrdreg $0xFFFFFFFF  }
0xae: {  	[dreg:$0x0] =	wrdreg $0x60  }
0xaf: {  	[dreg:$0x2] =	wrdreg s2  }
0xb0: {  	[dreg:$0x3] =	wrdreg s24  }
0xb1: {  	[dreg:$0x4] =	wrdreg s18  }
0xb2: {  	[dreg:$0x5] =	wrdreg $0x9  }
0xb3: {  	_ =	task.clear_ibuf [dreg:s8], $0x6FFFF;
	_ =	strace $0x90000046  }
0xb4: {  	s29 =	simm.s32 $0x9;
	_ =	strace $0x80000048  }
0xb5: {  	_ =	swait.ge [sflag:s29], $0x1  }
0xb6: {  	[sflag:s29] =	ssyncadd.s32 $0xFFFFFFFF  }
0xb7: {  	_ =	strace $0x90000048  }
0xb8: {  	_ =	sfence  }
0xb9: {  	s30 =	sld [smem:$0x0];
	_ =	sdelay $0x2  }
0xba: {  	s31 =	sshll.u32 s1, $0xD;
	s1 =	sshrl.u32 s1, $0x2  }
0xbb: {  	s3 =	sand.u32 $0x4000, s31;
	s1 =	sadd.s32 s1, s30  }
0xbc: {  	s0 =	sor.u32 s3, s0;
	s1 =	sshll.u32 s1, $0x11  }
0xbd: {  	s0 =	sor.u32 s1, s0  }
0xbe: {  	s0 =	sadd.s32 $0x8F2B, s0  }
0xbf: {  	[sflag:s0] =	ssyncadd.remote.s32 $0x1  }
0xc0: {  	_ =	sfence.sel $0xFFFF  }
0xc1: {  	[dreg:$0x0] =	wrdreg $0xFFFFFFFF;
	(pc) =	sbr.abs _section_cstart, $3  }
0xc2: {  	[dreg:$0x1] =	wrdreg $0xFFFFFFFF  }
0xc3: {  	_ =	task.clear_ibuf [dreg:s8], $0x2FFFF;
	_ =	strace $0x9FFFFFFF  }
0xc4: {  	(tm) =	ssettm $0x7FFFFFFF  }
0xc5: {  	_ =	shalt  }
tec
execute0_lowered:
.L_overlay_start_1:
0x0: {  	(tag) =	ssettag $0x1  }
0x1: {  	s0 =	rddreg [dreg:$0x0];
	s1 =	srdreg.scid  }
0x2: {  	s2 =	rddreg [dreg:$0x1];
	s3 =	stileid.u32;
	s14 =	simm.s32 $0x1  }
0x3: {  	s15 =	simm.s32 $0x2;
	s16 =	simm.s32 $0x3;
	s11 =	simm.s32 $0x1800  }
0x4: {  	s12 =	simm.s32 $0x2000;
	s18 =	simm.s32 $0x2800;
	s19 =	simm.s32 $0x3000  }
0x5: {  	s20 =	simm.s32 $0x3800;
	s21 =	simm.s32 $0x4000;
	s22 =	simm.s32 $0x4800  }
0x6: {  	s28 =	simm.s32 $0x7000;
	s29 =	simm.s32 $0x7800;
	s30 =	simm.s32 $0x8000  }
0x7: {  	s17 =	simm.s32 $0x8800;
	s13 =	simm.s32 $0xB000;
	s1 =	sand.u32 $0x1, s1  }
0x8: {  	s4 =	sshll.u32 s3, $0x7;
	s3 =	simm.s32 $0x0;
	s7 =	sadd.s32 $0x12500, s2  }
0x9: {  	s5 =	sshll.u32 s1, $0x6;
	[smem:$0x7FF] =	sst s3;
	s1 =	ssub.s32 $0x2, s1  }
0xa: {  	s4 =	sor.u32 s5, s4;
	_ =	strace $0x80000047;
	s26 =	sshrl.u32 s1, $0x1  }
0xb: {  	s5 =	sshrl.u32 s4, $0x3;
	s6 =	sshll.u32 s4, $0x7;
	s4 =	sshll.u32 s4, $0x4  }
0xc: {  	s1 =	ssub.s32 s1, s26;
	s5 =	sadd.s32 s5, s2;
	s0 =	sadd.s32 s0, s6  }
0xd: {  	s26 =	simm.s32 $0x6800;
	[dreg:$0x4] =	wrdreg s0;
	s23 =	sadd.s32 $0x11E00, s5  }
0xe: {  	s4 =	sadd.s32 s4, s2;
	s24 =	sadd.s32 $0x12000, s5;
	[dreg:$0x5] =	wrdreg s23  }
0xf: {  	s6 =	sadd.s32 $0x12400, s2;
	s25 =	sadd.s32 $0x1E00, s4;
	[dreg:$0x6] =	wrdreg s24  }
0x10: {  	v2 =	vlaneseq.u32;
	s8 =	smax.u32 s1, $0x1;
	s31 =	sadd.s32 $0x9E00, s4;
	[dreg:$0x7] =	wrdreg s25  }
0x11: {  	vm0 =	vmmov $0xffff;
	v1 =	vshrl.u32 v2, $0x3;
	s4 =	sadd.s32 $0x12200, s2;
	s5 =	sadd.s32 $0x12300, s2;
	[dreg:$0x8] =	wrdreg s31  }
0x12: {  	v0 =	vand.u32 $0x7, v2;
	v2 =	vor.u32 $0x8, v2;
	v1 =	vmul.u32 $0x8, v1;
	s23 =	simm.s32 $0x5000;
	s24 =	simm.s32 $0x5800;
	s25 =	simm.s32 $0x6000  }
.LBB2_1:
0x13: {  	s31 =	rddreg [dreg:$0x4]  }
0x14: {  	[tilespmem:s3], [sflag:$0x1] =	stream.linear.gather [hbm4b:s31+s3], $0x10000, $0x38;
	[tilespmem:$0x14100] =	vst v63  }
0x15: {  	s1 =	rddreg [dreg:$0x5];
	s0 =	simm.s32 $0x10000  }
0x16: {  	[tilespmem:s0], [sflag:$0x2] =	stream.linear.gather [hbm4b:s1+s3], $0x40, $0x38;
	[tilespmem:$0x14100] =	vst v63  }
0x17: {  	s10 =	rddreg [dreg:$0x6];
	s2 =	simm.s32 $0x10080  }
0x18: {  	[tilespmem:s2], [sflag:$0x3] =	stream.linear.gather [hbm4b:s10+s3], $0x40, $0x38;
	[tilespmem:$0x14100] =	vst v63  }
0x19: {  	s1 =	rddreg [dreg:$0x7];
	s10 =	simm.s32 $0x10100  }
0x1a: {  	[tilespmem:s10], [sflag:$0x4] =	stream.linear.gather [hbm4b:s1+s3], $0x2000, $0x38;
	[tilespmem:$0x14100] =	vst v63  }
0x1b: {  	s9 =	rddreg [dreg:$0x8];
	s2 =	simm.s32 $0x12100  }
0x1c: {  	[tilespmem:s2], [sflag:$0x5] =	stream.linear.gather [hbm4b:s9+s3], $0x2000, $0x38;
	[tilespmem:$0x14100] =	vst v63  }
0x1d: {  	_ =	swait.ge [sflag:s14], $0x10000  }
0x1e: {  	[sflag:s14] =	ssyncset.done $0x0  }
0x1f: {  	[sflag:s14] =	ssyncadd.s32 $0xFFFF0000  }
0x20: {  	_ =	swait.ge [sflag:s15], $0x40  }
0x21: {  	[sflag:s15] =	ssyncset.done $0x0  }
0x22: {  	[sflag:s15] =	ssyncadd.s32 $0xFFFFFFC0  }
0x23: {  	_ =	swait.ge [sflag:s16], $0x40  }
0x24: {  	[sflag:s16] =	ssyncset.done $0x0  }
0x25: {  	s0 =	simm.s32 $0x4;
	[sflag:s16] =	ssyncadd.s32 $0xFFFFFFC0  }
0x26: {  	_ =	swait.ge [sflag:s0], $0x2000  }
0x27: {  	[sflag:s0] =	ssyncset.done $0x0  }
0x28: {  	s9 =	simm.s32 $0x5;
	[sflag:s0] =	ssyncadd.s32 $0xFFFFE000  }
0x29: {  	_ =	swait.ge [sflag:s9], $0x2000  }
0x2a: {  	[sflag:s9] =	ssyncset.done $0x0  }
0x2b: {  	[sflag:s9] =	ssyncadd.s32 $0xFFFFE000  }
0x2c: {  	v3 =	vld [tilespmem:$0x10000];
	_ =	sdelay $0x4  }
0x2d: {  	v4 =	vshll.u32 v3, $0x3  }
0x2e: {  	v3 =	vand.u32 $0x7, v3;
	v4 =	vand.u32 $0xFFFFFFC0, v4  }
0x2f: {  	v3 =	vor.u32 v3, v4  }
0x30: {  	v4 =	vperm.xlane v3, v0;
	_ =	sdelay $0x1  }
0x31: {  	v4 =	vadd.s32 v1, v4;
	_ =	sdelay $0x4  }
0x32: {  	[hbm4b:s4+s3] =	stream.indirect_vreg.scatter [tilespmem:s3], [sflag:$0x1], $0x80, v4, vm0, $0xb8;
	[tilespmem:$0x14100] =	vst v63  }
0x33: {  	s10 =	simm.s32 $0x800;
	v3 =	vperm.xlane v3, v2  }
0x34: {  	[hbm4b:s5+s3] =	stream.indirect_vreg.scatter [tilespmem:s10], [sflag:$0x1], $0x80, v4, vm0, $0xb8;
	[tilespmem:$0x14100] =	vst v63  }
0x35: {  	s31 =	simm.s32 $0x1000;
	v3 =	vadd.s32 v1, v3  }
0x36: {  	[hbm4b:s6+s3] =	stream.indirect_vreg.scatter [tilespmem:s31], [sflag:$0x1], $0x80, v4, vm0, $0xb8;
	[tilespmem:$0x14100] =	vst v63  }
0x37: {  	_ = 	snop  }
0x38: {  	[hbm4b:s7+s3] =	stream.indirect_vreg.scatter [tilespmem:s11], [sflag:$0x1], $0x80, v4, vm0, $0xb8;
	[tilespmem:$0x14100] =	vst v63  }
0x39: {  	_ = 	snop  }
0x3a: {  	[hbm4b:s4+s3] =	stream.indirect_vreg.scatter [tilespmem:s12], [sflag:$0x1], $0x80, v3, vm0, $0xb8;
	[tilespmem:$0x14100] =	vst v63  }
0x3b: {  	_ = 	snop  }
0x3c: {  	[hbm4b:s5+s3] =	stream.indirect_vreg.scatter [tilespmem:s18], [sflag:$0x1], $0x80, v3, vm0, $0xb8;
	[tilespmem:$0x14100] =	vst v63  }
0x3d: {  	_ = 	snop  }
0x3e: {  	[hbm4b:s6+s3] =	stream.indirect_vreg.scatter [tilespmem:s19], [sflag:$0x1], $0x80, v3, vm0, $0xb8;
	[tilespmem:$0x14100] =	vst v63  }
0x3f: {  	_ = 	snop  }
0x40: {  	[hbm4b:s7+s3] =	stream.indirect_vreg.scatter [tilespmem:s20], [sflag:$0x1], $0x80, v3, vm0, $0xb8;
	[tilespmem:$0x14100] =	vst v63  }
0x41: {  	v3 =	vld [tilespmem:$0x10010];
	_ =	sdelay $0x4  }
0x42: {  	v57 =	vshll.u32 v3, $0x3  }
0x43: {  	v3 =	vand.u32 $0x7, v3;
	v4 =	vand.u32 $0xFFFFFFC0, v57  }
0x44: {  	v3 =	vor.u32 v3, v4  }
0x45: {  	v4 =	vperm.xlane v3, v0;
	_ =	sdelay $0x1  }
0x46: {  	v4 =	vadd.s32 v1, v4;
	_ =	sdelay $0x4  }
0x47: {  	[hbm4b:s4+s3] =	stream.indirect_vreg.scatter [tilespmem:s21], [sflag:$0x1], $0x80, v4, vm0, $0xb8;
	[tilespmem:$0x14100] =	vst v63  }
0x48: {  	v3 =	vperm.xlane v3, v2  }
0x49: {  	[hbm4b:s5+s3] =	stream.indirect_vreg.scatter [tilespmem:s22], [sflag:$0x1], $0x80, v4, vm0, $0xb8;
	[tilespmem:$0x14100] =	vst v63  }
0x4a: {  	v3 =	vadd.s32 v1, v3  }
0x4b: {  	[hbm4b:s6+s3] =	stream.indirect_vreg.scatter [tilespmem:s23], [sflag:$0x1], $0x80, v4, vm0, $0xb8;
	[tilespmem:$0x14100] =	vst v63  }
0x4c: {  	_ = 	snop  }
0x4d: {  	[hbm4b:s7+s3] =	stream.indirect_vreg.scatter [tilespmem:s24], [sflag:$0x1], $0x80, v4, vm0, $0xb8;
	[tilespmem:$0x14100] =	vst v63  }
0x4e: {  	_ = 	snop  }
0x4f: {  	[hbm4b:s4+s3] =	stream.indirect_vreg.scatter [tilespmem:s25], [sflag:$0x1], $0x80, v3, vm0, $0xb8;
	[tilespmem:$0x14100] =	vst v63  }
0x50: {  	_ = 	snop  }
0x51: {  	[hbm4b:s5+s3] =	stream.indirect_vreg.scatter [tilespmem:s26], [sflag:$0x1], $0x80, v3, vm0, $0xb8;
	[tilespmem:$0x14100] =	vst v63  }
0x52: {  	_ = 	snop  }
0x53: {  	[hbm4b:s6+s3] =	stream.indirect_vreg.scatter [tilespmem:s28], [sflag:$0x1], $0x80, v3, vm0, $0xb8;
	[tilespmem:$0x14100] =	vst v63  }
0x54: {  	_ = 	snop  }
0x55: {  	[hbm4b:s7+s3] =	stream.indirect_vreg.scatter [tilespmem:s29], [sflag:$0x1], $0x80, v3, vm0, $0xb8;
	[tilespmem:$0x14100] =	vst v63  }
0x56: {  	v3 =	vld [tilespmem:$0x10020];
	_ =	sdelay $0x4  }
0x57: {  	v58 =	vshll.u32 v3, $0x3  }
0x58: {  	v3 =	vand.u32 $0x7, v3;
	v4 =	vand.u32 $0xFFFFFFC0, v58  }
0x59: {  	v3 =	vor.u32 v3, v4  }
0x5a: {  	v4 =	vperm.xlane v3, v0;
	_ =	sdelay $0x1  }
0x5b: {  	v4 =	vadd.s32 v1, v4;
	_ =	sdelay $0x4  }
0x5c: {  	[hbm4b:s4+s3] =	stream.indirect_vreg.scatter [tilespmem:s30], [sflag:$0x1], $0x80, v4, vm0, $0xb8;
	[tilespmem:$0x14100] =	vst v63  }
0x5d: {  	v3 =	vperm.xlane v3, v2  }
0x5e: {  	[hbm4b:s5+s3] =	stream.indirect_vreg.scatter [tilespmem:s17], [sflag:$0x1], $0x80, v4, vm0, $0xb8;
	[tilespmem:$0x14100] =	vst v63  }
0x5f: {  	s2 =	simm.s32 $0x9000;
	v3 =	vadd.s32 v1, v3  }
0x60: {  	[hbm4b:s6+s3] =	stream.indirect_vreg.scatter [tilespmem:s2], [sflag:$0x1], $0x80, v4, vm0, $0xb8;
	[tilespmem:$0x14100] =	vst v63  }
0x61: {  	s2 =	simm.s32 $0x9800  }
0x62: {  	[hbm4b:s7+s3] =	stream.indirect_vreg.scatter [tilespmem:s2], [sflag:$0x1], $0x80, v4, vm0, $0xb8;
	[tilespmem:$0x14100] =	vst v63  }
0x63: {  	s9 =	simm.s32 $0xA000  }
0x64: {  	[hbm4b:s4+s3] =	stream.indirect_vreg.scatter [tilespmem:s9], [sflag:$0x1], $0x80, v3, vm0, $0xb8;
	[tilespmem:$0x14100] =	vst v63  }
0x65: {  	s10 =	simm.s32 $0xA800  }
0x66: {  	[hbm4b:s5+s3] =	stream.indirect_vreg.scatter [tilespmem:s10], [sflag:$0x1], $0x80, v3, vm0, $0xb8;
	[tilespmem:$0x14100] =	vst v63  }
0x67: {  	_ = 	snop  }
0x68: {  	[hbm4b:s6+s3] =	stream.indirect_vreg.scatter [tilespmem:s13], [sflag:$0x1], $0x80, v3, vm0, $0xb8;
	[tilespmem:$0x14100] =	vst v63  }
0x69: {  	s1 =	simm.s32 $0xB800  }
0x6a: {  	[hbm4b:s7+s3] =	stream.indirect_vreg.scatter [tilespmem:s1], [sflag:$0x1], $0x80, v3, vm0, $0xb8;
	[tilespmem:$0x14100] =	vst v63  }
0x6b: {  	v3 =	vld [tilespmem:$0x10030];
	_ =	sdelay $0x4  }
0x6c: {  	v59 =	vshll.u32 v3, $0x3  }
0x6d: {  	v3 =	vand.u32 $0x7, v3;
	v4 =	vand.u32 $0xFFFFFFC0, v59  }
0x6e: {  	v3 =	vor.u32 v3, v4  }
0x6f: {  	v4 =	vperm.xlane v3, v0;
	_ =	sdelay $0x1  }
0x70: {  	v4 =	vadd.s32 v1, v4;
	_ =	sdelay $0x3  }
0x71: {  	s1 =	simm.s32 $0xC000  }
0x72: {  	[hbm4b:s4+s3] =	stream.indirect_vreg.scatter [tilespmem:s1], [sflag:$0x1], $0x80, v4, vm0, $0xb8;
	[tilespmem:$0x14100] =	vst v63  }
0x73: {  	v3 =	vperm.xlane v3, v2;
	s1 =	simm.s32 $0xC800  }
0x74: {  	[hbm4b:s5+s3] =	stream.indirect_vreg.scatter [tilespmem:s1], [sflag:$0x1], $0x80, v4, vm0, $0xb8;
	[tilespmem:$0x14100] =	vst v63  }
0x75: {  	v3 =	vadd.s32 v1, v3;
	s1 =	simm.s32 $0xD000  }
0x76: {  	[hbm4b:s6+s3] =	stream.indirect_vreg.scatter [tilespmem:s1], [sflag:$0x1], $0x80, v4, vm0, $0xb8;
	[tilespmem:$0x14100] =	vst v63  }
0x77: {  	s1 =	simm.s32 $0xD800  }
0x78: {  	[hbm4b:s7+s3] =	stream.indirect_vreg.scatter [tilespmem:s1], [sflag:$0x1], $0x80, v4, vm0, $0xb8;
	[tilespmem:$0x14100] =	vst v63  }
0x79: {  	s1 =	simm.s32 $0xE000  }
0x7a: {  	[hbm4b:s4+s3] =	stream.indirect_vreg.scatter [tilespmem:s1], [sflag:$0x1], $0x80, v3, vm0, $0xb8;
	[tilespmem:$0x14100] =	vst v63  }
0x7b: {  	s1 =	simm.s32 $0xE800  }
0x7c: {  	[hbm4b:s5+s3] =	stream.indirect_vreg.scatter [tilespmem:s1], [sflag:$0x1], $0x80, v3, vm0, $0xb8;
	[tilespmem:$0x14100] =	vst v63  }
0x7d: {  	s1 =	simm.s32 $0xF000  }
0x7e: {  	[hbm4b:s6+s3] =	stream.indirect_vreg.scatter [tilespmem:s1], [sflag:$0x1], $0x80, v3, vm0, $0xb8;
	[tilespmem:$0x14100] =	vst v63  }
0x7f: {  	s1 =	simm.s32 $0xF800  }
0x80: {  	[hbm4b:s7+s3] =	stream.indirect_vreg.scatter [tilespmem:s1], [sflag:$0x1], $0x80, v3, vm0, $0xb8;
	[tilespmem:$0x14100] =	vst v63  }
0x81: {  	v3 =	vld [tilespmem:$0x10080];
	_ =	sdelay $0x4  }
0x82: {  	v60 =	vshll.u32 v3, $0x3  }
0x83: {  	v3 =	vand.u32 $0x7, v3;
	v4 =	vand.u32 $0xFFFFFFC0, v60  }
0x84: {  	v3 =	vor.u32 v3, v4  }
0x85: {  	v4 =	vperm.xlane v3, v0;
	_ =	sdelay $0x1  }
0x86: {  	v4 =	vadd.s32 v1, v4;
	_ =	sdelay $0x4  }
0x87: {  	[hbm4b:s4+s3] =	stream.indirect_vreg.scatter [tilespmem:s3], [sflag:$0x2], $0x80, v4, vm0, $0xb8;
	[tilespmem:$0x14100] =	vst v63  }
0x88: {  	s1 =	simm.s32 $0x800;
	v3 =	vperm.xlane v3, v2  }
0x89: {  	[hbm4b:s5+s3] =	stream.indirect_vreg.scatter [tilespmem:s1], [sflag:$0x2], $0x80, v4, vm0, $0xb8;
	[tilespmem:$0x14100] =	vst v63  }
0x8a: {  	v3 =	vadd.s32 v1, v3  }
0x8b: {  	[hbm4b:s6+s3] =	stream.indirect_vreg.scatter [tilespmem:s31], [sflag:$0x2], $0x80, v4, vm0, $0xb8;
	[tilespmem:$0x14100] =	vst v63  }
0x8c: {  	_ = 	snop  }
0x8d: {  	[hbm4b:s7+s3] =	stream.indirect_vreg.scatter [tilespmem:s11], [sflag:$0x2], $0x80, v4, vm0, $0xb8;
	[tilespmem:$0x14100] =	vst v63  }
0x8e: {  	_ = 	snop  }
0x8f: {  	[hbm4b:s4+s3] =	stream.indirect_vreg.scatter [tilespmem:s12], [sflag:$0x2], $0x80, v3, vm0, $0xb8;
	[tilespmem:$0x14100] =	vst v63  }
0x90: {  	_ = 	snop  }
0x91: {  	[hbm4b:s5+s3] =	stream.indirect_vreg.scatter [tilespmem:s18], [sflag:$0x2], $0x80, v3, vm0, $0xb8;
	[tilespmem:$0x14100] =	vst v63  }
0x92: {  	_ = 	snop  }
0x93: {  	[hbm4b:s6+s3] =	stream.indirect_vreg.scatter [tilespmem:s19], [sflag:$0x2], $0x80, v3, vm0, $0xb8;
	[tilespmem:$0x14100] =	vst v63  }
0x94: {  	_ = 	snop  }
0x95: {  	[hbm4b:s7+s3] =	stream.indirect_vreg.scatter [tilespmem:s20], [sflag:$0x2], $0x80, v3, vm0, $0xb8;
	[tilespmem:$0x14100] =	vst v63  }
0x96: {  	v3 =	vld [tilespmem:$0x10090];
	_ =	sdelay $0x4  }
0x97: {  	v61 =	vshll.u32 v3, $0x3  }
0x98: {  	v3 =	vand.u32 $0x7, v3;
	v4 =	vand.u32 $0xFFFFFFC0, v61  }
0x99: {  	v3 =	vor.u32 v3, v4  }
0x9a: {  	v4 =	vperm.xlane v3, v0;
	_ =	sdelay $0x1  }
0x9b: {  	v4 =	vadd.s32 v1, v4;
	_ =	sdelay $0x4  }
0x9c: {  	[hbm4b:s4+s3] =	stream.indirect_vreg.scatter [tilespmem:s21], [sflag:$0x2], $0x80, v4, vm0, $0xb8;
	[tilespmem:$0x14100] =	vst v63  }
0x9d: {  	v3 =	vperm.xlane v3, v2  }
0x9e: {  	[hbm4b:s5+s3] =	stream.indirect_vreg.scatter [tilespmem:s22], [sflag:$0x2], $0x80, v4, vm0, $0xb8;
	[tilespmem:$0x14100] =	vst v63  }
0x9f: {  	v3 =	vadd.s32 v1, v3  }
0xa0: {  	[hbm4b:s6+s3] =	stream.indirect_vreg.scatter [tilespmem:s23], [sflag:$0x2], $0x80, v4, vm0, $0xb8;
	[tilespmem:$0x14100] =	vst v63  }
0xa1: {  	_ = 	snop  }
0xa2: {  	[hbm4b:s7+s3] =	stream.indirect_vreg.scatter [tilespmem:s24], [sflag:$0x2], $0x80, v4, vm0, $0xb8;
	[tilespmem:$0x14100] =	vst v63  }
0xa3: {  	_ = 	snop  }
0xa4: {  	[hbm4b:s4+s3] =	stream.indirect_vreg.scatter [tilespmem:s25], [sflag:$0x2], $0x80, v3, vm0, $0xb8;
	[tilespmem:$0x14100] =	vst v63  }
0xa5: {  	_ = 	snop  }
0xa6: {  	[hbm4b:s5+s3] =	stream.indirect_vreg.scatter [tilespmem:s26], [sflag:$0x2], $0x80, v3, vm0, $0xb8;
	[tilespmem:$0x14100] =	vst v63  }
0xa7: {  	_ = 	snop  }
0xa8: {  	[hbm4b:s6+s3] =	stream.indirect_vreg.scatter [tilespmem:s28], [sflag:$0x2], $0x80, v3, vm0, $0xb8;
	[tilespmem:$0x14100] =	vst v63  }
0xa9: {  	_ = 	snop  }
0xaa: {  	[hbm4b:s7+s3] =	stream.indirect_vreg.scatter [tilespmem:s29], [sflag:$0x2], $0x80, v3, vm0, $0xb8;
	[tilespmem:$0x14100] =	vst v63  }
0xab: {  	v3 =	vld [tilespmem:$0x100A0];
	_ =	sdelay $0x4  }
0xac: {  	v62 =	vshll.u32 v3, $0x3  }
0xad: {  	v3 =	vand.u32 $0x7, v3;
	v4 =	vand.u32 $0xFFFFFFC0, v62  }
0xae: {  	v3 =	vor.u32 v3, v4  }
0xaf: {  	v4 =	vperm.xlane v3, v0;
	_ =	sdelay $0x1  }
0xb0: {  	v4 =	vadd.s32 v1, v4;
	_ =	sdelay $0x4  }
0xb1: {  	[hbm4b:s4+s3] =	stream.indirect_vreg.scatter [tilespmem:s30], [sflag:$0x2], $0x80, v4, vm0, $0xb8;
	[tilespmem:$0x14100] =	vst v63  }
0xb2: {  	v3 =	vperm.xlane v3, v2  }
0xb3: {  	[hbm4b:s5+s3] =	stream.indirect_vreg.scatter [tilespmem:s17], [sflag:$0x2], $0x80, v4, vm0, $0xb8;
	[tilespmem:$0x14100] =	vst v63  }
0xb4: {  	s31 =	simm.s32 $0x9000;
	v3 =	vadd.s32 v1, v3  }
0xb5: {  	[hbm4b:s6+s3] =	stream.indirect_vreg.scatter [tilespmem:s31], [sflag:$0x2], $0x80, v4, vm0, $0xb8;
	[tilespmem:$0x14100] =	vst v63  }
0xb6: {  	_ = 	snop  }
0xb7: {  	[hbm4b:s7+s3] =	stream.indirect_vreg.scatter [tilespmem:s2], [sflag:$0x2], $0x80, v4, vm0, $0xb8;
	[tilespmem:$0x14100] =	vst v63  }
0xb8: {  	_ = 	snop  }
0xb9: {  	[hbm4b:s4+s3] =	stream.indirect_vreg.scatter [tilespmem:s9], [sflag:$0x2], $0x80, v3, vm0, $0xb8;
	[tilespmem:$0x14100] =	vst v63  }
0xba: {  	_ = 	snop  }
0xbb: {  	[hbm4b:s5+s3] =	stream.indirect_vreg.scatter [tilespmem:s10], [sflag:$0x2], $0x80, v3, vm0, $0xb8;
	[tilespmem:$0x14100] =	vst v63  }
0xbc: {  	_ = 	snop  }
0xbd: {  	[hbm4b:s6+s3] =	stream.indirect_vreg.scatter [tilespmem:s13], [sflag:$0x2], $0x80, v3, vm0, $0xb8;
	[tilespmem:$0x14100] =	vst v63  }
0xbe: {  	s9 =	simm.s32 $0xB800  }
0xbf: {  	[hbm4b:s7+s3] =	stream.indirect_vreg.scatter [tilespmem:s9], [sflag:$0x2], $0x80, v3, vm0, $0xb8;
	[tilespmem:$0x14100] =	vst v63  }
0xc0: {  	v3 =	vld [tilespmem:$0x100B0];
	_ =	sdelay $0x4  }
0xc1: {  	v63 =	vshll.u32 v3, $0x3  }
0xc2: {  	v3 =	vand.u32 $0x7, v3;
	v4 =	vand.u32 $0xFFFFFFC0, v63  }
0xc3: {  	v3 =	vor.u32 v3, v4  }
0xc4: {  	v4 =	vperm.xlane v3, v0;
	_ =	sdelay $0x1  }
0xc5: {  	v4 =	vadd.s32 v1, v4;
	_ =	sdelay $0x3  }
0xc6: {  	s10 =	simm.s32 $0xC000  }
0xc7: {  	[hbm4b:s4+s3] =	stream.indirect_vreg.scatter [tilespmem:s10], [sflag:$0x2], $0x80, v4, vm0, $0xb8;
	[tilespmem:$0x14100] =	vst v63  }
0xc8: {  	s31 =	simm.s32 $0xC800;
	v3 =	vperm.xlane v3, v2  }
0xc9: {  	[hbm4b:s5+s3] =	stream.indirect_vreg.scatter [tilespmem:s31], [sflag:$0x2], $0x80, v4, vm0, $0xb8;
	[tilespmem:$0x14100] =	vst v63  }
0xca: {  	s2 =	simm.s32 $0xD000;
	v3 =	vadd.s32 v1, v3  }
0xcb: {  	[hbm4b:s6+s3] =	stream.indirect_vreg.scatter [tilespmem:s2], [sflag:$0x2], $0x80, v4, vm0, $0xb8;
	[tilespmem:$0x14100] =	vst v63  }
0xcc: {  	s9 =	simm.s32 $0xD800  }
0xcd: {  	[hbm4b:s7+s3] =	stream.indirect_vreg.scatter [tilespmem:s9], [sflag:$0x2], $0x80, v4, vm0, $0xb8;
	[tilespmem:$0x14100] =	vst v63  }
0xce: {  	s10 =	simm.s32 $0xE000  }
0xcf: {  	[hbm4b:s4+s3] =	stream.indirect_vreg.scatter [tilespmem:s10], [sflag:$0x2], $0x80, v3, vm0, $0xb8;
	[tilespmem:$0x14100] =	vst v63  }
0xd0: {  	s31 =	simm.s32 $0xE800  }
0xd1: {  	[hbm4b:s5+s3] =	stream.indirect_vreg.scatter [tilespmem:s31], [sflag:$0x2], $0x80, v3, vm0, $0xb8;
	[tilespmem:$0x14100] =	vst v63  }
0xd2: {  	s2 =	simm.s32 $0xF000  }
0xd3: {  	[hbm4b:s6+s3] =	stream.indirect_vreg.scatter [tilespmem:s2], [sflag:$0x2], $0x80, v3, vm0, $0xb8;
	[tilespmem:$0x14100] =	vst v63  }
0xd4: {  	s1 =	rddreg [dreg:$0x2];
	s9 =	simm.s32 $0xF800  }
0xd5: {  	[hbm4b:s7+s3] =	stream.indirect_vreg.scatter [tilespmem:s9], [sflag:$0x2], $0x80, v3, vm0, $0xb8;
	[tilespmem:$0x14100] =	vst v63  }
0xd6: {  	s10 =	simm.s32 $0x10000;
	s31 =	simm.s32 $0x10100;
	s2 =	simm.s32 $0x40  }
0xd7: {  	[hbm4b:s1+s2] =	stream.indirect.scatter [tilespmem:s31], [sflag:$0x3], $0x80, s10, s2, $0xb8;
	[tilespmem:$0x14100] =	vst v63  }
0xd8: {  	s10 =	simm.s32 $0x10080;
	s31 =	simm.s32 $0x12100  }
0xd9: {  	[hbm4b:s1+s2] =	stream.indirect.scatter [tilespmem:s31], [sflag:$0x4], $0x80, s10, s2, $0xb8;
	[tilespmem:$0x14100] =	vst v63  }
0xda: {  	_ =	swait.ge [sflag:s14], $0x10000  }
0xdb: {  	[sflag:s14] =	ssyncset.done $0x0  }
0xdc: {  	[sflag:s14] =	ssyncadd.s32 $0xFFFF0000  }
0xdd: {  	_ =	swait.ge [sflag:s15], $0x10000  }
0xde: {  	[sflag:s15] =	ssyncset.done $0x0  }
0xdf: {  	[sflag:s15] =	ssyncadd.s32 $0xFFFF0000  }
0xe0: {  	p0 =	sne.s32 s8, $0x1;
	_ =	swait.ge [sflag:s16], $0x2000  }
.Ltmp0:
0xe1: {  	[sflag:s16] =	ssyncset.done $0x0;
	(pc) =	sbr.rel @p0 .LBB2_1-.Ltmp0, $4  }
0xe2: {  	[sflag:s16] =	ssyncadd.s32 $0xFFFFE000  }
0xe3: {  	_ =	swait.ge [sflag:s0], $0x2000  }
0xe4: {  	[sflag:s0] =	ssyncset.done $0x0  }
0xe5: {  	s8 =	sadd.s32 $0xFFFFFFFF, s8;
	[sflag:s0] =	ssyncadd.s32 $0xFFFFE000  }
0xe6: {  	_ =	sfence.sel $0x180000  }
0xe7: {  	[bflag:$0x0] =	sbarrier.arrive $0xFFFF  }
0xe8: {  	_ =	strace $0x90000047  }
0xe9: {  	s0 =	stileid.u32;
	[bflag:$0x2] =	sbarrier.arrive $0xFFFF  }
0xea: {  	p0 =	sne.s32 s0, $0x0;
	s0 =	rddreg [dreg:$0x3]  }
0xeb: {  	s0 =	sadd.s32 @!p0 $0x100000, s0  }
0xec: {  	[sflag:s0] =	ssyncadd.tile.s32 @!p0 $0x1;
	_ =	shalt  }
.Lfunc_end2:
_tile_overlayer_lowered:
.L_overlay_start_2:
0xed: {  	(tag) =	ssettag $0x2  }
0xee: {  	s0 =	rddreg [dreg:$0x0];
	s2 =	stileid.u32  }
0xef: {  	s1 =	rddreg [dreg:$0x1];
	p0 =	sne.s32 s2, $0x0  }
0xf0: {  	s3 =	rddreg [dreg:$0x2];
	[bflag:$0x3] =	sbarrier.arrive $0xFFFF;
	s2 =	simm.s32 @!p0 $0x1C06  }
0xf1: {  	[timem:s3], [sflag:s2] =	dma.local @!p0 [hbm:s0], s1  }
0xf2: {  	s0 =	simm.s32 @!p0 $0x6  }
0xf3: {  	_ =	swait.ge @!p0 [sflag:s0], s1  }
0xf4: {  	s1 =	ssub.s32 @!p0 $0x0, s1;
	[sflag:s0] =	ssyncset.done @!p0 $0x0  }
0xf5: {  	[sflag:s0] =	ssyncadd.s32 @!p0 s1  }
0xf6: {  	[bflag:$0x3] =	sbarrier.arrive $0xFFFF  }
0xf7: {  	_ =	shalt  }

// kernel: kernel.9.cloned.1.call-start
scs
__scs_entry_jumppad:
0x0: {  	(pc) =	sbr.rel $0x88, $3  }
0x1: {  	(tag) =	ssettag $0x0;
	lr =	simm.s32 $0x1  }
0x2: {  	[smem:$0x3F9C] =	sst lr;
	_ =	strace $0xD0000000  }
0x3: {  	_ = 	snop  }
0x4: {  	_ = 	snop  }
0x5: {  	_ = 	snop  }
0x6: {  	_ = 	snop  }
0x7: {  	_ = 	snop  }
__scs_overlays_trampoline_lowered:
0x8: {  	[smem:$0x3FAB] =	sst s0  }
0x9: {  	[smem:$0x3FAC] =	sst s1  }
0xa: {  	[smem:$0x3FAD] =	sst s2  }
0xb: {  	[smem:$0x3FAE] =	sst s3  }
0xc: {  	[smem:$0x3FAF] =	sst s4  }
0xd: {  	[smem:$0x3FB0] =	sst s5  }
0xe: {  	[smem:$0x3FB1] =	sst s6  }
0xf: {  	[smem:$0x3FB2] =	sst s7  }
0x10: {  	[smem:$0x3FB3] =	sst s8  }
0x11: {  	[smem:$0x3FB4] =	sst s9;
	s0 =	simm.s32 @!p0 $0x0  }
0x12: {  	s1 =	sld [smem:$0x3F9A];
	s0 =	simm.s32 @p0 $0x1  }
0x13: {  	[smem:$0x3FB5] =	sst s0;
	s0 =	simm.s32 @!p1 $0x0  }
0x14: {  	s2 =	sld [smem:$0x3F99];
	s0 =	simm.s32 @p1 $0x1  }
0x15: {  	[smem:$0x3FB6] =	sst s0;
	s0 =	simm.s32 @!p2 $0x0  }
0x16: {  	s3 =	sld [smem:$0x3FDB];
	s0 =	simm.s32 @p2 $0x1  }
0x17: {  	s4 =	simm.s32 $0x1BF5;
	[smem:$0x3FB8] =	sst s0  }
0x18: {  	s0 =	sld [smem:$0x3F9B];
	_ =	swait.ge [sflag:s4], $0x0  }
0x19: {  	s7 =	sld [smem:$0x3F9C]  }
0x1a: {  	s8 =	sadd.s32 $0xFFFFE003, lr  }
0x1b: {  	s9 =	sadd.s32 $0xFFFFFEF7, lr;
	s5 =	simm.s32 $0xFFFFFFFF;
	p2 =	slt.u32 s8, $0xFFFFF086  }
0x1c: {  	p1 =	slt.u32 s9, $0xF7A;
	s5 =	simm.s32 @!p2 $0x0  }
0x1d: {  	s5 =	simm.s32 @p1 $0x1;
	p0 =	seq.s32 s7, s2  }
0x1e: {  	s7 =	smul.u32 @!p0 $0xF7A, s2;
	p2 =	seq.s32 @!p0 s5, $0x0  }
0x1f: {  	s9 =	smul.u32 $0xF7A, s1;
	s8 =	simm.s32 @!p0 $0x1BF5;
	p2 =	por !p2, p0  }
0x20: {  	[sflag:s8] =	ssyncset.s32 @!p0 $0xFFFFF086;
	s6 =	sadd.s32 @!p0 s3, s7;
	s7 =	simm.s32 @!p0 $0x108  }
0x21: {  	s3 =	sadd.s32 s3, s9;
	s6 =	sadd.s32 @!p0 $0x88, s6;
	s7 =	simm.s32 @p2 $0x1082  }
0x22: {  	[simem:s7], [sflag:s8] =	dma.local @!p0 [hbm:s6], $0xF7A  }
0x23: {  	s9 =	sor.u32 $0xD0000000, s2;
	s6 =	simm.s32 $0x108;
	_ =	swait.ge @!p0 [sflag:s8], $0x0  }
0x24: {  	s3 =	sadd.s32 $0x88, s3;
	s6 =	simm.s32 @!p1 $0x1082;
	[sflag:s4] =	ssyncset.s32 $0xFFFFF086  }
0x25: {  	[simem:s6], [sflag:s4] =	dma.local [hbm:s3], $0xF7A  }
0x26: {  	[smem:$0x3F9C] =	sst s1;
	(tag) =	ssettag s2;
	_ =	strace s9  }
0x27: {  	s1 =	sld [smem:$0x3FAC]  }
0x28: {  	s2 =	sld [smem:$0x3FAD]  }
0x29: {  	s4 =	sld [smem:$0x3FAF]  }
0x2a: {  	p0 =	seq.s32 s5, $0x0;
	s5 =	sld [smem:$0x3FB0]  }
0x2b: {  	s6 =	sld [smem:$0x3FB1]  }
0x2c: {  	s7 =	sld [smem:$0x3FB2]  }
0x2d: {  	s3 =	simm.s32 $0x108;
	s8 =	sld [smem:$0x3FB3]  }
0x2e: {  	s3 =	simm.s32 @!p0 $0x1082;
	s9 =	sld [smem:$0x3FB4]  }
0x2f: {  	lr =	sadd.s32 s0, s3;
	s0 =	sld [smem:$0x3FAB]  }
0x30: {  	s3 =	sld [smem:$0x3FAE]  }
0x31: {  	[smem:$0x3FB7] =	sst s10  }
0x32: {  	s10 =	sld [smem:$0x3FB5];
	_ =	sdelay $0x3  }
0x33: {  	p0 =	seq.s32 s10, $0x1;
	s10 =	sld [smem:$0x3FB7];
	_ =	sdelay $0x3  }
0x34: {  	[smem:$0x3FB7] =	sst s10  }
0x35: {  	s10 =	sld [smem:$0x3FB6];
	_ =	sdelay $0x3  }
0x36: {  	p1 =	seq.s32 s10, $0x1;
	s10 =	sld [smem:$0x3FB7];
	_ =	sdelay $0x3  }
0x37: {  	[smem:$0x3FB7] =	sst s10  }
0x38: {  	s10 =	sld [smem:$0x3FB8]  }
0x39: {  	_ = 	snop;
	(pc) =	sbr.ind lr, $3  }
0x3a: {  	_ = 	snop  }
0x3b: {  	_ = 	snop  }
0x3c: {  	p2 =	seq.s32 s10, $0x1;
	s10 =	sld [smem:$0x3FB7]  }
0x3d: {  	_ =	shalt  }
0x3e: {  	_ =	shalt  }
0x3f: {  	_ =	shalt  }
0x40: {  	_ =	shalt  }
0x41: {  	_ =	shalt  }
0x42: {  	_ =	shalt  }
0x43: {  	_ =	shalt  }
0x44: {  	_ =	shalt  }
0x45: {  	_ =	shalt  }
0x46: {  	_ =	shalt  }
0x47: {  	_ =	shalt  }
0x48: {  	_ =	shalt  }
0x49: {  	_ =	shalt  }
0x4a: {  	_ =	shalt  }
0x4b: {  	_ =	shalt  }
0x4c: {  	_ =	shalt  }
0x4d: {  	_ =	shalt  }
0x4e: {  	_ =	shalt  }
0x4f: {  	_ =	shalt  }
0x50: {  	_ =	shalt  }
0x51: {  	_ =	shalt  }
0x52: {  	_ =	shalt  }
0x53: {  	_ =	shalt  }
0x54: {  	_ =	shalt  }
0x55: {  	_ =	shalt  }
0x56: {  	_ =	shalt  }
0x57: {  	_ =	shalt  }
0x58: {  	_ =	shalt  }
0x59: {  	_ =	shalt  }
0x5a: {  	_ =	shalt  }
0x5b: {  	_ =	shalt  }
0x5c: {  	_ =	shalt  }
0x5d: {  	_ =	shalt  }
0x5e: {  	_ =	shalt  }
0x5f: {  	_ =	shalt  }
0x60: {  	_ =	shalt  }
0x61: {  	_ =	shalt  }
0x62: {  	_ =	shalt  }
0x63: {  	_ =	shalt  }
0x64: {  	_ =	shalt  }
0x65: {  	_ =	shalt  }
0x66: {  	_ =	shalt  }
0x67: {  	_ =	shalt  }
0x68: {  	_ =	shalt  }
0x69: {  	_ =	shalt  }
0x6a: {  	_ =	shalt  }
0x6b: {  	_ =	shalt  }
0x6c: {  	_ =	shalt  }
0x6d: {  	_ =	shalt  }
0x6e: {  	_ =	shalt  }
0x6f: {  	_ =	shalt  }
0x70: {  	_ =	shalt  }
0x71: {  	_ =	shalt  }
0x72: {  	_ =	shalt  }
0x73: {  	_ =	shalt  }
0x74: {  	_ =	shalt  }
0x75: {  	_ =	shalt  }
0x76: {  	_ =	shalt  }
0x77: {  	_ =	shalt  }
0x78: {  	_ =	shalt  }
0x79: {  	_ =	shalt  }
0x7a: {  	_ =	shalt  }
0x7b: {  	_ =	shalt  }
0x7c: {  	_ =	shalt  }
0x7d: {  	_ =	shalt  }
0x7e: {  	_ =	shalt  }
0x7f: {  	_ =	shalt  }
0x80: {  	_ =	shalt  }
0x81: {  	_ =	shalt  }
0x82: {  	_ =	shalt  }
0x83: {  	_ =	shalt  }
0x84: {  	_ =	shalt  }
0x85: {  	_ =	shalt  }
0x86: {  	_ =	shalt  }
0x87: {  	_ =	shalt  }
.Lfunc_end0:
.L_simem_size_0:
called_computation.1_lowered:
.L_overlay_start_0:
0x88: {  	s2 =	sld [smem:$0x3FD9]  }
0x89: {  	s3 =	sld [smem:$0x3FFE];
	_ =	sdelay $0x1  }
0x8a: {  	s1 =	srdreg.scid  }
0x8b: {  	s0 =	sand.u32 $0x1, s1  }
0x8c: {  	s17 =	sshll.u32 s0, $0xA;
	s2 =	sadd.s32 s3, s2  }
0x8d: {  	s2 =	sadd.s32 s2, s17  }
0x8e: {  	[smem:$0x3FC3] =	sst s2  }
0x8f: {  	_ = 	snop  }
0x90: {  	s2 =	sld [smem:$0x3FD0];
	(tm) =	ssettm $0x1  }
0x91: {  	s18 =	sld [smem:$0x3FFB];
	_ =	sdelay $0x3  }
0x92: {  	_ =	strace s18  }
0x93: {  	s3 =	sld [smem:$0x3FFC];
	_ =	sdelay $0x3  }
0x94: {  	_ =	strace s3  }
0x95: {  	s3 =	sld [smem:$0x3FFD];
	_ =	sdelay $0x3  }
0x96: {  	_ =	strace s3  }
0x97: {  	_ =	strace $0x8FFFFFFF  }
0x98: {  	s19 =	sld [smem:$0x3FDB];
	_ =	sdelay $0x1  }
0x99: {  	s4 =	simm.s32 $_scs_section_size  }
0x9a: {  	s5 =	simm.s32 $_size__tile_overlayer_lowered;
	s6 =	simm.s32 $_tile_overlayer_lowered  }
0x9b: {  	s22 =	simm.s32 $0x1BFF;
	s21 =	sshll.u32 s6, $0x1;
	s3 =	sadd.s32 s4, s19  }
0x9c: {  	s7 =	simm.s32 $0x0;
	s20 =	sshll.u32 s5, $0x1;
	s5 =	sadd.s32 s21, s3  }
0x9d: {  	[timem:s7], [sflag:s22] =	dma.local [hbm:s5], s20  }
0x9e: {  	_ =	swait.ge [sflag:s22], s20  }
0x9f: {  	s4 =	ssub.s32 $0x0, s20;
	[sflag:s22] =	ssyncset.done $0x0  }
0xa0: {  	[sflag:s22] =	ssyncadd.s32 s4;
	_ =	sdelay $0x1  }
0xa1: {  	s23 =	simm.s32 $0x1B8B  }
0xa2: {  	_ =	swait.ge [sflag:s23], $0x1  }
0xa3: {  	[sflag:s23] =	ssyncset.done $0x0  }
0xa4: {  	s25 =	simm.s32 $0x1B8E;
	s24 =	sld [smem:$0x3FFE];
	[sflag:s23] =	ssyncadd.s32 $0xFFFFFFFF  }
0xa5: {  	s26 =	simm.s32 $execute0_lowered;
	[smem:$0x3FD2] =	sst s25  }
0xa6: {  	s5 =	sshll.u32 s26, $0x1;
	_ =	strace $0x80000049;
	[dreg:$0x1] =	wrdreg $0xFFFFFFFF  }
0xa7: {  	s28 =	simm.s32 $_size_execute0_lowered;
	s3 =	sadd.s32 s3, s5;
	[dreg:$0x0] =	wrdreg $0x0  }
0xa8: {  	s5 =	sshll.u32 s28, $0x1;
	[dreg:$0x2] =	wrdreg s3  }
0xa9: {  	[dreg:$0x3] =	wrdreg s5  }
0xaa: {  	[dreg:$0x4] =	wrdreg $0xC0  }
0xab: {  	_ =	task [dreg:s7], $0x5FFFF  }
0xac: {  	[dreg:$0x1] =	wrdreg $0xFFFFFFFF  }
0xad: {  	[dreg:$0x0] =	wrdreg $0x60  }
0xae: {  	[dreg:$0x2] =	wrdreg s24  }
0xaf: {  	[dreg:$0x3] =	wrdreg s2  }
0xb0: {  	[dreg:$0x4] =	wrdreg $0x9  }
0xb1: {  	_ =	task.clear_ibuf [dreg:s7], $0x5FFFF;
	_ =	strace $0x90000049  }
0xb2: {  	s29 =	simm.s32 $0x9;
	_ =	strace $0x8000004B  }
0xb3: {  	_ =	swait.ge [sflag:s29], $0x1  }
0xb4: {  	[sflag:s29] =	ssyncadd.s32 $0xFFFFFFFF  }
0xb5: {  	_ =	strace $0x9000004B  }
0xb6: {  	_ =	sfence  }
0xb7: {  	s30 =	sld [smem:$0x0];
	_ =	sdelay $0x2  }
0xb8: {  	s31 =	sshll.u32 s1, $0xD;
	s1 =	sshrl.u32 s1, $0x2  }
0xb9: {  	s3 =	sand.u32 $0x4000, s31;
	s1 =	sadd.s32 s1, s30  }
0xba: {  	s0 =	sor.u32 s3, s0;
	s1 =	sshll.u32 s1, $0x11  }
0xbb: {  	s0 =	sor.u32 s1, s0  }
0xbc: {  	s0 =	sadd.s32 $0x8F2B, s0  }
0xbd: {  	[sflag:s0] =	ssyncadd.remote.s32 $0x1  }
0xbe: {  	_ =	sfence.sel $0xFFFF  }
0xbf: {  	[dreg:$0x0] =	wrdreg $0xFFFFFFFF;
	(pc) =	sbr.abs _section_cstart, $3  }
0xc0: {  	[dreg:$0x1] =	wrdreg $0xFFFFFFFF  }
0xc1: {  	_ =	task.clear_ibuf [dreg:s7], $0x2FFFF;
	_ =	strace $0x9FFFFFFF  }
0xc2: {  	(tm) =	ssettm $0x7FFFFFFF  }
0xc3: {  	_ =	shalt  }
tec
execute0_lowered:
.L_overlay_start_1:
0x0: {  	(tag) =	ssettag $0x1  }
0x1: {  	s0 =	rddreg [dreg:$0x0]  }
0x2: {  	s1 =	rddreg [dreg:$0x1]  }
0x3: {  	s2 =	srdreg.scid;
	s4 =	stileid.u32;
	s16 =	simm.s32 $0x1  }
0x4: {  	s17 =	simm.s32 $0x3;
	s14 =	simm.s32 $0x4000;
	s19 =	simm.s32 $0x6800  }
0x5: {  	s20 =	simm.s32 $0x7000;
	s11 =	simm.s32 $0xC800;
	s12 =	simm.s32 $0xD800  }
0x6: {  	s13 =	simm.s32 $0xE800;
	s28 =	simm.s32 $0x2;
	s29 =	simm.s32 $0x4  }
0x7: {  	s30 =	simm.s32 $0x0;
	s3 =	sand.u32 $0x1, s2;
	s2 =	simm.s32 $0x0  }
0x8: {  	s4 =	sshll.u32 s4, $0x7;
	s9 =	sadd.s32 $0x102500, s0;
	s5 =	sshll.u32 s3, $0x6  }
0x9: {  	[smem:$0x7FF] =	sst s2;
	s6 =	ssub.s32 $0x2, s3;
	s3 =	sadd.s32 $0x102200, s0  }
0xa: {  	s4 =	sor.u32 s5, s4;
	_ =	strace $0x8000004A;
	s21 =	sshrl.u32 s6, $0x1  }
0xb: {  	s5 =	sshrl.u32 s4, $0x3;
	s10 =	ssub.s32 s6, s21;
	s4 =	sshll.u32 s4, $0x7  }
0xc: {  	s6 =	sadd.s32 $0x102400, s0;
	s8 =	sadd.s32 s5, s0;
	s31 =	smax.u32 s10, $0x1  }
0xd: {  	s21 =	simm.s32 $0xC000;
	s22 =	sadd.s32 $0x11E00, s8;
	[dreg:$0x8] =	wrdreg s31  }
0xe: {  	s7 =	sadd.s32 s1, s4;
	s23 =	sadd.s32 $0x12000, s8;
	[dreg:$0x3] =	wrdreg s22  }
0xf: {  	s5 =	sadd.s32 $0x102300, s0;
	s24 =	sadd.s32 $0x800, s7;
	[dreg:$0x4] =	wrdreg s23  }
0x10: {  	s10 =	simm.s32 $0x7800;
	s25 =	sadd.s32 $0x1000, s7;
	[dreg:$0x5] =	wrdreg s24  }
0x11: {  	v2 =	vlaneseq.u32;
	s26 =	sadd.s32 $0x1800, s7;
	s8 =	simm.s32 $0x6000;
	[dreg:$0x6] =	wrdreg s25  }
0x12: {  	vm0 =	vmmov $0xffff;
	v1 =	vshrl.u32 v2, $0x3;
	[dreg:$0x7] =	wrdreg s26;
	s22 =	simm.s32 $0xD000;
	s23 =	simm.s32 $0xE000  }
0x13: {  	v0 =	vand.u32 $0x7, v2;
	v2 =	vor.u32 $0x8, v2;
	v1 =	vmul.u32 $0x8, v1;
	s24 =	simm.s32 $0xF000;
	s25 =	simm.s32 $0xF800;
	s26 =	simm.s32 $0x5  }
.LBB2_1:
0x14: {  	s0 =	rddreg [dreg:$0x3];
	s1 =	simm.s32 $0x10000  }
0x15: {  	[tilespmem:s1], [sflag:$0x1] =	stream.linear.gather [hbm4b:s0+s2], $0x40, $0x38;
	[tilespmem:$0x10100] =	vst v63  }
0x16: {  	s4 =	rddreg [dreg:$0x4];
	s15 =	simm.s32 $0x10080  }
0x17: {  	[tilespmem:s15], [sflag:$0x3] =	stream.linear.gather [hbm4b:s4+s2], $0x40, $0x38;
	[tilespmem:$0x10100] =	vst v63  }
0x18: {  	_ =	swait.ge [sflag:s16], $0x40  }
0x19: {  	[sflag:s16] =	ssyncset.done $0x0  }
0x1a: {  	[sflag:s16] =	ssyncadd.s32 $0xFFFFFFC0  }
0x1b: {  	_ =	swait.ge [sflag:s17], $0x40  }
0x1c: {  	[sflag:s17] =	ssyncset.done $0x0  }
0x1d: {  	[sflag:s17] =	ssyncadd.s32 $0xFFFFFFC0  }
0x1e: {  	v3 =	vld [tilespmem:$0x10000];
	_ =	sdelay $0x4  }
0x1f: {  	v4 =	vshll.u32 v3, $0x3  }
0x20: {  	v3 =	vand.u32 $0x7, v3;
	v4 =	vand.u32 $0xFFFFFFC0, v4  }
0x21: {  	v3 =	vor.u32 v3, v4  }
0x22: {  	v4 =	vperm.xlane v3, v0;
	_ =	sdelay $0x1  }
0x23: {  	v4 =	vadd.s32 v1, v4;
	_ =	sdelay $0x4  }
0x24: {  	[tilespmem:s2], [sflag:$0x1] =	stream.indirect_vreg.gather [hbm4b:s3+s2], $0x80, v4, vm0, $0xb8;
	[tilespmem:$0x10100] =	vst v63  }
0x25: {  	s18 =	simm.s32 $0x800;
	v3 =	vperm.xlane v3, v2  }
0x26: {  	[tilespmem:s18], [sflag:$0x1] =	stream.indirect_vreg.gather [hbm4b:s5+s2], $0x80, v4, vm0, $0xb8;
	[tilespmem:$0x10100] =	vst v63  }
0x27: {  	s1 =	simm.s32 $0x1000;
	v3 =	vadd.s32 v1, v3  }
0x28: {  	[tilespmem:s1], [sflag:$0x1] =	stream.indirect_vreg.gather [hbm4b:s6+s2], $0x80, v4, vm0, $0xb8;
	[tilespmem:$0x10100] =	vst v63  }
0x29: {  	s4 =	simm.s32 $0x1800  }
0x2a: {  	[tilespmem:s4], [sflag:$0x1] =	stream.indirect_vreg.gather [hbm4b:s9+s2], $0x80, v4, vm0, $0xb8;
	[tilespmem:$0x10100] =	vst v63  }
0x2b: {  	s15 =	simm.s32 $0x2000  }
0x2c: {  	[tilespmem:s15], [sflag:$0x1] =	stream.indirect_vreg.gather [hbm4b:s3+s2], $0x80, v3, vm0, $0xb8;
	[tilespmem:$0x10100] =	vst v63  }
0x2d: {  	s18 =	simm.s32 $0x2800  }
0x2e: {  	[tilespmem:s18], [sflag:$0x1] =	stream.indirect_vreg.gather [hbm4b:s5+s2], $0x80, v3, vm0, $0xb8;
	[tilespmem:$0x10100] =	vst v63  }
0x2f: {  	s1 =	simm.s32 $0x3000  }
0x30: {  	[tilespmem:s1], [sflag:$0x1] =	stream.indirect_vreg.gather [hbm4b:s6+s2], $0x80, v3, vm0, $0xb8;
	[tilespmem:$0x10100] =	vst v63  }
0x31: {  	s4 =	simm.s32 $0x3800  }
0x32: {  	[tilespmem:s4], [sflag:$0x1] =	stream.indirect_vreg.gather [hbm4b:s9+s2], $0x80, v3, vm0, $0xb8;
	[tilespmem:$0x10100] =	vst v63  }
0x33: {  	v3 =	vld [tilespmem:$0x10080];
	_ =	sdelay $0x4  }
0x34: {  	v4 =	vshll.u32 v3, $0x3  }
0x35: {  	v3 =	vand.u32 $0x7, v3;
	v4 =	vand.u32 $0xFFFFFFC0, v4  }
0x36: {  	v3 =	vor.u32 v3, v4  }
0x37: {  	v4 =	vperm.xlane v3, v0;
	_ =	sdelay $0x1  }
0x38: {  	v4 =	vadd.s32 v1, v4;
	_ =	sdelay $0x3  }
0x39: {  	s15 =	simm.s32 $0x8000  }
0x3a: {  	[tilespmem:s15], [sflag:$0x3] =	stream.indirect_vreg.gather [hbm4b:s3+s2], $0x80, v4, vm0, $0xb8;
	[tilespmem:$0x10100] =	vst v63  }
0x3b: {  	s18 =	simm.s32 $0x8800;
	v3 =	vperm.xlane v3, v2  }
0x3c: {  	[tilespmem:s18], [sflag:$0x3] =	stream.indirect_vreg.gather [hbm4b:s5+s2], $0x80, v4, vm0, $0xb8;
	[tilespmem:$0x10100] =	vst v63  }
0x3d: {  	s1 =	simm.s32 $0x9000;
	v3 =	vadd.s32 v1, v3  }
0x3e: {  	[tilespmem:s1], [sflag:$0x3] =	stream.indirect_vreg.gather [hbm4b:s6+s2], $0x80, v4, vm0, $0xb8;
	[tilespmem:$0x10100] =	vst v63  }
0x3f: {  	s4 =	simm.s32 $0x9800  }
0x40: {  	[tilespmem:s4], [sflag:$0x3] =	stream.indirect_vreg.gather [hbm4b:s9+s2], $0x80, v4, vm0, $0xb8;
	[tilespmem:$0x10100] =	vst v63  }
0x41: {  	s15 =	simm.s32 $0xA000  }
0x42: {  	[tilespmem:s15], [sflag:$0x3] =	stream.indirect_vreg.gather [hbm4b:s3+s2], $0x80, v3, vm0, $0xb8;
	[tilespmem:$0x10100] =	vst v63  }
0x43: {  	s18 =	simm.s32 $0xA800  }
0x44: {  	[tilespmem:s18], [sflag:$0x3] =	stream.indirect_vreg.gather [hbm4b:s5+s2], $0x80, v3, vm0, $0xb8;
	[tilespmem:$0x10100] =	vst v63  }
0x45: {  	s1 =	simm.s32 $0xB000  }
0x46: {  	[tilespmem:s1], [sflag:$0x3] =	stream.indirect_vreg.gather [hbm4b:s6+s2], $0x80, v3, vm0, $0xb8;
	[tilespmem:$0x10100] =	vst v63  }
0x47: {  	s4 =	simm.s32 $0xB800  }
0x48: {  	[tilespmem:s4], [sflag:$0x3] =	stream.indirect_vreg.gather [hbm4b:s9+s2], $0x80, v3, vm0, $0xb8;
	[tilespmem:$0x10100] =	vst v63  }
0x49: {  	v3 =	vld [tilespmem:$0x10010];
	_ =	sdelay $0x4  }
0x4a: {  	v4 =	vshll.u32 v3, $0x3  }
0x4b: {  	v3 =	vand.u32 $0x7, v3;
	v4 =	vand.u32 $0xFFFFFFC0, v4  }
0x4c: {  	v3 =	vor.u32 v3, v4  }
0x4d: {  	v4 =	vperm.xlane v3, v0;
	_ =	sdelay $0x1  }
0x4e: {  	v4 =	vadd.s32 v1, v4;
	_ =	sdelay $0x4  }
0x4f: {  	[tilespmem:s14], [sflag:$0x2] =	stream.indirect_vreg.gather [hbm4b:s3+s2], $0x80, v4, vm0, $0xb8;
	[tilespmem:$0x10100] =	vst v63  }
0x50: {  	s15 =	simm.s32 $0x4800;
	v3 =	vperm.xlane v3, v2  }
0x51: {  	[tilespmem:s15], [sflag:$0x2] =	stream.indirect_vreg.gather [hbm4b:s5+s2], $0x80, v4, vm0, $0xb8;
	[tilespmem:$0x10100] =	vst v63  }
0x52: {  	s18 =	simm.s32 $0x5000;
	v3 =	vadd.s32 v1, v3  }
0x53: {  	[tilespmem:s18], [sflag:$0x2] =	stream.indirect_vreg.gather [hbm4b:s6+s2], $0x80, v4, vm0, $0xb8;
	[tilespmem:$0x10100] =	vst v63  }
0x54: {  	s1 =	simm.s32 $0x5800  }
0x55: {  	[tilespmem:s1], [sflag:$0x2] =	stream.indirect_vreg.gather [hbm4b:s9+s2], $0x80, v4, vm0, $0xb8;
	[tilespmem:$0x10100] =	vst v63  }
0x56: {  	_ = 	snop  }
0x57: {  	[tilespmem:s8], [sflag:$0x2] =	stream.indirect_vreg.gather [hbm4b:s3+s2], $0x80, v3, vm0, $0xb8;
	[tilespmem:$0x10100] =	vst v63  }
0x58: {  	_ = 	snop  }
0x59: {  	[tilespmem:s19], [sflag:$0x2] =	stream.indirect_vreg.gather [hbm4b:s5+s2], $0x80, v3, vm0, $0xb8;
	[tilespmem:$0x10100] =	vst v63  }
0x5a: {  	_ = 	snop  }
0x5b: {  	[tilespmem:s20], [sflag:$0x2] =	stream.indirect_vreg.gather [hbm4b:s6+s2], $0x80, v3, vm0, $0xb8;
	[tilespmem:$0x10100] =	vst v63  }
0x5c: {  	_ = 	snop  }
0x5d: {  	[tilespmem:s10], [sflag:$0x2] =	stream.indirect_vreg.gather [hbm4b:s9+s2], $0x80, v3, vm0, $0xb8;
	[tilespmem:$0x10100] =	vst v63  }
0x5e: {  	v3 =	vld [tilespmem:$0x10090];
	_ =	sdelay $0x4  }
0x5f: {  	v4 =	vshll.u32 v3, $0x3  }
0x60: {  	v3 =	vand.u32 $0x7, v3;
	v4 =	vand.u32 $0xFFFFFFC0, v4  }
0x61: {  	v3 =	vor.u32 v3, v4  }
0x62: {  	v4 =	vperm.xlane v3, v0;
	_ =	sdelay $0x1  }
0x63: {  	v4 =	vadd.s32 v1, v4;
	_ =	sdelay $0x4  }
0x64: {  	[tilespmem:s21], [sflag:$0x4] =	stream.indirect_vreg.gather [hbm4b:s3+s2], $0x80, v4, vm0, $0xb8;
	[tilespmem:$0x10100] =	vst v63  }
0x65: {  	v3 =	vperm.xlane v3, v2  }
0x66: {  	[tilespmem:s11], [sflag:$0x4] =	stream.indirect_vreg.gather [hbm4b:s5+s2], $0x80, v4, vm0, $0xb8;
	[tilespmem:$0x10100] =	vst v63  }
0x67: {  	v3 =	vadd.s32 v1, v3  }
0x68: {  	[tilespmem:s22], [sflag:$0x4] =	stream.indirect_vreg.gather [hbm4b:s6+s2], $0x80, v4, vm0, $0xb8;
	[tilespmem:$0x10100] =	vst v63  }
0x69: {  	_ = 	snop  }
0x6a: {  	[tilespmem:s12], [sflag:$0x4] =	stream.indirect_vreg.gather [hbm4b:s9+s2], $0x80, v4, vm0, $0xb8;
	[tilespmem:$0x10100] =	vst v63  }
0x6b: {  	_ = 	snop  }
0x6c: {  	[tilespmem:s23], [sflag:$0x4] =	stream.indirect_vreg.gather [hbm4b:s3+s2], $0x80, v3, vm0, $0xb8;
	[tilespmem:$0x10100] =	vst v63  }
0x6d: {  	_ = 	snop  }
0x6e: {  	[tilespmem:s13], [sflag:$0x4] =	stream.indirect_vreg.gather [hbm4b:s5+s2], $0x80, v3, vm0, $0xb8;
	[tilespmem:$0x10100] =	vst v63  }
0x6f: {  	_ = 	snop  }
0x70: {  	[tilespmem:s24], [sflag:$0x4] =	stream.indirect_vreg.gather [hbm4b:s6+s2], $0x80, v3, vm0, $0xb8;
	[tilespmem:$0x10100] =	vst v63  }
0x71: {  	_ = 	snop  }
0x72: {  	[tilespmem:s25], [sflag:$0x4] =	stream.indirect_vreg.gather [hbm4b:s9+s2], $0x80, v3, vm0, $0xb8;
	[tilespmem:$0x10100] =	vst v63  }
0x73: {  	_ =	swait.ge [sflag:s16], $0x4000  }
0x74: {  	[sflag:s16] =	ssyncset.done $0x0  }
0x75: {  	s31 =	simm.s32 $0x0;
	s4 =	simm.s32 $0x0;
	[sflag:s16] =	ssyncadd.s32 $0xFFFFC000  }
0x76: {  	s0 =	sand.u32 $0x2000, s4;
	s15 =	sand.u32 $0x1C00, s2;
	_ =	swait.ge [sflag:s17], $0x4000  }
0x77: {  	s0 =	sor.u32 s15, s0;
	s18 =	sand.u32 $0x380, s31;
	[sflag:s17] =	ssyncset.done $0x0  }
0x78: {  	s31 =	sor.u32 s18, s0;
	[sflag:s17] =	ssyncadd.s32 $0xFFFFC000  }
0x79: {  	v3 =	vld [tilespmem:s31+$0x70]  }
0x7a: {  	v5 =	vld [tilespmem:s31+$0x8070]  }
0x7b: {  	v6 =	vld [tilespmem:s31+$0x0]  }
0x7c: {  	v8 =	vld [tilespmem:s31+$0x8000]  }
0x7d: {  	v9 =	vld [tilespmem:s31+$0x10]  }
0x7e: {  	v10 =	vld [tilespmem:s31+$0x8010]  }
0x7f: {  	v4 =	vld [tilespmem:s31+$0x20]  }
0x80: {  	v7 =	vld [tilespmem:s31+$0x8020];
	v5 =	vadd.f32 v5, v3  }
0x81: {  	v8 =	vadd.f32 v8, v6;
	v3 =	vld [tilespmem:s31+$0x30]  }
0x82: {  	v6 =	vld [tilespmem:s31+$0x8030];
	[tilespmem:s31+$0x70] =	vst v5  }
0x83: {  	s0 =	simm.s32 $0x0;
	s1 =	simm.s32 $0x0;
	[tilespmem:s31+$0x0] =	vst v8;
	v8 =	vadd.f32 v10, v9;
	v5 =	vld [tilespmem:s31+$0x40]  }
.LBB2_2:
0x84: {  	s0 =	sadd.s32 $0x8, s0;
	v9 =	vld [tilespmem:s31+$0x8040]  }
0x85: {  	s1 =	sadd.s32 $0x400, s1;
	s15 =	sshll.u32 s0, $0x4;
	p0 =	slt.u32 s0, $0x3F8;
	[tilespmem:s31+$0x10] =	vst v8;
	v4 =	vadd.f32 v7, v4;
	v7 =	vld [tilespmem:s31+$0x50]  }
0x86: {  	s4 =	sand.u32 $0x1C00, s1;
	s18 =	sshll.u32 s0, $0x1;
	s15 =	sand.u32 $0x2000, s15;
	v8 =	vld [tilespmem:s31+$0x8050]  }
0x87: {  	s4 =	sor.u32 s4, s15;
	s15 =	sand.u32 $0x380, s18;
	[tilespmem:s31+$0x20] =	vst v4;
	v3 =	vadd.f32 v6, v3;
	v4 =	vld [tilespmem:s31+$0x60]  }
0x88: {  	s4 =	sor.u32 s15, s4;
	v6 =	vld [tilespmem:s31+$0x8060]  }
0x89: {  	v10 =	vld [tilespmem:s4+$0x70];
	[tilespmem:s31+$0x30] =	vst v3;
	v3 =	vadd.f32 v9, v5  }
0x8a: {  	v5 =	vld [tilespmem:s4+$0x8070]  }
0x8b: {  	v9 =	vld [tilespmem:s4+$0x0];
	[tilespmem:s31+$0x40] =	vst v3;
	v3 =	vadd.f32 v8, v7  }
0x8c: {  	v8 =	vld [tilespmem:s4+$0x8000]  }
0x8d: {  	v11 =	vld [tilespmem:s4+$0x10];
	[tilespmem:s31+$0x50] =	vst v3;
	v3 =	vadd.f32 v6, v4  }
0x8e: {  	v12 =	vld [tilespmem:s4+$0x8010]  }
.Ltmp0:
0x8f: {  	v4 =	vld [tilespmem:s4+$0x20];
	v5 =	vadd.f32 v5, v10;
	[tilespmem:s31+$0x60] =	vst v3;
	s31 =	smov.u32 s4;
	(pc) =	sbr.rel @p0 .LBB2_2-.Ltmp0, $4  }
0x90: {  	v7 =	vld [tilespmem:s31+$0x8020]  }
0x91: {  	v8 =	vadd.f32 v8, v9;
	v3 =	vld [tilespmem:s31+$0x30];
	[tilespmem:s31+$0x70] =	vst v5  }
0x92: {  	v6 =	vld [tilespmem:s31+$0x8030]  }
0x93: {  	[tilespmem:s31+$0x0] =	vst v8;
	v8 =	vadd.f32 v12, v11;
	v5 =	vld [tilespmem:s31+$0x40]  }
0x94: {  	v9 =	vld [tilespmem:s31+$0x8040]  }
0x95: {  	v10 =	vld [tilespmem:s31+$0x50]  }
0x96: {  	v11 =	vld [tilespmem:s31+$0x8050]  }
0x97: {  	v12 =	vld [tilespmem:s31+$0x60]  }
0x98: {  	v13 =	vld [tilespmem:s31+$0x8060]  }
0x99: {  	v4 =	vadd.f32 v7, v4  }
0x9a: {  	[tilespmem:s31+$0x10] =	vst v8;
	v3 =	vadd.f32 v6, v3  }
0x9b: {  	[tilespmem:s31+$0x20] =	vst v4;
	v4 =	vadd.f32 v9, v5  }
0x9c: {  	[tilespmem:s31+$0x30] =	vst v3;
	v3 =	vadd.f32 v11, v10  }
0x9d: {  	[tilespmem:s31+$0x40] =	vst v4;
	v4 =	vadd.f32 v13, v12  }
0x9e: {  	[tilespmem:s31+$0x50] =	vst v3  }
0x9f: {  	[tilespmem:s31+$0x60] =	vst v4;
	s31 =	simm.s32 $0x0  }
0xa0: {  	[hbm4b:s7+s31] =	stream.linear.scatter [tilespmem:s31], [sflag:$0x5], $0x4000, $0x38;
	[tilespmem:$0x10100] =	vst v63  }
0xa1: {  	_ =	swait.ge [sflag:s26], $0x4000  }
0xa2: {  	[sflag:s26] =	ssyncset.done $0x0  }
0xa3: {  	[sflag:s26] =	ssyncadd.s32 $0xFFFFC000  }
0xa4: {  	v3 =	vld [tilespmem:$0x10020];
	_ =	sdelay $0x4  }
0xa5: {  	v4 =	vshll.u32 v3, $0x3  }
0xa6: {  	v3 =	vand.u32 $0x7, v3;
	v4 =	vand.u32 $0xFFFFFFC0, v4  }
0xa7: {  	v3 =	vor.u32 v3, v4  }
0xa8: {  	v4 =	vperm.xlane v3, v0;
	_ =	sdelay $0x1  }
0xa9: {  	v4 =	vadd.s32 v1, v4;
	_ =	sdelay $0x4  }
0xaa: {  	[tilespmem:s31], [sflag:$0x1] =	stream.indirect_vreg.gather [hbm4b:s3+s31], $0x80, v4, vm0, $0xb8;
	[tilespmem:$0x10100] =	vst v63  }
0xab: {  	s0 =	simm.s32 $0x800;
	v3 =	vperm.xlane v3, v2  }
0xac: {  	[tilespmem:s0], [sflag:$0x1] =	stream.indirect_vreg.gather [hbm4b:s5+s31], $0x80, v4, vm0, $0xb8;
	[tilespmem:$0x10100] =	vst v63  }
0xad: {  	s1 =	simm.s32 $0x1000;
	v3 =	vadd.s32 v1, v3  }
0xae: {  	[tilespmem:s1], [sflag:$0x1] =	stream.indirect_vreg.gather [hbm4b:s6+s31], $0x80, v4, vm0, $0xb8;
	[tilespmem:$0x10100] =	vst v63  }
0xaf: {  	s4 =	simm.s32 $0x1800  }
0xb0: {  	[tilespmem:s4], [sflag:$0x1] =	stream.indirect_vreg.gather [hbm4b:s9+s31], $0x80, v4, vm0, $0xb8;
	[tilespmem:$0x10100] =	vst v63  }
0xb1: {  	s15 =	simm.s32 $0x2000  }
0xb2: {  	[tilespmem:s15], [sflag:$0x1] =	stream.indirect_vreg.gather [hbm4b:s3+s31], $0x80, v3, vm0, $0xb8;
	[tilespmem:$0x10100] =	vst v63  }
0xb3: {  	s18 =	simm.s32 $0x2800  }
0xb4: {  	[tilespmem:s18], [sflag:$0x1] =	stream.indirect_vreg.gather [hbm4b:s5+s31], $0x80, v3, vm0, $0xb8;
	[tilespmem:$0x10100] =	vst v63  }
0xb5: {  	s1 =	simm.s32 $0x3000  }
0xb6: {  	[tilespmem:s1], [sflag:$0x1] =	stream.indirect_vreg.gather [hbm4b:s6+s31], $0x80, v3, vm0, $0xb8;
	[tilespmem:$0x10100] =	vst v63  }
0xb7: {  	s4 =	simm.s32 $0x3800  }
0xb8: {  	[tilespmem:s4], [sflag:$0x1] =	stream.indirect_vreg.gather [hbm4b:s9+s31], $0x80, v3, vm0, $0xb8;
	[tilespmem:$0x10100] =	vst v63  }
0xb9: {  	v3 =	vld [tilespmem:$0x100A0];
	_ =	sdelay $0x4  }
0xba: {  	v4 =	vshll.u32 v3, $0x3  }
0xbb: {  	v3 =	vand.u32 $0x7, v3;
	v4 =	vand.u32 $0xFFFFFFC0, v4  }
0xbc: {  	v3 =	vor.u32 v3, v4  }
0xbd: {  	v4 =	vperm.xlane v3, v0;
	_ =	sdelay $0x1  }
0xbe: {  	v4 =	vadd.s32 v1, v4;
	_ =	sdelay $0x3  }
0xbf: {  	s15 =	simm.s32 $0x8000  }
0xc0: {  	[tilespmem:s15], [sflag:$0x3] =	stream.indirect_vreg.gather [hbm4b:s3+s31], $0x80, v4, vm0, $0xb8;
	[tilespmem:$0x10100] =	vst v63  }
0xc1: {  	s18 =	simm.s32 $0x8800;
	v3 =	vperm.xlane v3, v2  }
0xc2: {  	[tilespmem:s18], [sflag:$0x3] =	stream.indirect_vreg.gather [hbm4b:s5+s31], $0x80, v4, vm0, $0xb8;
	[tilespmem:$0x10100] =	vst v63  }
0xc3: {  	s1 =	simm.s32 $0x9000;
	v3 =	vadd.s32 v1, v3  }
0xc4: {  	[tilespmem:s1], [sflag:$0x3] =	stream.indirect_vreg.gather [hbm4b:s6+s31], $0x80, v4, vm0, $0xb8;
	[tilespmem:$0x10100] =	vst v63  }
0xc5: {  	s4 =	simm.s32 $0x9800  }
0xc6: {  	[tilespmem:s4], [sflag:$0x3] =	stream.indirect_vreg.gather [hbm4b:s9+s31], $0x80, v4, vm0, $0xb8;
	[tilespmem:$0x10100] =	vst v63  }
0xc7: {  	s15 =	simm.s32 $0xA000  }
0xc8: {  	[tilespmem:s15], [sflag:$0x3] =	stream.indirect_vreg.gather [hbm4b:s3+s31], $0x80, v3, vm0, $0xb8;
	[tilespmem:$0x10100] =	vst v63  }
0xc9: {  	s18 =	simm.s32 $0xA800  }
0xca: {  	[tilespmem:s18], [sflag:$0x3] =	stream.indirect_vreg.gather [hbm4b:s5+s31], $0x80, v3, vm0, $0xb8;
	[tilespmem:$0x10100] =	vst v63  }
0xcb: {  	s1 =	simm.s32 $0xB000  }
0xcc: {  	[tilespmem:s1], [sflag:$0x3] =	stream.indirect_vreg.gather [hbm4b:s6+s31], $0x80, v3, vm0, $0xb8;
	[tilespmem:$0x10100] =	vst v63  }
0xcd: {  	s4 =	simm.s32 $0xB800  }
0xce: {  	[tilespmem:s4], [sflag:$0x3] =	stream.indirect_vreg.gather [hbm4b:s9+s31], $0x80, v3, vm0, $0xb8;
	[tilespmem:$0x10100] =	vst v63  }
0xcf: {  	_ =	swait.ge [sflag:s28], $0x4000  }
0xd0: {  	s15 =	simm.s32 $0x0;
	[sflag:s28] =	ssyncset.done $0x0  }
0xd1: {  	s0 =	sand.u32 $0x2000, s15;
	[sflag:s28] =	ssyncadd.s32 $0xFFFFC000  }
0xd2: {  	s1 =	sand.u32 $0x1C00, s31;
	s4 =	simm.s32 $0x0;
	_ =	swait.ge [sflag:s29], $0x4000  }
0xd3: {  	s0 =	sor.u32 s1, s0;
	s18 =	sand.u32 $0x380, s4;
	[sflag:s29] =	ssyncset.done $0x0  }
0xd4: {  	s0 =	sor.u32 s18, s0;
	[sflag:s29] =	ssyncadd.s32 $0xFFFFC000  }
0xd5: {  	v3 =	vld [tilespmem:s0+$0x4070]  }
0xd6: {  	v5 =	vld [tilespmem:s0+$0xC070]  }
0xd7: {  	v6 =	vld [tilespmem:s0+$0x4000]  }
0xd8: {  	v8 =	vld [tilespmem:s0+$0xC000]  }
0xd9: {  	v9 =	vld [tilespmem:s0+$0x4010]  }
0xda: {  	v10 =	vld [tilespmem:s0+$0xC010]  }
0xdb: {  	v4 =	vld [tilespmem:s0+$0x4020]  }
0xdc: {  	v7 =	vld [tilespmem:s0+$0xC020];
	v5 =	vadd.f32 v5, v3  }
0xdd: {  	v8 =	vadd.f32 v8, v6;
	v3 =	vld [tilespmem:s0+$0x4030]  }
0xde: {  	v6 =	vld [tilespmem:s0+$0xC030];
	[tilespmem:s0+$0x4070] =	vst v5  }
0xdf: {  	s1 =	simm.s32 $0x0;
	[tilespmem:s0+$0x4000] =	vst v8;
	v8 =	vadd.f32 v10, v9;
	v5 =	vld [tilespmem:s0+$0x4040]  }
.LBB2_4:
0xe0: {  	s1 =	sadd.s32 $0x8, s1;
	v9 =	vld [tilespmem:s0+$0xC040]  }
0xe1: {  	s31 =	sadd.s32 $0x400, s31;
	s4 =	sshll.u32 s1, $0x4;
	p0 =	slt.u32 s1, $0x3F8;
	[tilespmem:s0+$0x4010] =	vst v8;
	v4 =	vadd.f32 v7, v4;
	v7 =	vld [tilespmem:s0+$0x4050]  }
0xe2: {  	s15 =	sand.u32 $0x1C00, s31;
	s18 =	sshll.u32 s1, $0x1;
	s4 =	sand.u32 $0x2000, s4;
	v8 =	vld [tilespmem:s0+$0xC050]  }
0xe3: {  	s4 =	sor.u32 s15, s4;
	s15 =	sand.u32 $0x380, s18;
	[tilespmem:s0+$0x4020] =	vst v4;
	v3 =	vadd.f32 v6, v3;
	v4 =	vld [tilespmem:s0+$0x4060]  }
0xe4: {  	s4 =	sor.u32 s15, s4;
	v6 =	vld [tilespmem:s0+$0xC060]  }
0xe5: {  	v10 =	vld [tilespmem:s4+$0x4070];
	[tilespmem:s0+$0x4030] =	vst v3;
	v3 =	vadd.f32 v9, v5  }
0xe6: {  	v5 =	vld [tilespmem:s4+$0xC070]  }
0xe7: {  	v9 =	vld [tilespmem:s4+$0x4000];
	[tilespmem:s0+$0x4040] =	vst v3;
	v3 =	vadd.f32 v8, v7  }
0xe8: {  	v8 =	vld [tilespmem:s4+$0xC000]  }
0xe9: {  	v11 =	vld [tilespmem:s4+$0x4010];
	[tilespmem:s0+$0x4050] =	vst v3;
	v3 =	vadd.f32 v6, v4  }
0xea: {  	v12 =	vld [tilespmem:s4+$0xC010]  }
.Ltmp1:
0xeb: {  	v4 =	vld [tilespmem:s4+$0x4020];
	v5 =	vadd.f32 v5, v10;
	[tilespmem:s0+$0x4060] =	vst v3;
	s0 =	smov.u32 s4;
	(pc) =	sbr.rel @p0 .LBB2_4-.Ltmp1, $4  }
0xec: {  	v7 =	vld [tilespmem:s0+$0xC020]  }
0xed: {  	v8 =	vadd.f32 v8, v9;
	v3 =	vld [tilespmem:s0+$0x4030];
	[tilespmem:s0+$0x4070] =	vst v5  }
0xee: {  	v6 =	vld [tilespmem:s0+$0xC030]  }
0xef: {  	[tilespmem:s0+$0x4000] =	vst v8;
	v8 =	vadd.f32 v12, v11;
	v5 =	vld [tilespmem:s0+$0x4040]  }
0xf0: {  	v9 =	vld [tilespmem:s0+$0xC040]  }
0xf1: {  	v10 =	vld [tilespmem:s0+$0x4050]  }
0xf2: {  	v11 =	vld [tilespmem:s0+$0xC050]  }
0xf3: {  	v12 =	vld [tilespmem:s0+$0x4060]  }
0xf4: {  	v13 =	vld [tilespmem:s0+$0xC060]  }
0xf5: {  	v4 =	vadd.f32 v7, v4  }
0xf6: {  	[tilespmem:s0+$0x4010] =	vst v8;
	v3 =	vadd.f32 v6, v3  }
0xf7: {  	[tilespmem:s0+$0x4020] =	vst v4;
	v4 =	vadd.f32 v9, v5  }
0xf8: {  	[tilespmem:s0+$0x4030] =	vst v3;
	v3 =	vadd.f32 v11, v10  }
0xf9: {  	[tilespmem:s0+$0x4040] =	vst v4;
	v4 =	vadd.f32 v13, v12  }
0xfa: {  	[tilespmem:s0+$0x4050] =	vst v3  }
0xfb: {  	[tilespmem:s0+$0x4060] =	vst v4  }
0xfc: {  	s31 =	simm.s32 $0x0;
	s0 =	rddreg [dreg:$0x5]  }
0xfd: {  	[hbm4b:s0+s31] =	stream.linear.scatter [tilespmem:s14], [sflag:$0x5], $0x4000, $0x38;
	[tilespmem:$0x10100] =	vst v63  }
0xfe: {  	_ =	swait.ge [sflag:s26], $0x4000  }
0xff: {  	[sflag:s26] =	ssyncset.done $0x0  }
0x100: {  	[sflag:s26] =	ssyncadd.s32 $0xFFFFC000  }
0x101: {  	v3 =	vld [tilespmem:$0x10030];
	_ =	sdelay $0x4  }
0x102: {  	v4 =	vshll.u32 v3, $0x3  }
0x103: {  	v3 =	vand.u32 $0x7, v3;
	v4 =	vand.u32 $0xFFFFFFC0, v4  }
0x104: {  	v3 =	vor.u32 v3, v4  }
0x105: {  	v4 =	vperm.xlane v3, v0;
	_ =	sdelay $0x1  }
0x106: {  	v4 =	vadd.s32 v1, v4;
	_ =	sdelay $0x4  }
0x107: {  	[tilespmem:s14], [sflag:$0x2] =	stream.indirect_vreg.gather [hbm4b:s3+s31], $0x80, v4, vm0, $0xb8;
	[tilespmem:$0x10100] =	vst v63  }
0x108: {  	s18 =	simm.s32 $0x4800;
	v3 =	vperm.xlane v3, v2  }
0x109: {  	[tilespmem:s18], [sflag:$0x2] =	stream.indirect_vreg.gather [hbm4b:s5+s31], $0x80, v4, vm0, $0xb8;
	[tilespmem:$0x10100] =	vst v63  }
0x10a: {  	s1 =	simm.s32 $0x5000;
	v3 =	vadd.s32 v1, v3  }
0x10b: {  	[tilespmem:s1], [sflag:$0x2] =	stream.indirect_vreg.gather [hbm4b:s6+s31], $0x80, v4, vm0, $0xb8;
	[tilespmem:$0x10100] =	vst v63  }
0x10c: {  	s4 =	simm.s32 $0x5800  }
0x10d: {  	[tilespmem:s4], [sflag:$0x2] =	stream.indirect_vreg.gather [hbm4b:s9+s31], $0x80, v4, vm0, $0xb8;
	[tilespmem:$0x10100] =	vst v63  }
0x10e: {  	_ = 	snop  }
0x10f: {  	[tilespmem:s8], [sflag:$0x2] =	stream.indirect_vreg.gather [hbm4b:s3+s31], $0x80, v3, vm0, $0xb8;
	[tilespmem:$0x10100] =	vst v63  }
0x110: {  	_ = 	snop  }
0x111: {  	[tilespmem:s19], [sflag:$0x2] =	stream.indirect_vreg.gather [hbm4b:s5+s31], $0x80, v3, vm0, $0xb8;
	[tilespmem:$0x10100] =	vst v63  }
0x112: {  	_ = 	snop  }
0x113: {  	[tilespmem:s20], [sflag:$0x2] =	stream.indirect_vreg.gather [hbm4b:s6+s31], $0x80, v3, vm0, $0xb8;
	[tilespmem:$0x10100] =	vst v63  }
0x114: {  	_ = 	snop  }
0x115: {  	[tilespmem:s10], [sflag:$0x2] =	stream.indirect_vreg.gather [hbm4b:s9+s31], $0x80, v3, vm0, $0xb8;
	[tilespmem:$0x10100] =	vst v63  }
0x116: {  	v3 =	vld [tilespmem:$0x100B0];
	_ =	sdelay $0x4  }
0x117: {  	v4 =	vshll.u32 v3, $0x3  }
0x118: {  	v3 =	vand.u32 $0x7, v3;
	v4 =	vand.u32 $0xFFFFFFC0, v4  }
0x119: {  	v3 =	vor.u32 v3, v4  }
0x11a: {  	v4 =	vperm.xlane v3, v0;
	_ =	sdelay $0x1  }
0x11b: {  	v4 =	vadd.s32 v1, v4;
	_ =	sdelay $0x4  }
0x11c: {  	[tilespmem:s21], [sflag:$0x4] =	stream.indirect_vreg.gather [hbm4b:s3+s31], $0x80, v4, vm0, $0xb8;
	[tilespmem:$0x10100] =	vst v63  }
0x11d: {  	v3 =	vperm.xlane v3, v2  }
0x11e: {  	[tilespmem:s11], [sflag:$0x4] =	stream.indirect_vreg.gather [hbm4b:s5+s31], $0x80, v4, vm0, $0xb8;
	[tilespmem:$0x10100] =	vst v63  }
0x11f: {  	v3 =	vadd.s32 v1, v3  }
0x120: {  	[tilespmem:s22], [sflag:$0x4] =	stream.indirect_vreg.gather [hbm4b:s6+s31], $0x80, v4, vm0, $0xb8;
	[tilespmem:$0x10100] =	vst v63  }
0x121: {  	_ = 	snop  }
0x122: {  	[tilespmem:s12], [sflag:$0x4] =	stream.indirect_vreg.gather [hbm4b:s9+s31], $0x80, v4, vm0, $0xb8;
	[tilespmem:$0x10100] =	vst v63  }
0x123: {  	_ = 	snop  }
0x124: {  	[tilespmem:s23], [sflag:$0x4] =	stream.indirect_vreg.gather [hbm4b:s3+s31], $0x80, v3, vm0, $0xb8;
	[tilespmem:$0x10100] =	vst v63  }
0x125: {  	_ = 	snop  }
0x126: {  	[tilespmem:s13], [sflag:$0x4] =	stream.indirect_vreg.gather [hbm4b:s5+s31], $0x80, v3, vm0, $0xb8;
	[tilespmem:$0x10100] =	vst v63  }
0x127: {  	_ = 	snop  }
0x128: {  	[tilespmem:s24], [sflag:$0x4] =	stream.indirect_vreg.gather [hbm4b:s6+s31], $0x80, v3, vm0, $0xb8;
	[tilespmem:$0x10100] =	vst v63  }
0x129: {  	_ = 	snop  }
0x12a: {  	[tilespmem:s25], [sflag:$0x4] =	stream.indirect_vreg.gather [hbm4b:s9+s31], $0x80, v3, vm0, $0xb8;
	[tilespmem:$0x10100] =	vst v63  }
0x12b: {  	_ =	swait.ge [sflag:s16], $0x4000  }
0x12c: {  	s15 =	simm.s32 $0x0;
	[sflag:s16] =	ssyncset.done $0x0  }
0x12d: {  	s0 =	sand.u32 $0x2000, s15;
	[sflag:s16] =	ssyncadd.s32 $0xFFFFC000  }
0x12e: {  	s1 =	sand.u32 $0x1C00, s31;
	s4 =	simm.s32 $0x0;
	_ =	swait.ge [sflag:s17], $0x4000  }
0x12f: {  	s0 =	sor.u32 s1, s0;
	s18 =	sand.u32 $0x380, s4;
	[sflag:s17] =	ssyncset.done $0x0  }
0x130: {  	s0 =	sor.u32 s18, s0;
	[sflag:s17] =	ssyncadd.s32 $0xFFFFC000  }
0x131: {  	v3 =	vld [tilespmem:s0+$0x70]  }
0x132: {  	v5 =	vld [tilespmem:s0+$0x8070]  }
0x133: {  	v6 =	vld [tilespmem:s0+$0x0]  }
0x134: {  	v8 =	vld [tilespmem:s0+$0x8000]  }
0x135: {  	v9 =	vld [tilespmem:s0+$0x10]  }
0x136: {  	v10 =	vld [tilespmem:s0+$0x8010]  }
0x137: {  	v4 =	vld [tilespmem:s0+$0x20]  }
0x138: {  	v7 =	vld [tilespmem:s0+$0x8020];
	v5 =	vadd.f32 v5, v3  }
0x139: {  	v8 =	vadd.f32 v8, v6;
	v3 =	vld [tilespmem:s0+$0x30]  }
0x13a: {  	v6 =	vld [tilespmem:s0+$0x8030];
	[tilespmem:s0+$0x70] =	vst v5  }
0x13b: {  	s1 =	simm.s32 $0x0;
	[tilespmem:s0+$0x0] =	vst v8;
	v8 =	vadd.f32 v10, v9;
	v5 =	vld [tilespmem:s0+$0x40]  }
.LBB2_6:
0x13c: {  	s1 =	sadd.s32 $0x8, s1;
	v9 =	vld [tilespmem:s0+$0x8040]  }
0x13d: {  	s31 =	sadd.s32 $0x400, s31;
	s4 =	sshll.u32 s1, $0x4;
	p0 =	slt.u32 s1, $0x3F8;
	[tilespmem:s0+$0x10] =	vst v8;
	v4 =	vadd.f32 v7, v4;
	v7 =	vld [tilespmem:s0+$0x50]  }
0x13e: {  	s15 =	sand.u32 $0x1C00, s31;
	s18 =	sshll.u32 s1, $0x1;
	s4 =	sand.u32 $0x2000, s4;
	v8 =	vld [tilespmem:s0+$0x8050]  }
0x13f: {  	s4 =	sor.u32 s15, s4;
	s15 =	sand.u32 $0x380, s18;
	[tilespmem:s0+$0x20] =	vst v4;
	v3 =	vadd.f32 v6, v3;
	v4 =	vld [tilespmem:s0+$0x60]  }
0x140: {  	s4 =	sor.u32 s15, s4;
	v6 =	vld [tilespmem:s0+$0x8060]  }
0x141: {  	v10 =	vld [tilespmem:s4+$0x70];
	[tilespmem:s0+$0x30] =	vst v3;
	v3 =	vadd.f32 v9, v5  }
0x142: {  	v5 =	vld [tilespmem:s4+$0x8070]  }
0x143: {  	v9 =	vld [tilespmem:s4+$0x0];
	[tilespmem:s0+$0x40] =	vst v3;
	v3 =	vadd.f32 v8, v7  }
0x144: {  	v8 =	vld [tilespmem:s4+$0x8000]  }
0x145: {  	v11 =	vld [tilespmem:s4+$0x10];
	[tilespmem:s0+$0x50] =	vst v3;
	v3 =	vadd.f32 v6, v4  }
0x146: {  	v12 =	vld [tilespmem:s4+$0x8010]  }
.Ltmp2:
0x147: {  	v4 =	vld [tilespmem:s4+$0x20];
	v5 =	vadd.f32 v5, v10;
	[tilespmem:s0+$0x60] =	vst v3;
	s0 =	smov.u32 s4;
	(pc) =	sbr.rel @p0 .LBB2_6-.Ltmp2, $4  }
0x148: {  	v7 =	vld [tilespmem:s0+$0x8020]  }
0x149: {  	v8 =	vadd.f32 v8, v9;
	v3 =	vld [tilespmem:s0+$0x30];
	[tilespmem:s0+$0x70] =	vst v5  }
0x14a: {  	v6 =	vld [tilespmem:s0+$0x8030]  }
0x14b: {  	[tilespmem:s0+$0x0] =	vst v8;
	v8 =	vadd.f32 v12, v11;
	v5 =	vld [tilespmem:s0+$0x40]  }
0x14c: {  	v9 =	vld [tilespmem:s0+$0x8040]  }
0x14d: {  	v10 =	vld [tilespmem:s0+$0x50]  }
0x14e: {  	v11 =	vld [tilespmem:s0+$0x8050]  }
0x14f: {  	v12 =	vld [tilespmem:s0+$0x60]  }
0x150: {  	v13 =	vld [tilespmem:s0+$0x8060]  }
0x151: {  	v4 =	vadd.f32 v7, v4  }
0x152: {  	[tilespmem:s0+$0x10] =	vst v8;
	v3 =	vadd.f32 v6, v3  }
0x153: {  	[tilespmem:s0+$0x20] =	vst v4;
	v4 =	vadd.f32 v9, v5  }
0x154: {  	[tilespmem:s0+$0x30] =	vst v3;
	v3 =	vadd.f32 v11, v10  }
0x155: {  	[tilespmem:s0+$0x40] =	vst v4;
	v4 =	vadd.f32 v13, v12  }
0x156: {  	[tilespmem:s0+$0x50] =	vst v3  }
0x157: {  	[tilespmem:s0+$0x60] =	vst v4  }
0x158: {  	s31 =	simm.s32 $0x0;
	s0 =	rddreg [dreg:$0x6]  }
0x159: {  	[hbm4b:s0+s31] =	stream.linear.scatter [tilespmem:s31], [sflag:$0x5], $0x4000, $0x38;
	[tilespmem:$0x10100] =	vst v63  }
0x15a: {  	_ =	swait.ge [sflag:s26], $0x4000  }
0x15b: {  	[sflag:s26] =	ssyncset.done $0x0  }
0x15c: {  	[sflag:s26] =	ssyncadd.s32 $0xFFFFC000  }
0x15d: {  	_ =	swait.ge [sflag:s28], $0x4000  }
0x15e: {  	[sflag:s28] =	ssyncset.done $0x0  }
0x15f: {  	s15 =	simm.s32 $0x0;
	s4 =	simm.s32 $0x0;
	[sflag:s28] =	ssyncadd.s32 $0xFFFFC000  }
0x160: {  	s1 =	sand.u32 $0x1C00, s31;
	s0 =	sand.u32 $0x2000, s15;
	_ =	swait.ge [sflag:s29], $0x4000  }
0x161: {  	s18 =	sand.u32 $0x380, s4;
	s0 =	sor.u32 s1, s0;
	[sflag:s29] =	ssyncset.done $0x0  }
0x162: {  	s0 =	sor.u32 s18, s0;
	[sflag:s29] =	ssyncadd.s32 $0xFFFFC000  }
0x163: {  	v3 =	vld [tilespmem:s0+$0x4070]  }
0x164: {  	v5 =	vld [tilespmem:s0+$0xC070]  }
0x165: {  	v6 =	vld [tilespmem:s0+$0x4000]  }
0x166: {  	v8 =	vld [tilespmem:s0+$0xC000]  }
0x167: {  	v9 =	vld [tilespmem:s0+$0x4010]  }
0x168: {  	v10 =	vld [tilespmem:s0+$0xC010]  }
0x169: {  	v4 =	vld [tilespmem:s0+$0x4020]  }
0x16a: {  	v7 =	vld [tilespmem:s0+$0xC020];
	v5 =	vadd.f32 v5, v3  }
0x16b: {  	v8 =	vadd.f32 v8, v6;
	v3 =	vld [tilespmem:s0+$0x4030]  }
0x16c: {  	v6 =	vld [tilespmem:s0+$0xC030];
	[tilespmem:s0+$0x4070] =	vst v5  }
0x16d: {  	s1 =	simm.s32 $0x0;
	[tilespmem:s0+$0x4000] =	vst v8;
	v8 =	vadd.f32 v10, v9;
	v5 =	vld [tilespmem:s0+$0x4040]  }
.LBB2_8:
0x16e: {  	s1 =	sadd.s32 $0x8, s1;
	v9 =	vld [tilespmem:s0+$0xC040]  }
0x16f: {  	s31 =	sadd.s32 $0x400, s31;
	s4 =	sshll.u32 s1, $0x4;
	p0 =	slt.u32 s1, $0x3F8;
	[tilespmem:s0+$0x4010] =	vst v8;
	v4 =	vadd.f32 v7, v4;
	v7 =	vld [tilespmem:s0+$0x4050]  }
0x170: {  	s15 =	sand.u32 $0x1C00, s31;
	s18 =	sshll.u32 s1, $0x1;
	s4 =	sand.u32 $0x2000, s4;
	v8 =	vld [tilespmem:s0+$0xC050]  }
0x171: {  	s4 =	sor.u32 s15, s4;
	s15 =	sand.u32 $0x380, s18;
	[tilespmem:s0+$0x4020] =	vst v4;
	v3 =	vadd.f32 v6, v3;
	v4 =	vld [tilespmem:s0+$0x4060]  }
0x172: {  	s4 =	sor.u32 s15, s4;
	v6 =	vld [tilespmem:s0+$0xC060]  }
0x173: {  	v10 =	vld [tilespmem:s4+$0x4070];
	[tilespmem:s0+$0x4030] =	vst v3;
	v3 =	vadd.f32 v9, v5  }
0x174: {  	v5 =	vld [tilespmem:s4+$0xC070]  }
0x175: {  	v9 =	vld [tilespmem:s4+$0x4000];
	[tilespmem:s0+$0x4040] =	vst v3;
	v3 =	vadd.f32 v8, v7  }
0x176: {  	v8 =	vld [tilespmem:s4+$0xC000]  }
0x177: {  	v11 =	vld [tilespmem:s4+$0x4010];
	[tilespmem:s0+$0x4050] =	vst v3;
	v3 =	vadd.f32 v6, v4  }
0x178: {  	v12 =	vld [tilespmem:s4+$0xC010]  }
.Ltmp3:
0x179: {  	v4 =	vld [tilespmem:s4+$0x4020];
	v5 =	vadd.f32 v5, v10;
	[tilespmem:s0+$0x4060] =	vst v3;
	s0 =	smov.u32 s4;
	(pc) =	sbr.rel @p0 .LBB2_8-.Ltmp3, $4  }
0x17a: {  	v7 =	vld [tilespmem:s0+$0xC020]  }
0x17b: {  	v8 =	vadd.f32 v8, v9;
	v3 =	vld [tilespmem:s0+$0x4030];
	[tilespmem:s0+$0x4070] =	vst v5  }
0x17c: {  	v6 =	vld [tilespmem:s0+$0xC030]  }
0x17d: {  	[tilespmem:s0+$0x4000] =	vst v8;
	v8 =	vadd.f32 v12, v11;
	v5 =	vld [tilespmem:s0+$0x4040]  }
0x17e: {  	v9 =	vld [tilespmem:s0+$0xC040]  }
0x17f: {  	v10 =	vld [tilespmem:s0+$0x4050]  }
0x180: {  	v11 =	vld [tilespmem:s0+$0xC050]  }
0x181: {  	v12 =	vld [tilespmem:s0+$0x4060]  }
0x182: {  	v13 =	vld [tilespmem:s0+$0xC060]  }
0x183: {  	v4 =	vadd.f32 v7, v4  }
0x184: {  	[tilespmem:s0+$0x4010] =	vst v8;
	v3 =	vadd.f32 v6, v3  }
0x185: {  	[tilespmem:s0+$0x4020] =	vst v4;
	v62 =	vadd.f32 v9, v5  }
0x186: {  	[tilespmem:s0+$0x4030] =	vst v3;
	v3 =	vadd.f32 v11, v10  }
0x187: {  	v63 =	vadd.f32 v13, v12;
	[tilespmem:s0+$0x4040] =	vst v62  }
0x188: {  	[tilespmem:s0+$0x4050] =	vst v3  }
0x189: {  	[tilespmem:s0+$0x4060] =	vst v63  }
0x18a: {  	s0 =	rddreg [dreg:$0x7]  }
0x18b: {  	[hbm4b:s0+s2] =	stream.linear.scatter [tilespmem:s14], [sflag:$0x5], $0x4000, $0x38;
	[tilespmem:$0x10100] =	vst v63  }
0x18c: {  	_ =	swait.ge [sflag:s26], $0x4000  }
0x18d: {  	s30 =	sadd.s32 $0x1, s30;
	s31 =	rddreg [dreg:$0x8]  }
0x18e: {  	p0 =	sne.s32 s30, s31  }
.Ltmp4:
0x18f: {  	_ = 	snop;
	(pc) =	sbr.rel @p0 .LBB2_1-.Ltmp4, $3  }
0x190: {  	_ =	sdelay $0x1  }
0x191: {  	[sflag:s26] =	ssyncset.done $0x0  }
0x192: {  	[sflag:s26] =	ssyncadd.s32 $0xFFFFC000  }
0x193: {  	_ =	sfence.sel $0x180000  }
0x194: {  	[bflag:$0x0] =	sbarrier.arrive $0xFFFF  }
0x195: {  	_ =	strace $0x9000004A  }
0x196: {  	s0 =	stileid.u32;
	[bflag:$0x2] =	sbarrier.arrive $0xFFFF  }
0x197: {  	p0 =	sne.s32 s0, $0x0;
	s0 =	rddreg [dreg:$0x2]  }
0x198: {  	s0 =	sadd.s32 @!p0 $0x100000, s0  }
0x199: {  	[sflag:s0] =	ssyncadd.tile.s32 @!p0 $0x1;
	_ =	shalt  }
.Lfunc_end2:
_tile_overlayer_lowered:
.L_overlay_start_2:
0x19a: {  	(tag) =	ssettag $0x2  }
0x19b: {  	s0 =	rddreg [dreg:$0x0];
	s2 =	stileid.u32  }
0x19c: {  	s1 =	rddreg [dreg:$0x1];
	p0 =	sne.s32 s2, $0x0  }
0x19d: {  	s3 =	rddreg [dreg:$0x2];
	[bflag:$0x3] =	sbarrier.arrive $0xFFFF;
	s2 =	simm.s32 @!p0 $0x1C06  }
0x19e: {  	[timem:s3], [sflag:s2] =	dma.local @!p0 [hbm:s0], s1  }
0x19f: {  	s0 =	simm.s32 @!p0 $0x6  }
0x1a0: {  	_ =	swait.ge @!p0 [sflag:s0], s1  }
0x1a1: {  	s1 =	ssub.s32 @!p0 $0x0, s1;
	[sflag:s0] =	ssyncset.done @!p0 $0x0  }
0x1a2: {  	[sflag:s0] =	ssyncadd.s32 @!p0 s1  }
0x1a3: {  	[bflag:$0x3] =	sbarrier.arrive $0xFFFF  }
0x1a4: {  	_ =	shalt  }

</sc_bundles>
